<compile_context>
chip_gen: v7x
topology: tpu7x:2x2x1
jax: 0.10.2.dev20260603
libtpu: 0.0.44.dev20260713+nightly
codegen_flags: <defaults>
</compile_context>

<pallas_src>
import functools

import jax
import jax.numpy as jnp
from jax import lax
from jax.experimental import pallas as pl
from jax.experimental.pallas import tpu as pltpu
from jax.experimental.pallas import tpu_sc as plsc

N = 10000
E = 320000
D = 128
P = 5

SENT = 2_000_000_000
RCELLS = 12800
CTOT = 4 * RCELLS
RALLOC = RCELLS + 16
E_PAD = 327680
CPT = E_PAD // 16
G = 2048
NG = CPT // G
NCHUNK = G // 128
ZROWS = 128


def _sc_agg_body(keys_hbm, emb_hbm, pf_hbm, cnt_hbm,
                 st, colv, idxv, valv, rowsv, zcnt, cbuf, pfacc, cntacc, sem):
    c = lax.axis_index("c")
    s = lax.axis_index("s")
    zv = jnp.zeros((16,), jnp.float32)

    def _zrow(r, _):
        for v in range(8):
            rowsv[r, pl.ds(v * 16, 16)] = zv
        return 0
    lax.fori_loop(0, 128, _zrow, 0)
    for v in range(800 // 16):
        zcnt[pl.ds(v * 16, 16)] = zv

    lanes = lax.broadcasted_iota(jnp.int32, (16,), 0)
    base = s * 800

    for p2 in range(2):
        lo = (2 * p2 + c) * RCELLS

        for k in range(6):
            pltpu.sync_copy(rowsv, pfacc.at[pl.ds(base + k * 128, 128)])
        pltpu.sync_copy(rowsv.at[pl.ds(0, 32)],
                        pfacc.at[pl.ds(base + 768, 32)])
        pltpu.sync_copy(zcnt, cntacc.at[pl.ds(base, 800)])
        plsc.subcore_barrier()

        def _group(g, _):
            pltpu.sync_copy(keys_hbm.at[pl.ds(s * CPT + g * G, G)], st)
            _inner(g)
            return 0

        def _chunk(j, _):
            off = j * 128
            for v in range(8):
                k = st[pl.ds(off + v * 16, 16)]
                cell = lax.shift_right_logical(k, 14)
                col = lax.bitwise_and(k, 16383)
                act = (cell >= lo) & (cell < lo + RCELLS)
                tgt = jnp.where(act, cell - lo, RCELLS + s)
                cole = jnp.where(act, col, N + v * 16 + lanes)
                val = jnp.where(act, 1.0, 0.0)
                idxv[pl.ds(v * 16, 16)] = tgt
                colv[pl.ds(v * 16, 16)] = cole
                valv[pl.ds(v * 16, 16)] = val
            pltpu.async_copy(emb_hbm.at[colv], rowsv, sem).wait()
            pltpu.sync_copy(rowsv, pfacc.at[idxv], add=True)
            pltpu.sync_copy(valv, cntacc.at[idxv], add=True)
            return 0

        def _inner(g):
            lax.fori_loop(0, NCHUNK, _chunk, 0)

        lax.fori_loop(0, NG, _group, 0)
        plsc.subcore_barrier()

        for k in range(6):
            pltpu.sync_copy(pfacc.at[pl.ds(base + k * 128, 128)], rowsv)
            pltpu.sync_copy(rowsv, pf_hbm.at[pl.ds(lo + base + k * 128, 128)])
        pltpu.sync_copy(pfacc.at[pl.ds(base + 768, 32)],
                        rowsv.at[pl.ds(0, 32)])
        pltpu.sync_copy(rowsv.at[pl.ds(0, 32)],
                        pf_hbm.at[pl.ds(lo + base + 768, 32)])
        pltpu.sync_copy(cntacc.at[pl.ds(base, 800)], cbuf)
        pltpu.sync_copy(cbuf, cnt_hbm.at[pl.ds(lo + base, 800)])
        lax.fori_loop(0, 128, _zrow, 0)


def _make_sc_agg():
    mesh = plsc.VectorSubcoreMesh(core_axis_name="c", subcore_axis_name="s")
    return pl.kernel(
        _sc_agg_body,
        out_type=(
            jax.ShapeDtypeStruct((CTOT, D), jnp.float32),
            jax.ShapeDtypeStruct((CTOT,), jnp.float32),
        ),
        mesh=mesh,
        scratch_types=[
            pltpu.VMEM((G,), jnp.int32),
            pltpu.VMEM((128,), jnp.int32),
            pltpu.VMEM((128,), jnp.int32),
            pltpu.VMEM((128,), jnp.float32),
            pltpu.VMEM((128, D), jnp.float32),
            pltpu.VMEM((800,), jnp.float32),
            pltpu.VMEM((800,), jnp.float32),
            pltpu.VMEM_SHARED((RALLOC, D), jnp.float32),
            pltpu.VMEM_SHARED((RALLOC,), jnp.float32),
            pltpu.SemaphoreType.DMA,
        ],
    )


def _tc_attn_body(pf0, pf1, pf2, pf3, pf4, c0, c1, c2, c3, c4,
                  w1, b1, w2, b2, out):
    pfs = (pf0, pf1, pf2, pf3, pf4)
    cnts = (c0, c1, c2, c3, c4)
    hs, scores = [], []
    for p in range(P):
        sums = pfs[p][...]
        cc = cnts[p][0, 0, :]
        h = jnp.where(cc[:, None] > 0.0,
                      sums / jnp.maximum(cc, 1.0)[:, None], 0.0)
        hid = jnp.tanh(jnp.dot(h, w1[...],
                               preferred_element_type=jnp.float32) + b1[...])
        sc = jnp.dot(hid, w2[...],
                     preferred_element_type=jnp.float32) + b2[...]
        hs.append(h)
        scores.append(sc)
    m = scores[0]
    for p in range(1, P):
        m = jnp.maximum(m, scores[p])
    es = [jnp.exp(scores[p] - m) for p in range(P)]
    denom = es[0]
    for p in range(1, P):
        denom = denom + es[p]
    acc = es[0] / denom * hs[0]
    for p in range(1, P):
        acc = acc + es[p] / denom * hs[p]
    out[...] = acc


def _tc_attn(pf, cnt5, w1, b1, w2, b2):
    grid = (10,)
    blk = pl.BlockSpec((1000, D), lambda i: (i, 0))
    full = lambda shape: pl.BlockSpec(shape, lambda i: tuple(0 for _ in shape))
    in_specs = [pl.BlockSpec((1000, D), functools.partial(
        lambda i, p: (p * 10 + i, 0), p=p)) for p in range(P)]
    in_specs += [pl.BlockSpec((1, 1, 1000), functools.partial(
        lambda i, p: (p * 10 + i, 0, 0), p=p)) for p in range(P)]
    in_specs += [full((D, D // 2)), full((1, D // 2)),
                 full((D // 2, 1)), full((1, 1))]
    cnt3 = cnt5.reshape(P * 10, 1, 1000)
    return pl.pallas_call(
        _tc_attn_body,
        grid=grid,
        in_specs=in_specs,
        out_specs=blk,
        out_shape=jax.ShapeDtypeStruct((N, D), jnp.float32),
    )(pf, pf, pf, pf, pf, cnt3, cnt3, cnt3, cnt3, cnt3, w1, b1, w2, b2)


def kernel(entity_embeds, W1, b1, W2, b2, node_degrees, edge_index, edge_type):
    row = edge_index[0]
    col = edge_index[1]
    et = edge_type
    valid = et < P
    key = jnp.where(valid,
                    lax.shift_left(et * N + row, 14) | col,
                    SENT).astype(jnp.int32)
    keys = jnp.sort(key)
    first = jnp.concatenate(
        [jnp.ones((1,), bool), keys[1:] != keys[:-1]])
    keysc = jnp.where(first, keys, SENT)
    keys_p = jnp.concatenate(
        [keysc, jnp.full((E_PAD - E,), SENT, jnp.int32)])
    embz = jnp.concatenate(
        [entity_embeds, jnp.zeros((ZROWS, D), jnp.float32)], axis=0)

    pf, cnt = _make_sc_agg()(keys_p, embz)
    cnt5 = cnt[:P * N].reshape(P, N)
    return _tc_attn(pf, cnt5, W1, b1.reshape(1, -1), W2, b2.reshape(1, 1))

# --- scband reference (transcript-rebuilt; emitter-appended) ---
"""Pipeline reference for scband-path-guided-aggregator-3770981286091 (READ-ONLY COPY).

The authoritative reference and input builder live on the scoring server;
editing this copy changes nothing except your own understanding.
"""

import jax, jax.numpy as jnp
import numpy as np

N = 10000
E = 320000
D = 128
NUM_REL = 4
PATH_RELS = [0, 1, 2, 3, 4]  # top-5 frequent paths, each a length-1 relation path


def _path_structures(edge_index, edge_type):
    # For each frequent path (single relation r): select edges of type r,
    # coalesce duplicates (torch.sparse coalesce semantics, values reset to 1),
    # then row-normalize by out-edge count (clamp min=1).
    structs = []
    sentinel = N * N
    for r in PATH_RELS:
        mask = edge_type == r
        lin = edge_index[0] * N + edge_index[1]
        lin = jnp.where(mask, lin, sentinel)
        lin = jnp.sort(lin)  # coalesce: sorted codes, sentinels at the end
        valid = lin < sentinel
        first = jnp.concatenate(
            [jnp.ones((1,), dtype=bool), lin[1:] != lin[:-1]]
        )
        keep = first & valid
        row_u = jnp.where(keep, lin // N, 0)
        col_u = jnp.where(keep, lin % N, 0)
        w = keep.astype(jnp.float32)
        cnt = jnp.zeros((N,), jnp.float32).at[row_u].add(w)
        cnt = jnp.maximum(cnt, 1.0)
        norm = w / cnt[row_u]
        structs.append((row_u, col_u, norm))
    return structs


def setup_inputs(seed: int = 0):
    key = jax.random.key(seed)
    ks = jax.random.split(key, 6)
    entity_embeds = jax.random.normal(ks[0], (N, D), dtype=jnp.float32)
    node_degrees = jax.random.randint(ks[1], (N,), 0, 64)
    edge_index = jax.random.randint(ks[2], (2, E), 0, N)
    edge_type = jax.random.randint(ks[3], (E,), 0, 2 * NUM_REL)
    # path_attention: Linear(D, D//2) -> Tanh -> Linear(D//2, 1)
    W1 = jax.random.normal(ks[4], (D, D // 2), dtype=jnp.float32) / np.sqrt(D)
    b1 = jnp.zeros((D // 2,), jnp.float32)
    W2 = jax.random.normal(ks[5], (D // 2, 1), dtype=jnp.float32) / np.sqrt(D // 2)
    b2 = jnp.zeros((1,), jnp.float32)
    return {"entity_embeds": entity_embeds, "W1": W1, "b1": b1, "W2": W2, "b2": b2,
            "node_degrees": node_degrees, "edge_index": edge_index, "edge_type": edge_type}


def reference(entity_embeds, W1, b1, W2, b2, node_degrees, edge_index, edge_type):
    structs = _path_structures(edge_index, edge_type)
    feats = []
    for row_u, col_u, norm in structs:
        # h_path = norm_path_mat @ entity_embeds  (gather + scatter-add)
        msgs = entity_embeds[col_u] * norm[:, None]
        h = jnp.zeros((N, D), jnp.float32).at[row_u].add(msgs)
        feats.append(h)
    pf = jnp.stack(feats, axis=1)  # [N, P, D]
    hidden = jnp.tanh(pf @ W1 + b1)
    scores = hidden @ W2 + b2  # [N, P, 1]
    attn = jax.nn.softmax(scores, axis=1)
    remote = jnp.sum(attn * pf, axis=1)  # [N, D]
    return remote

if __name__ == "__main__":
    import jax
    _d = setup_inputs()
    print(jax.jit(kernel)(*tuple(_d.values())))

</pallas_src>

<mosaic_0001>
#map = affine_map<(d0, d1) -> (0)>
#map1 = affine_map<(d0, d1) -> (0, 0)>
module attributes {stable_mosaic.version = 14 : i64} {
  func.func @_sc_agg_body(%arg0: i32, %arg1: i32, %arg2: memref<327680xi32, #tpu.memory_space<hbm>>, %arg3: memref<10128x128xf32, #tpu.memory_space<hbm>>, %arg4: memref<51200x128xf32, #tpu.memory_space<hbm>>, %arg5: memref<51200xf32, #tpu.memory_space<hbm>>, %arg6: memref<2048xi32, #tpu.memory_space<vmem>>, %arg7: memref<128xi32, #tpu.memory_space<vmem>>, %arg8: memref<128xi32, #tpu.memory_space<vmem>>, %arg9: memref<128xf32, #tpu.memory_space<vmem>>, %arg10: memref<128x128xf32, #tpu.memory_space<vmem>>, %arg11: memref<800xf32, #tpu.memory_space<vmem>>, %arg12: memref<800xf32, #tpu.memory_space<vmem>>, %arg13: memref<12816x128xf32, #tpu.memory_space<vmem_shared>>, %arg14: memref<12816xf32, #tpu.memory_space<vmem_shared>>, %arg15: memref<!tpu.dma_semaphore, #tpu.memory_space<semaphore_mem>>) attributes {dimension_semantics = [#tpu.dimension_semantics<core_parallel>, #tpu.dimension_semantics<subcore_parallel>], iteration_bounds = array<i64: 2, 16>, scalar_prefetch = 0 : i64, scratch_operands = 10 : i64, tpu.core_type = #tpu.core_type<sc_vector_subcore>, window_params = [{transform_indices = #map}, {transform_indices = #map1}, {transform_indices = #map1}, {transform_indices = #map}]} {
    %broadcast_in_dim3A = arith.constant 0.000000e+00 : f32
    %broadcast_in_dim3A_0 = vector.broadcast %broadcast_in_dim3A : f32 to vector<16xf32>
    %scan3A = arith.constant 0 : i32
    %scan3A_1 = arith.constant 0 : i32
    %scan3A_2 = arith.constant 128 : i32
    %scan3A_3 = arith.addi %scan3A_1, %scan3A_2 : i32
    %scan3A_4 = arith.constant 1 : i32
    %scan3A_5 = scf.for %scan3A_345 = %scan3A_1 to %scan3A_3 step %scan3A_4 iter_args(%scan3A_346 = %scan3A) -> (i32)  : i32 {
      %swap3A_347 = arith.index_cast %scan3A_345 : i32 to index
      %swap3A_348 = arith.constant 0 : index
      %swap3A_349 = tpu.vector_load %arg10[%swap3A_347, %swap3A_348] {strides = array<i32>} : memref<128x128xf32, #tpu.memory_space<vmem>>, vector<1x16xf32>,
      %swap3A_350 = vector.shape_cast %swap3A_349 : vector<1x16xf32> to vector<16xf32>
      %swap3A_351 = vector.shape_cast %broadcast_in_dim3A_0 : vector<16xf32> to vector<1x16xf32>
      tpu.vector_store %arg10[%swap3A_347, %swap3A_348], %swap3A_351 {strides = array<i32>} : memref<128x128xf32, #tpu.memory_space<vmem>>, vector<1x16xf32>,
      %swap3A_352 = arith.index_cast %scan3A_345 : i32 to index
      %swap3A_353 = arith.constant 16 : index
      %swap3A_354 = tpu.vector_load %arg10[%swap3A_352, %swap3A_353] {strides = array<i32>} : memref<128x128xf32, #tpu.memory_space<vmem>>, vector<1x16xf32>,
      %swap3A_355 = vector.shape_cast %swap3A_354 : vector<1x16xf32> to vector<16xf32>
      %swap3A_356 = vector.shape_cast %broadcast_in_dim3A_0 : vector<16xf32> to vector<1x16xf32>
      tpu.vector_store %arg10[%swap3A_352, %swap3A_353], %swap3A_356 {strides = array<i32>} : memref<128x128xf32, #tpu.memory_space<vmem>>, vector<1x16xf32>,
      %swap3A_357 = arith.index_cast %scan3A_345 : i32 to index
      %swap3A_358 = arith.constant 32 : index
      %swap3A_359 = tpu.vector_load %arg10[%swap3A_357, %swap3A_358] {strides = array<i32>} : memref<128x128xf32, #tpu.memory_space<vmem>>, vector<1x16xf32>,
      %swap3A_360 = vector.shape_cast %swap3A_359 : vector<1x16xf32> to vector<16xf32>
      %swap3A_361 = vector.shape_cast %broadcast_in_dim3A_0 : vector<16xf32> to vector<1x16xf32>
      tpu.vector_store %arg10[%swap3A_357, %swap3A_358], %swap3A_361 {strides = array<i32>} : memref<128x128xf32, #tpu.memory_space<vmem>>, vector<1x16xf32>,
      %swap3A_362 = arith.index_cast %scan3A_345 : i32 to index
      %swap3A_363 = arith.constant 48 : index
      %swap3A_364 = tpu.vector_load %arg10[%swap3A_362, %swap3A_363] {strides = array<i32>} : memref<128x128xf32, #tpu.memory_space<vmem>>, vector<1x16xf32>,
      %swap3A_365 = vector.shape_cast %swap3A_364 : vector<1x16xf32> to vector<16xf32>
      %swap3A_366 = vector.shape_cast %broadcast_in_dim3A_0 : vector<16xf32> to vector<1x16xf32>
      tpu.vector_store %arg10[%swap3A_362, %swap3A_363], %swap3A_366 {strides = array<i32>} : memref<128x128xf32, #tpu.memory_space<vmem>>, vector<1x16xf32>,
      %swap3A_367 = arith.index_cast %scan3A_345 : i32 to index
      %swap3A_368 = arith.constant 64 : index
      %swap3A_369 = tpu.vector_load %arg10[%swap3A_367, %swap3A_368] {strides = array<i32>} : memref<128x128xf32, #tpu.memory_space<vmem>>, vector<1x16xf32>,
      %swap3A_370 = vector.shape_cast %swap3A_369 : vector<1x16xf32> to vector<16xf32>
      %swap3A_371 = vector.shape_cast %broadcast_in_dim3A_0 : vector<16xf32> to vector<1x16xf32>
      tpu.vector_store %arg10[%swap3A_367, %swap3A_368], %swap3A_371 {strides = array<i32>} : memref<128x128xf32, #tpu.memory_space<vmem>>, vector<1x16xf32>,
      %swap3A_372 = arith.index_cast %scan3A_345 : i32 to index
      %swap3A_373 = arith.constant 80 : index
      %swap3A_374 = tpu.vector_load %arg10[%swap3A_372, %swap3A_373] {strides = array<i32>} : memref<128x128xf32, #tpu.memory_space<vmem>>, vector<1x16xf32>,
      %swap3A_375 = vector.shape_cast %swap3A_374 : vector<1x16xf32> to vector<16xf32>
      %swap3A_376 = vector.shape_cast %broadcast_in_dim3A_0 : vector<16xf32> to vector<1x16xf32>
      tpu.vector_store %arg10[%swap3A_372, %swap3A_373], %swap3A_376 {strides = array<i32>} : memref<128x128xf32, #tpu.memory_space<vmem>>, vector<1x16xf32>,
      %swap3A_377 = arith.index_cast %scan3A_345 : i32 to index
      %swap3A_378 = arith.constant 96 : index
      %swap3A_379 = tpu.vector_load %arg10[%swap3A_377, %swap3A_378] {strides = array<i32>} : memref<128x128xf32, #tpu.memory_space<vmem>>, vector<1x16xf32>,
      %swap3A_380 = vector.shape_cast %swap3A_379 : vector<1x16xf32> to vector<16xf32>
      %swap3A_381 = vector.shape_cast %broadcast_in_dim3A_0 : vector<16xf32> to vector<1x16xf32>
      tpu.vector_store %arg10[%swap3A_377, %swap3A_378], %swap3A_381 {strides = array<i32>} : memref<128x128xf32, #tpu.memory_space<vmem>>, vector<1x16xf32>,
      %swap3A_382 = arith.index_cast %scan3A_345 : i32 to index
      %swap3A_383 = arith.constant 112 : index
      %swap3A_384 = tpu.vector_load %arg10[%swap3A_382, %swap3A_383] {strides = array<i32>} : memref<128x128xf32, #tpu.memory_space<vmem>>, vector<1x16xf32>,
      %swap3A_385 = vector.shape_cast %swap3A_384 : vector<1x16xf32> to vector<16xf32>
      %swap3A_386 = vector.shape_cast %broadcast_in_dim3A_0 : vector<16xf32> to vector<1x16xf32>
      tpu.vector_store %arg10[%swap3A_382, %swap3A_383], %swap3A_386 {strides = array<i32>} : memref<128x128xf32, #tpu.memory_space<vmem>>, vector<1x16xf32>,
      %scan3A_387 = arith.constant 0 : i32
      scf.yield %scan3A_387 : i32
    }
    %scan3A_6 = arith.constant 128 : i32
    %swap3A = arith.constant 0 : index
    %swap3A_7 = tpu.vector_load %arg11[%swap3A] {strides = array<i32>} : memref<800xf32, #tpu.memory_space<vmem>>, vector<16xf32>,
    %swap3A_8 = vector.shape_cast %swap3A_7 : vector<16xf32> to vector<16xf32>
    %swap3A_9 = vector.shape_cast %broadcast_in_dim3A_0 : vector<16xf32> to vector<16xf32>
    tpu.vector_store %arg11[%swap3A], %swap3A_9 {strides = array<i32>} : memref<800xf32, #tpu.memory_space<vmem>>, vector<16xf32>,
    %swap3A_10 = arith.constant 16 : index
    %swap3A_11 = tpu.vector_load %arg11[%swap3A_10] {strides = array<i32>} : memref<800xf32, #tpu.memory_space<vmem>>, vector<16xf32>,
    %swap3A_12 = vector.shape_cast %swap3A_11 : vector<16xf32> to vector<16xf32>
    %swap3A_13 = vector.shape_cast %broadcast_in_dim3A_0 : vector<16xf32> to vector<16xf32>
    tpu.vector_store %arg11[%swap3A_10], %swap3A_13 {strides = array<i32>} : memref<800xf32, #tpu.memory_space<vmem>>, vector<16xf32>,
    %swap3A_14 = arith.constant 32 : index
    %swap3A_15 = tpu.vector_load %arg11[%swap3A_14] {strides = array<i32>} : memref<800xf32, #tpu.memory_space<vmem>>, vector<16xf32>,
    %swap3A_16 = vector.shape_cast %swap3A_15 : vector<16xf32> to vector<16xf32>
    %swap3A_17 = vector.shape_cast %broadcast_in_dim3A_0 : vector<16xf32> to vector<16xf32>
    tpu.vector_store %arg11[%swap3A_14], %swap3A_17 {strides = array<i32>} : memref<800xf32, #tpu.memory_space<vmem>>, vector<16xf32>,
    %swap3A_18 = arith.constant 48 : index
    %swap3A_19 = tpu.vector_load %arg11[%swap3A_18] {strides = array<i32>} : memref<800xf32, #tpu.memory_space<vmem>>, vector<16xf32>,
    %swap3A_20 = vector.shape_cast %swap3A_19 : vector<16xf32> to vector<16xf32>
    %swap3A_21 = vector.shape_cast %broadcast_in_dim3A_0 : vector<16xf32> to vector<16xf32>
    tpu.vector_store %arg11[%swap3A_18], %swap3A_21 {strides = array<i32>} : memref<800xf32, #tpu.memory_space<vmem>>, vector<16xf32>,
    %swap3A_22 = arith.constant 64 : index
    %swap3A_23 = tpu.vector_load %arg11[%swap3A_22] {strides = array<i32>} : memref<800xf32, #tpu.memory_space<vmem>>, vector<16xf32>,
    %swap3A_24 = vector.shape_cast %swap3A_23 : vector<16xf32> to vector<16xf32>
    %swap3A_25 = vector.shape_cast %broadcast_in_dim3A_0 : vector<16xf32> to vector<16xf32>
    tpu.vector_store %arg11[%swap3A_22], %swap3A_25 {strides = array<i32>} : memref<800xf32, #tpu.memory_space<vmem>>, vector<16xf32>,
    %swap3A_26 = arith.constant 80 : index
    %swap3A_27 = tpu.vector_load %arg11[%swap3A_26] {strides = array<i32>} : memref<800xf32, #tpu.memory_space<vmem>>, vector<16xf32>,
    %swap3A_28 = vector.shape_cast %swap3A_27 : vector<16xf32> to vector<16xf32>
    %swap3A_29 = vector.shape_cast %broadcast_in_dim3A_0 : vector<16xf32> to vector<16xf32>
    tpu.vector_store %arg11[%swap3A_26], %swap3A_29 {strides = array<i32>} : memref<800xf32, #tpu.memory_space<vmem>>, vector<16xf32>,
    %swap3A_30 = arith.constant 96 : index
    %swap3A_31 = tpu.vector_load %arg11[%swap3A_30] {strides = array<i32>} : memref<800xf32, #tpu.memory_space<vmem>>, vector<16xf32>,
    %swap3A_32 = vector.shape_cast %swap3A_31 : vector<16xf32> to vector<16xf32>
    %swap3A_33 = vector.shape_cast %broadcast_in_dim3A_0 : vector<16xf32> to vector<16xf32>
    tpu.vector_store %arg11[%swap3A_30], %swap3A_33 {strides = array<i32>} : memref<800xf32, #tpu.memory_space<vmem>>, vector<16xf32>,
    %swap3A_34 = arith.constant 112 : index
    %swap3A_35 = tpu.vector_load %arg11[%swap3A_34] {strides = array<i32>} : memref<800xf32, #tpu.memory_space<vmem>>, vector<16xf32>,
    %swap3A_36 = vector.shape_cast %swap3A_35 : vector<16xf32> to vector<16xf32>
    %swap3A_37 = vector.shape_cast %broadcast_in_dim3A_0 : vector<16xf32> to vector<16xf32>
    tpu.vector_store %arg11[%swap3A_34], %swap3A_37 {strides = array<i32>} : memref<800xf32, #tpu.memory_space<vmem>>, vector<16xf32>,
    %swap3A_38 = arith.constant 128 : index
    %swap3A_39 = tpu.vector_load %arg11[%swap3A_38] {strides = array<i32>} : memref<800xf32, #tpu.memory_space<vmem>>, vector<16xf32>,
    %swap3A_40 = vector.shape_cast %swap3A_39 : vector<16xf32> to vector<16xf32>
    %swap3A_41 = vector.shape_cast %broadcast_in_dim3A_0 : vector<16xf32> to vector<16xf32>
    tpu.vector_store %arg11[%swap3A_38], %swap3A_41 {strides = array<i32>} : memref<800xf32, #tpu.memory_space<vmem>>, vector<16xf32>,
    %swap3A_42 = arith.constant 144 : index
    %swap3A_43 = tpu.vector_load %arg11[%swap3A_42] {strides = array<i32>} : memref<800xf32, #tpu.memory_space<vmem>>, vector<16xf32>,
    %swap3A_44 = vector.shape_cast %swap3A_43 : vector<16xf32> to vector<16xf32>
    %swap3A_45 = vector.shape_cast %broadcast_in_dim3A_0 : vector<16xf32> to vector<16xf32>
    tpu.vector_store %arg11[%swap3A_42], %swap3A_45 {strides = array<i32>} : memref<800xf32, #tpu.memory_space<vmem>>, vector<16xf32>,
    %swap3A_46 = arith.constant 160 : index
    %swap3A_47 = tpu.vector_load %arg11[%swap3A_46] {strides = array<i32>} : memref<800xf32, #tpu.memory_space<vmem>>, vector<16xf32>,
    %swap3A_48 = vector.shape_cast %swap3A_47 : vector<16xf32> to vector<16xf32>
    %swap3A_49 = vector.shape_cast %broadcast_in_dim3A_0 : vector<16xf32> to vector<16xf32>
    tpu.vector_store %arg11[%swap3A_46], %swap3A_49 {strides = array<i32>} : memref<800xf32, #tpu.memory_space<vmem>>, vector<16xf32>,
    %swap3A_50 = arith.constant 176 : index
    %swap3A_51 = tpu.vector_load %arg11[%swap3A_50] {strides = array<i32>} : memref<800xf32, #tpu.memory_space<vmem>>, vector<16xf32>,
    %swap3A_52 = vector.shape_cast %swap3A_51 : vector<16xf32> to vector<16xf32>
    %swap3A_53 = vector.shape_cast %broadcast_in_dim3A_0 : vector<16xf32> to vector<16xf32>
    tpu.vector_store %arg11[%swap3A_50], %swap3A_53 {strides = array<i32>} : memref<800xf32, #tpu.memory_space<vmem>>, vector<16xf32>,
    %swap3A_54 = arith.constant 192 : index
    %swap3A_55 = tpu.vector_load %arg11[%swap3A_54] {strides = array<i32>} : memref<800xf32, #tpu.memory_space<vmem>>, vector<16xf32>,
    %swap3A_56 = vector.shape_cast %swap3A_55 : vector<16xf32> to vector<16xf32>
    %swap3A_57 = vector.shape_cast %broadcast_in_dim3A_0 : vector<16xf32> to vector<16xf32>
    tpu.vector_store %arg11[%swap3A_54], %swap3A_57 {strides = array<i32>} : memref<800xf32, #tpu.memory_space<vmem>>, vector<16xf32>,
    %swap3A_58 = arith.constant 208 : index
    %swap3A_59 = tpu.vector_load %arg11[%swap3A_58] {strides = array<i32>} : memref<800xf32, #tpu.memory_space<vmem>>, vector<16xf32>,
    %swap3A_60 = vector.shape_cast %swap3A_59 : vector<16xf32> to vector<16xf32>
    %swap3A_61 = vector.shape_cast %broadcast_in_dim3A_0 : vector<16xf32> to vector<16xf32>
    tpu.vector_store %arg11[%swap3A_58], %swap3A_61 {strides = array<i32>} : memref<800xf32, #tpu.memory_space<vmem>>, vector<16xf32>,
    %swap3A_62 = arith.constant 224 : index
    %swap3A_63 = tpu.vector_load %arg11[%swap3A_62] {strides = array<i32>} : memref<800xf32, #tpu.memory_space<vmem>>, vector<16xf32>,
    %swap3A_64 = vector.shape_cast %swap3A_63 : vector<16xf32> to vector<16xf32>
    %swap3A_65 = vector.shape_cast %broadcast_in_dim3A_0 : vector<16xf32> to vector<16xf32>
    tpu.vector_store %arg11[%swap3A_62], %swap3A_65 {strides = array<i32>} : memref<800xf32, #tpu.memory_space<vmem>>, vector<16xf32>,
    %swap3A_66 = arith.constant 240 : index
    %swap3A_67 = tpu.vector_load %arg11[%swap3A_66] {strides = array<i32>} : memref<800xf32, #tpu.memory_space<vmem>>, vector<16xf32>,
    %swap3A_68 = vector.shape_cast %swap3A_67 : vector<16xf32> to vector<16xf32>
    %swap3A_69 = vector.shape_cast %broadcast_in_dim3A_0 : vector<16xf32> to vector<16xf32>
    tpu.vector_store %arg11[%swap3A_66], %swap3A_69 {strides = array<i32>} : memref<800xf32, #tpu.memory_space<vmem>>, vector<16xf32>,
    %swap3A_70 = arith.constant 256 : index
    %swap3A_71 = tpu.vector_load %arg11[%swap3A_70] {strides = array<i32>} : memref<800xf32, #tpu.memory_space<vmem>>, vector<16xf32>,
    %swap3A_72 = vector.shape_cast %swap3A_71 : vector<16xf32> to vector<16xf32>
    %swap3A_73 = vector.shape_cast %broadcast_in_dim3A_0 : vector<16xf32> to vector<16xf32>
    tpu.vector_store %arg11[%swap3A_70], %swap3A_73 {strides = array<i32>} : memref<800xf32, #tpu.memory_space<vmem>>, vector<16xf32>,
    %swap3A_74 = arith.constant 272 : index
    %swap3A_75 = tpu.vector_load %arg11[%swap3A_74] {strides = array<i32>} : memref<800xf32, #tpu.memory_space<vmem>>, vector<16xf32>,
    %swap3A_76 = vector.shape_cast %swap3A_75 : vector<16xf32> to vector<16xf32>
    %swap3A_77 = vector.shape_cast %broadcast_in_dim3A_0 : vector<16xf32> to vector<16xf32>
    tpu.vector_store %arg11[%swap3A_74], %swap3A_77 {strides = array<i32>} : memref<800xf32, #tpu.memory_space<vmem>>, vector<16xf32>,
    %swap3A_78 = arith.constant 288 : index
    %swap3A_79 = tpu.vector_load %arg11[%swap3A_78] {strides = array<i32>} : memref<800xf32, #tpu.memory_space<vmem>>, vector<16xf32>,
    %swap3A_80 = vector.shape_cast %swap3A_79 : vector<16xf32> to vector<16xf32>
    %swap3A_81 = vector.shape_cast %broadcast_in_dim3A_0 : vector<16xf32> to vector<16xf32>
    tpu.vector_store %arg11[%swap3A_78], %swap3A_81 {strides = array<i32>} : memref<800xf32, #tpu.memory_space<vmem>>, vector<16xf32>,
    %swap3A_82 = arith.constant 304 : index
    %swap3A_83 = tpu.vector_load %arg11[%swap3A_82] {strides = array<i32>} : memref<800xf32, #tpu.memory_space<vmem>>, vector<16xf32>,
    %swap3A_84 = vector.shape_cast %swap3A_83 : vector<16xf32> to vector<16xf32>
    %swap3A_85 = vector.shape_cast %broadcast_in_dim3A_0 : vector<16xf32> to vector<16xf32>
    tpu.vector_store %arg11[%swap3A_82], %swap3A_85 {strides = array<i32>} : memref<800xf32, #tpu.memory_space<vmem>>, vector<16xf32>,
    %swap3A_86 = arith.constant 320 : index
    %swap3A_87 = tpu.vector_load %arg11[%swap3A_86] {strides = array<i32>} : memref<800xf32, #tpu.memory_space<vmem>>, vector<16xf32>,
    %swap3A_88 = vector.shape_cast %swap3A_87 : vector<16xf32> to vector<16xf32>
    %swap3A_89 = vector.shape_cast %broadcast_in_dim3A_0 : vector<16xf32> to vector<16xf32>
    tpu.vector_store %arg11[%swap3A_86], %swap3A_89 {strides = array<i32>} : memref<800xf32, #tpu.memory_space<vmem>>, vector<16xf32>,
    %swap3A_90 = arith.constant 336 : index
    %swap3A_91 = tpu.vector_load %arg11[%swap3A_90] {strides = array<i32>} : memref<800xf32, #tpu.memory_space<vmem>>, vector<16xf32>,
    %swap3A_92 = vector.shape_cast %swap3A_91 : vector<16xf32> to vector<16xf32>
    %swap3A_93 = vector.shape_cast %broadcast_in_dim3A_0 : vector<16xf32> to vector<16xf32>
    tpu.vector_store %arg11[%swap3A_90], %swap3A_93 {strides = array<i32>} : memref<800xf32, #tpu.memory_space<vmem>>, vector<16xf32>,
    %swap3A_94 = arith.constant 352 : index
    %swap3A_95 = tpu.vector_load %arg11[%swap3A_94] {strides = array<i32>} : memref<800xf32, #tpu.memory_space<vmem>>, vector<16xf32>,
    %swap3A_96 = vector.shape_cast %swap3A_95 : vector<16xf32> to vector<16xf32>
    %swap3A_97 = vector.shape_cast %broadcast_in_dim3A_0 : vector<16xf32> to vector<16xf32>
    tpu.vector_store %arg11[%swap3A_94], %swap3A_97 {strides = array<i32>} : memref<800xf32, #tpu.memory_space<vmem>>, vector<16xf32>,
    %swap3A_98 = arith.constant 368 : index
    %swap3A_99 = tpu.vector_load %arg11[%swap3A_98] {strides = array<i32>} : memref<800xf32, #tpu.memory_space<vmem>>, vector<16xf32>,
    %swap3A_100 = vector.shape_cast %swap3A_99 : vector<16xf32> to vector<16xf32>
    %swap3A_101 = vector.shape_cast %broadcast_in_dim3A_0 : vector<16xf32> to vector<16xf32>
    tpu.vector_store %arg11[%swap3A_98], %swap3A_101 {strides = array<i32>} : memref<800xf32, #tpu.memory_space<vmem>>, vector<16xf32>,
    %swap3A_102 = arith.constant 384 : index
    %swap3A_103 = tpu.vector_load %arg11[%swap3A_102] {strides = array<i32>} : memref<800xf32, #tpu.memory_space<vmem>>, vector<16xf32>,
    %swap3A_104 = vector.shape_cast %swap3A_103 : vector<16xf32> to vector<16xf32>
    %swap3A_105 = vector.shape_cast %broadcast_in_dim3A_0 : vector<16xf32> to vector<16xf32>
    tpu.vector_store %arg11[%swap3A_102], %swap3A_105 {strides = array<i32>} : memref<800xf32, #tpu.memory_space<vmem>>, vector<16xf32>,
    %swap3A_106 = arith.constant 400 : index
    %swap3A_107 = tpu.vector_load %arg11[%swap3A_106] {strides = array<i32>} : memref<800xf32, #tpu.memory_space<vmem>>, vector<16xf32>,
    %swap3A_108 = vector.shape_cast %swap3A_107 : vector<16xf32> to vector<16xf32>
    %swap3A_109 = vector.shape_cast %broadcast_in_dim3A_0 : vector<16xf32> to vector<16xf32>
    tpu.vector_store %arg11[%swap3A_106], %swap3A_109 {strides = array<i32>} : memref<800xf32, #tpu.memory_space<vmem>>, vector<16xf32>,
    %swap3A_110 = arith.constant 416 : index
    %swap3A_111 = tpu.vector_load %arg11[%swap3A_110] {strides = array<i32>} : memref<800xf32, #tpu.memory_space<vmem>>, vector<16xf32>,
    %swap3A_112 = vector.shape_cast %swap3A_111 : vector<16xf32> to vector<16xf32>
    %swap3A_113 = vector.shape_cast %broadcast_in_dim3A_0 : vector<16xf32> to vector<16xf32>
    tpu.vector_store %arg11[%swap3A_110], %swap3A_113 {strides = array<i32>} : memref<800xf32, #tpu.memory_space<vmem>>, vector<16xf32>,
    %swap3A_114 = arith.constant 432 : index
    %swap3A_115 = tpu.vector_load %arg11[%swap3A_114] {strides = array<i32>} : memref<800xf32, #tpu.memory_space<vmem>>, vector<16xf32>,
    %swap3A_116 = vector.shape_cast %swap3A_115 : vector<16xf32> to vector<16xf32>
    %swap3A_117 = vector.shape_cast %broadcast_in_dim3A_0 : vector<16xf32> to vector<16xf32>
    tpu.vector_store %arg11[%swap3A_114], %swap3A_117 {strides = array<i32>} : memref<800xf32, #tpu.memory_space<vmem>>, vector<16xf32>,
    %swap3A_118 = arith.constant 448 : index
    %swap3A_119 = tpu.vector_load %arg11[%swap3A_118] {strides = array<i32>} : memref<800xf32, #tpu.memory_space<vmem>>, vector<16xf32>,
    %swap3A_120 = vector.shape_cast %swap3A_119 : vector<16xf32> to vector<16xf32>
    %swap3A_121 = vector.shape_cast %broadcast_in_dim3A_0 : vector<16xf32> to vector<16xf32>
    tpu.vector_store %arg11[%swap3A_118], %swap3A_121 {strides = array<i32>} : memref<800xf32, #tpu.memory_space<vmem>>, vector<16xf32>,
    %swap3A_122 = arith.constant 464 : index
    %swap3A_123 = tpu.vector_load %arg11[%swap3A_122] {strides = array<i32>} : memref<800xf32, #tpu.memory_space<vmem>>, vector<16xf32>,
    %swap3A_124 = vector.shape_cast %swap3A_123 : vector<16xf32> to vector<16xf32>
    %swap3A_125 = vector.shape_cast %broadcast_in_dim3A_0 : vector<16xf32> to vector<16xf32>
    tpu.vector_store %arg11[%swap3A_122], %swap3A_125 {strides = array<i32>} : memref<800xf32, #tpu.memory_space<vmem>>, vector<16xf32>,
    %swap3A_126 = arith.constant 480 : index
    %swap3A_127 = tpu.vector_load %arg11[%swap3A_126] {strides = array<i32>} : memref<800xf32, #tpu.memory_space<vmem>>, vector<16xf32>,
    %swap3A_128 = vector.shape_cast %swap3A_127 : vector<16xf32> to vector<16xf32>
    %swap3A_129 = vector.shape_cast %broadcast_in_dim3A_0 : vector<16xf32> to vector<16xf32>
    tpu.vector_store %arg11[%swap3A_126], %swap3A_129 {strides = array<i32>} : memref<800xf32, #tpu.memory_space<vmem>>, vector<16xf32>,
    %swap3A_130 = arith.constant 496 : index
    %swap3A_131 = tpu.vector_load %arg11[%swap3A_130] {strides = array<i32>} : memref<800xf32, #tpu.memory_space<vmem>>, vector<16xf32>,
    %swap3A_132 = vector.shape_cast %swap3A_131 : vector<16xf32> to vector<16xf32>
    %swap3A_133 = vector.shape_cast %broadcast_in_dim3A_0 : vector<16xf32> to vector<16xf32>
    tpu.vector_store %arg11[%swap3A_130], %swap3A_133 {strides = array<i32>} : memref<800xf32, #tpu.memory_space<vmem>>, vector<16xf32>,
    %swap3A_134 = arith.constant 512 : index
    %swap3A_135 = tpu.vector_load %arg11[%swap3A_134] {strides = array<i32>} : memref<800xf32, #tpu.memory_space<vmem>>, vector<16xf32>,
    %swap3A_136 = vector.shape_cast %swap3A_135 : vector<16xf32> to vector<16xf32>
    %swap3A_137 = vector.shape_cast %broadcast_in_dim3A_0 : vector<16xf32> to vector<16xf32>
    tpu.vector_store %arg11[%swap3A_134], %swap3A_137 {strides = array<i32>} : memref<800xf32, #tpu.memory_space<vmem>>, vector<16xf32>,
    %swap3A_138 = arith.constant 528 : index
    %swap3A_139 = tpu.vector_load %arg11[%swap3A_138] {strides = array<i32>} : memref<800xf32, #tpu.memory_space<vmem>>, vector<16xf32>,
    %swap3A_140 = vector.shape_cast %swap3A_139 : vector<16xf32> to vector<16xf32>
    %swap3A_141 = vector.shape_cast %broadcast_in_dim3A_0 : vector<16xf32> to vector<16xf32>
    tpu.vector_store %arg11[%swap3A_138], %swap3A_141 {strides = array<i32>} : memref<800xf32, #tpu.memory_space<vmem>>, vector<16xf32>,
    %swap3A_142 = arith.constant 544 : index
    %swap3A_143 = tpu.vector_load %arg11[%swap3A_142] {strides = array<i32>} : memref<800xf32, #tpu.memory_space<vmem>>, vector<16xf32>,
    %swap3A_144 = vector.shape_cast %swap3A_143 : vector<16xf32> to vector<16xf32>
    %swap3A_145 = vector.shape_cast %broadcast_in_dim3A_0 : vector<16xf32> to vector<16xf32>
    tpu.vector_store %arg11[%swap3A_142], %swap3A_145 {strides = array<i32>} : memref<800xf32, #tpu.memory_space<vmem>>, vector<16xf32>,
    %swap3A_146 = arith.constant 560 : index
    %swap3A_147 = tpu.vector_load %arg11[%swap3A_146] {strides = array<i32>} : memref<800xf32, #tpu.memory_space<vmem>>, vector<16xf32>,
    %swap3A_148 = vector.shape_cast %swap3A_147 : vector<16xf32> to vector<16xf32>
    %swap3A_149 = vector.shape_cast %broadcast_in_dim3A_0 : vector<16xf32> to vector<16xf32>
    tpu.vector_store %arg11[%swap3A_146], %swap3A_149 {strides = array<i32>} : memref<800xf32, #tpu.memory_space<vmem>>, vector<16xf32>,
    %swap3A_150 = arith.constant 576 : index
    %swap3A_151 = tpu.vector_load %arg11[%swap3A_150] {strides = array<i32>} : memref<800xf32, #tpu.memory_space<vmem>>, vector<16xf32>,
    %swap3A_152 = vector.shape_cast %swap3A_151 : vector<16xf32> to vector<16xf32>
    %swap3A_153 = vector.shape_cast %broadcast_in_dim3A_0 : vector<16xf32> to vector<16xf32>
    tpu.vector_store %arg11[%swap3A_150], %swap3A_153 {strides = array<i32>} : memref<800xf32, #tpu.memory_space<vmem>>, vector<16xf32>,
    %swap3A_154 = arith.constant 592 : index
    %swap3A_155 = tpu.vector_load %arg11[%swap3A_154] {strides = array<i32>} : memref<800xf32, #tpu.memory_space<vmem>>, vector<16xf32>,
    %swap3A_156 = vector.shape_cast %swap3A_155 : vector<16xf32> to vector<16xf32>
    %swap3A_157 = vector.shape_cast %broadcast_in_dim3A_0 : vector<16xf32> to vector<16xf32>
    tpu.vector_store %arg11[%swap3A_154], %swap3A_157 {strides = array<i32>} : memref<800xf32, #tpu.memory_space<vmem>>, vector<16xf32>,
    %swap3A_158 = arith.constant 608 : index
    %swap3A_159 = tpu.vector_load %arg11[%swap3A_158] {strides = array<i32>} : memref<800xf32, #tpu.memory_space<vmem>>, vector<16xf32>,
    %swap3A_160 = vector.shape_cast %swap3A_159 : vector<16xf32> to vector<16xf32>
    %swap3A_161 = vector.shape_cast %broadcast_in_dim3A_0 : vector<16xf32> to vector<16xf32>
    tpu.vector_store %arg11[%swap3A_158], %swap3A_161 {strides = array<i32>} : memref<800xf32, #tpu.memory_space<vmem>>, vector<16xf32>,
    %swap3A_162 = arith.constant 624 : index
    %swap3A_163 = tpu.vector_load %arg11[%swap3A_162] {strides = array<i32>} : memref<800xf32, #tpu.memory_space<vmem>>, vector<16xf32>,
    %swap3A_164 = vector.shape_cast %swap3A_163 : vector<16xf32> to vector<16xf32>
    %swap3A_165 = vector.shape_cast %broadcast_in_dim3A_0 : vector<16xf32> to vector<16xf32>
    tpu.vector_store %arg11[%swap3A_162], %swap3A_165 {strides = array<i32>} : memref<800xf32, #tpu.memory_space<vmem>>, vector<16xf32>,
    %swap3A_166 = arith.constant 640 : index
    %swap3A_167 = tpu.vector_load %arg11[%swap3A_166] {strides = array<i32>} : memref<800xf32, #tpu.memory_space<vmem>>, vector<16xf32>,
    %swap3A_168 = vector.shape_cast %swap3A_167 : vector<16xf32> to vector<16xf32>
    %swap3A_169 = vector.shape_cast %broadcast_in_dim3A_0 : vector<16xf32> to vector<16xf32>
    tpu.vector_store %arg11[%swap3A_166], %swap3A_169 {strides = array<i32>} : memref<800xf32, #tpu.memory_space<vmem>>, vector<16xf32>,
    %swap3A_170 = arith.constant 656 : index
    %swap3A_171 = tpu.vector_load %arg11[%swap3A_170] {strides = array<i32>} : memref<800xf32, #tpu.memory_space<vmem>>, vector<16xf32>,
    %swap3A_172 = vector.shape_cast %swap3A_171 : vector<16xf32> to vector<16xf32>
    %swap3A_173 = vector.shape_cast %broadcast_in_dim3A_0 : vector<16xf32> to vector<16xf32>
    tpu.vector_store %arg11[%swap3A_170], %swap3A_173 {strides = array<i32>} : memref<800xf32, #tpu.memory_space<vmem>>, vector<16xf32>,
    %swap3A_174 = arith.constant 672 : index
    %swap3A_175 = tpu.vector_load %arg11[%swap3A_174] {strides = array<i32>} : memref<800xf32, #tpu.memory_space<vmem>>, vector<16xf32>,
    %swap3A_176 = vector.shape_cast %swap3A_175 : vector<16xf32> to vector<16xf32>
    %swap3A_177 = vector.shape_cast %broadcast_in_dim3A_0 : vector<16xf32> to vector<16xf32>
    tpu.vector_store %arg11[%swap3A_174], %swap3A_177 {strides = array<i32>} : memref<800xf32, #tpu.memory_space<vmem>>, vector<16xf32>,
    %swap3A_178 = arith.constant 688 : index
    %swap3A_179 = tpu.vector_load %arg11[%swap3A_178] {strides = array<i32>} : memref<800xf32, #tpu.memory_space<vmem>>, vector<16xf32>,
    %swap3A_180 = vector.shape_cast %swap3A_179 : vector<16xf32> to vector<16xf32>
    %swap3A_181 = vector.shape_cast %broadcast_in_dim3A_0 : vector<16xf32> to vector<16xf32>
    tpu.vector_store %arg11[%swap3A_178], %swap3A_181 {strides = array<i32>} : memref<800xf32, #tpu.memory_space<vmem>>, vector<16xf32>,
    %swap3A_182 = arith.constant 704 : index
    %swap3A_183 = tpu.vector_load %arg11[%swap3A_182] {strides = array<i32>} : memref<800xf32, #tpu.memory_space<vmem>>, vector<16xf32>,
    %swap3A_184 = vector.shape_cast %swap3A_183 : vector<16xf32> to vector<16xf32>
    %swap3A_185 = vector.shape_cast %broadcast_in_dim3A_0 : vector<16xf32> to vector<16xf32>
    tpu.vector_store %arg11[%swap3A_182], %swap3A_185 {strides = array<i32>} : memref<800xf32, #tpu.memory_space<vmem>>, vector<16xf32>,
    %swap3A_186 = arith.constant 720 : index
    %swap3A_187 = tpu.vector_load %arg11[%swap3A_186] {strides = array<i32>} : memref<800xf32, #tpu.memory_space<vmem>>, vector<16xf32>,
    %swap3A_188 = vector.shape_cast %swap3A_187 : vector<16xf32> to vector<16xf32>
    %swap3A_189 = vector.shape_cast %broadcast_in_dim3A_0 : vector<16xf32> to vector<16xf32>
    tpu.vector_store %arg11[%swap3A_186], %swap3A_189 {strides = array<i32>} : memref<800xf32, #tpu.memory_space<vmem>>, vector<16xf32>,
    %swap3A_190 = arith.constant 736 : index
    %swap3A_191 = tpu.vector_load %arg11[%swap3A_190] {strides = array<i32>} : memref<800xf32, #tpu.memory_space<vmem>>, vector<16xf32>,
    %swap3A_192 = vector.shape_cast %swap3A_191 : vector<16xf32> to vector<16xf32>
    %swap3A_193 = vector.shape_cast %broadcast_in_dim3A_0 : vector<16xf32> to vector<16xf32>
    tpu.vector_store %arg11[%swap3A_190], %swap3A_193 {strides = array<i32>} : memref<800xf32, #tpu.memory_space<vmem>>, vector<16xf32>,
    %swap3A_194 = arith.constant 752 : index
    %swap3A_195 = tpu.vector_load %arg11[%swap3A_194] {strides = array<i32>} : memref<800xf32, #tpu.memory_space<vmem>>, vector<16xf32>,
    %swap3A_196 = vector.shape_cast %swap3A_195 : vector<16xf32> to vector<16xf32>
    %swap3A_197 = vector.shape_cast %broadcast_in_dim3A_0 : vector<16xf32> to vector<16xf32>
    tpu.vector_store %arg11[%swap3A_194], %swap3A_197 {strides = array<i32>} : memref<800xf32, #tpu.memory_space<vmem>>, vector<16xf32>,
    %swap3A_198 = arith.constant 768 : index
    %swap3A_199 = tpu.vector_load %arg11[%swap3A_198] {strides = array<i32>} : memref<800xf32, #tpu.memory_space<vmem>>, vector<16xf32>,
    %swap3A_200 = vector.shape_cast %swap3A_199 : vector<16xf32> to vector<16xf32>
    %swap3A_201 = vector.shape_cast %broadcast_in_dim3A_0 : vector<16xf32> to vector<16xf32>
    tpu.vector_store %arg11[%swap3A_198], %swap3A_201 {strides = array<i32>} : memref<800xf32, #tpu.memory_space<vmem>>, vector<16xf32>,
    %swap3A_202 = arith.constant 784 : index
    %swap3A_203 = tpu.vector_load %arg11[%swap3A_202] {strides = array<i32>} : memref<800xf32, #tpu.memory_space<vmem>>, vector<16xf32>,
    %swap3A_204 = vector.shape_cast %swap3A_203 : vector<16xf32> to vector<16xf32>
    %swap3A_205 = vector.shape_cast %broadcast_in_dim3A_0 : vector<16xf32> to vector<16xf32>
    tpu.vector_store %arg11[%swap3A_202], %swap3A_205 {strides = array<i32>} : memref<800xf32, #tpu.memory_space<vmem>>, vector<16xf32>,
    %iota3A = tpu.iota {dimensions = array<i32: 0>} : vector<16xi32>
    %mul3A = arith.constant 800 : i32
    %mul3A_206 = arith.muli %arg1, %mul3A : i32
    %add3A = arith.constant 0 : i32
    %add3A_207 = arith.addi %add3A, %arg0 : i32
    %mul3A_208 = arith.constant 12800 : i32
    %mul3A_209 = arith.muli %add3A_207, %mul3A_208 : i32
    %add3A_210 = arith.constant 0 : i32
    %add3A_211 = arith.addi %mul3A_206, %add3A_210 : i32
    "tpu.region"() ({
      %run_scoped3A = tpu.sem_alloc : memref<!tpu.dma_semaphore, #tpu.memory_space<semaphore_mem>>
      %dma_start3A = arith.constant 0 : i32
      %dma_start3A_345 = tpu.memref_slice %arg13[%add3A_211, %dma_start3A] : memref<12816x128xf32, #tpu.memory_space<vmem_shared>> -> memref<128x128xf32, #tpu.memory_space<vmem_shared>>
      %dma_start3A_346 = arith.constant 0 : i32
      %dma_start3A_347 = tpu.memref_slice %arg13[%add3A_211, %dma_start3A_346] : memref<12816x128xf32, #tpu.memory_space<vmem_shared>> -> memref<128x128xf32, #tpu.memory_space<vmem_shared>>
      tpu.enqueue_dma source(%arg10 : memref<128x128xf32, #tpu.memory_space<vmem>>) target(%dma_start3A_347 : memref<128x128xf32, #tpu.memory_space<vmem_shared>>) target_semaphore(%run_scoped3A : memref<!tpu.dma_semaphore, #tpu.memory_space<semaphore_mem>>)
      %dma_wait3A = arith.constant 0 : i32
      %dma_wait3A_348 = tpu.memref_slice %arg13[%add3A_211, %dma_wait3A] : memref<12816x128xf32, #tpu.memory_space<vmem_shared>> -> memref<128x128xf32, #tpu.memory_space<vmem_shared>>
      %dma_wait3A_349 = arith.constant 0 : i32
      %dma_wait3A_350 = tpu.memref_slice %arg13[%add3A_211, %dma_wait3A_349] : memref<12816x128xf32, #tpu.memory_space<vmem_shared>> -> memref<128x128xf32, #tpu.memory_space<vmem_shared>>
      tpu.wait_dma2 semaphore(%run_scoped3A : memref<!tpu.dma_semaphore, #tpu.memory_space<semaphore_mem>>) src(%arg10 : memref<128x128xf32, #tpu.memory_space<vmem>>) dst(%dma_wait3A_350 : memref<128x128xf32, #tpu.memory_space<vmem_shared>>)
      tpu.yield
    }) : () -> ()
    %add3A_212 = arith.constant 128 : i32
    %add3A_213 = arith.addi %mul3A_206, %add3A_212 : i32
    "tpu.region"() ({
      %run_scoped3A = tpu.sem_alloc : memref<!tpu.dma_semaphore, #tpu.memory_space<semaphore_mem>>
      %dma_start3A = arith.constant 0 : i32
      %dma_start3A_345 = tpu.memref_slice %arg13[%add3A_213, %dma_start3A] : memref<12816x128xf32, #tpu.memory_space<vmem_shared>> -> memref<128x128xf32, #tpu.memory_space<vmem_shared>>
      %dma_start3A_346 = arith.constant 0 : i32
      %dma_start3A_347 = tpu.memref_slice %arg13[%add3A_213, %dma_start3A_346] : memref<12816x128xf32, #tpu.memory_space<vmem_shared>> -> memref<128x128xf32, #tpu.memory_space<vmem_shared>>
      tpu.enqueue_dma source(%arg10 : memref<128x128xf32, #tpu.memory_space<vmem>>) target(%dma_start3A_347 : memref<128x128xf32, #tpu.memory_space<vmem_shared>>) target_semaphore(%run_scoped3A : memref<!tpu.dma_semaphore, #tpu.memory_space<semaphore_mem>>)
      %dma_wait3A = arith.constant 0 : i32
      %dma_wait3A_348 = tpu.memref_slice %arg13[%add3A_213, %dma_wait3A] : memref<12816x128xf32, #tpu.memory_space<vmem_shared>> -> memref<128x128xf32, #tpu.memory_space<vmem_shared>>
      %dma_wait3A_349 = arith.constant 0 : i32
      %dma_wait3A_350 = tpu.memref_slice %arg13[%add3A_213, %dma_wait3A_349] : memref<12816x128xf32, #tpu.memory_space<vmem_shared>> -> memref<128x128xf32, #tpu.memory_space<vmem_shared>>
      tpu.wait_dma2 semaphore(%run_scoped3A : memref<!tpu.dma_semaphore, #tpu.memory_space<semaphore_mem>>) src(%arg10 : memref<128x128xf32, #tpu.memory_space<vmem>>) dst(%dma_wait3A_350 : memref<128x128xf32, #tpu.memory_space<vmem_shared>>)
      tpu.yield
    }) : () -> ()
    %add3A_214 = arith.constant 256 : i32
    %add3A_215 = arith.addi %mul3A_206, %add3A_214 : i32
    "tpu.region"() ({
      %run_scoped3A = tpu.sem_alloc : memref<!tpu.dma_semaphore, #tpu.memory_space<semaphore_mem>>
      %dma_start3A = arith.constant 0 : i32
      %dma_start3A_345 = tpu.memref_slice %arg13[%add3A_215, %dma_start3A] : memref<12816x128xf32, #tpu.memory_space<vmem_shared>> -> memref<128x128xf32, #tpu.memory_space<vmem_shared>>
      %dma_start3A_346 = arith.constant 0 : i32
      %dma_start3A_347 = tpu.memref_slice %arg13[%add3A_215, %dma_start3A_346] : memref<12816x128xf32, #tpu.memory_space<vmem_shared>> -> memref<128x128xf32, #tpu.memory_space<vmem_shared>>
      tpu.enqueue_dma source(%arg10 : memref<128x128xf32, #tpu.memory_space<vmem>>) target(%dma_start3A_347 : memref<128x128xf32, #tpu.memory_space<vmem_shared>>) target_semaphore(%run_scoped3A : memref<!tpu.dma_semaphore, #tpu.memory_space<semaphore_mem>>)
      %dma_wait3A = arith.constant 0 : i32
      %dma_wait3A_348 = tpu.memref_slice %arg13[%add3A_215, %dma_wait3A] : memref<12816x128xf32, #tpu.memory_space<vmem_shared>> -> memref<128x128xf32, #tpu.memory_space<vmem_shared>>
      %dma_wait3A_349 = arith.constant 0 : i32
      %dma_wait3A_350 = tpu.memref_slice %arg13[%add3A_215, %dma_wait3A_349] : memref<12816x128xf32, #tpu.memory_space<vmem_shared>> -> memref<128x128xf32, #tpu.memory_space<vmem_shared>>
      tpu.wait_dma2 semaphore(%run_scoped3A : memref<!tpu.dma_semaphore, #tpu.memory_space<semaphore_mem>>) src(%arg10 : memref<128x128xf32, #tpu.memory_space<vmem>>) dst(%dma_wait3A_350 : memref<128x128xf32, #tpu.memory_space<vmem_shared>>)
      tpu.yield
    }) : () -> ()
    %add3A_216 = arith.constant 384 : i32
    %add3A_217 = arith.addi %mul3A_206, %add3A_216 : i32
    "tpu.region"() ({
      %run_scoped3A = tpu.sem_alloc : memref<!tpu.dma_semaphore, #tpu.memory_space<semaphore_mem>>
      %dma_start3A = arith.constant 0 : i32
      %dma_start3A_345 = tpu.memref_slice %arg13[%add3A_217, %dma_start3A] : memref<12816x128xf32, #tpu.memory_space<vmem_shared>> -> memref<128x128xf32, #tpu.memory_space<vmem_shared>>
      %dma_start3A_346 = arith.constant 0 : i32
      %dma_start3A_347 = tpu.memref_slice %arg13[%add3A_217, %dma_start3A_346] : memref<12816x128xf32, #tpu.memory_space<vmem_shared>> -> memref<128x128xf32, #tpu.memory_space<vmem_shared>>
      tpu.enqueue_dma source(%arg10 : memref<128x128xf32, #tpu.memory_space<vmem>>) target(%dma_start3A_347 : memref<128x128xf32, #tpu.memory_space<vmem_shared>>) target_semaphore(%run_scoped3A : memref<!tpu.dma_semaphore, #tpu.memory_space<semaphore_mem>>)
      %dma_wait3A = arith.constant 0 : i32
      %dma_wait3A_348 = tpu.memref_slice %arg13[%add3A_217, %dma_wait3A] : memref<12816x128xf32, #tpu.memory_space<vmem_shared>> -> memref<128x128xf32, #tpu.memory_space<vmem_shared>>
      %dma_wait3A_349 = arith.constant 0 : i32
      %dma_wait3A_350 = tpu.memref_slice %arg13[%add3A_217, %dma_wait3A_349] : memref<12816x128xf32, #tpu.memory_space<vmem_shared>> -> memref<128x128xf32, #tpu.memory_space<vmem_shared>>
      tpu.wait_dma2 semaphore(%run_scoped3A : memref<!tpu.dma_semaphore, #tpu.memory_space<semaphore_mem>>) src(%arg10 : memref<128x128xf32, #tpu.memory_space<vmem>>) dst(%dma_wait3A_350 : memref<128x128xf32, #tpu.memory_space<vmem_shared>>)
      tpu.yield
    }) : () -> ()
    %add3A_218 = arith.constant 512 : i32
    %add3A_219 = arith.addi %mul3A_206, %add3A_218 : i32
    "tpu.region"() ({
      %run_scoped3A = tpu.sem_alloc : memref<!tpu.dma_semaphore, #tpu.memory_space<semaphore_mem>>
      %dma_start3A = arith.constant 0 : i32
      %dma_start3A_345 = tpu.memref_slice %arg13[%add3A_219, %dma_start3A] : memref<12816x128xf32, #tpu.memory_space<vmem_shared>> -> memref<128x128xf32, #tpu.memory_space<vmem_shared>>
      %dma_start3A_346 = arith.constant 0 : i32
      %dma_start3A_347 = tpu.memref_slice %arg13[%add3A_219, %dma_start3A_346] : memref<12816x128xf32, #tpu.memory_space<vmem_shared>> -> memref<128x128xf32, #tpu.memory_space<vmem_shared>>
      tpu.enqueue_dma source(%arg10 : memref<128x128xf32, #tpu.memory_space<vmem>>) target(%dma_start3A_347 : memref<128x128xf32, #tpu.memory_space<vmem_shared>>) target_semaphore(%run_scoped3A : memref<!tpu.dma_semaphore, #tpu.memory_space<semaphore_mem>>)
      %dma_wait3A = arith.constant 0 : i32
      %dma_wait3A_348 = tpu.memref_slice %arg13[%add3A_219, %dma_wait3A] : memref<12816x128xf32, #tpu.memory_space<vmem_shared>> -> memref<128x128xf32, #tpu.memory_space<vmem_shared>>
      %dma_wait3A_349 = arith.constant 0 : i32
      %dma_wait3A_350 = tpu.memref_slice %arg13[%add3A_219, %dma_wait3A_349] : memref<12816x128xf32, #tpu.memory_space<vmem_shared>> -> memref<128x128xf32, #tpu.memory_space<vmem_shared>>
      tpu.wait_dma2 semaphore(%run_scoped3A : memref<!tpu.dma_semaphore, #tpu.memory_space<semaphore_mem>>) src(%arg10 : memref<128x128xf32, #tpu.memory_space<vmem>>) dst(%dma_wait3A_350 : memref<128x128xf32, #tpu.memory_space<vmem_shared>>)
      tpu.yield
    }) : () -> ()
    %add3A_220 = arith.constant 640 : i32
    %add3A_221 = arith.addi %mul3A_206, %add3A_220 : i32
    "tpu.region"() ({
      %run_scoped3A = tpu.sem_alloc : memref<!tpu.dma_semaphore, #tpu.memory_space<semaphore_mem>>
      %dma_start3A = arith.constant 0 : i32
      %dma_start3A_345 = tpu.memref_slice %arg13[%add3A_221, %dma_start3A] : memref<12816x128xf32, #tpu.memory_space<vmem_shared>> -> memref<128x128xf32, #tpu.memory_space<vmem_shared>>
      %dma_start3A_346 = arith.constant 0 : i32
      %dma_start3A_347 = tpu.memref_slice %arg13[%add3A_221, %dma_start3A_346] : memref<12816x128xf32, #tpu.memory_space<vmem_shared>> -> memref<128x128xf32, #tpu.memory_space<vmem_shared>>
      tpu.enqueue_dma source(%arg10 : memref<128x128xf32, #tpu.memory_space<vmem>>) target(%dma_start3A_347 : memref<128x128xf32, #tpu.memory_space<vmem_shared>>) target_semaphore(%run_scoped3A : memref<!tpu.dma_semaphore, #tpu.memory_space<semaphore_mem>>)
      %dma_wait3A = arith.constant 0 : i32
      %dma_wait3A_348 = tpu.memref_slice %arg13[%add3A_221, %dma_wait3A] : memref<12816x128xf32, #tpu.memory_space<vmem_shared>> -> memref<128x128xf32, #tpu.memory_space<vmem_shared>>
      %dma_wait3A_349 = arith.constant 0 : i32
      %dma_wait3A_350 = tpu.memref_slice %arg13[%add3A_221, %dma_wait3A_349] : memref<12816x128xf32, #tpu.memory_space<vmem_shared>> -> memref<128x128xf32, #tpu.memory_space<vmem_shared>>
      tpu.wait_dma2 semaphore(%run_scoped3A : memref<!tpu.dma_semaphore, #tpu.memory_space<semaphore_mem>>) src(%arg10 : memref<128x128xf32, #tpu.memory_space<vmem>>) dst(%dma_wait3A_350 : memref<128x128xf32, #tpu.memory_space<vmem_shared>>)
      tpu.yield
    }) : () -> ()
    %add3A_222 = arith.constant 768 : i32
    %add3A_223 = arith.addi %mul3A_206, %add3A_222 : i32
    "tpu.region"() ({
      %run_scoped3A = tpu.sem_alloc : memref<!tpu.dma_semaphore, #tpu.memory_space<semaphore_mem>>
      %dma_start3A = arith.constant 0 : i32
      %dma_start3A_345 = arith.constant 0 : i32
      %dma_start3A_346 = tpu.memref_slice %arg10[%dma_start3A, %dma_start3A_345] : memref<128x128xf32, #tpu.memory_space<vmem>> -> memref<32x128xf32, #tpu.memory_space<vmem>>
      %dma_start3A_347 = arith.constant 0 : i32
      %dma_start3A_348 = tpu.memref_slice %arg13[%add3A_223, %dma_start3A_347] : memref<12816x128xf32, #tpu.memory_space<vmem_shared>> -> memref<32x128xf32, #tpu.memory_space<vmem_shared>>
      %dma_start3A_349 = arith.constant 0 : i32
      %dma_start3A_350 = tpu.memref_slice %arg13[%add3A_223, %dma_start3A_349] : memref<12816x128xf32, #tpu.memory_space<vmem_shared>> -> memref<32x128xf32, #tpu.memory_space<vmem_shared>>
      %dma_start3A_351 = arith.constant 0 : i32
      %dma_start3A_352 = arith.constant 0 : i32
      %dma_start3A_353 = tpu.memref_slice %arg10[%dma_start3A_351, %dma_start3A_352] : memref<128x128xf32, #tpu.memory_space<vmem>> -> memref<32x128xf32, #tpu.memory_space<vmem>>
      tpu.enqueue_dma source(%dma_start3A_353 : memref<32x128xf32, #tpu.memory_space<vmem>>) target(%dma_start3A_350 : memref<32x128xf32, #tpu.memory_space<vmem_shared>>) target_semaphore(%run_scoped3A : memref<!tpu.dma_semaphore, #tpu.memory_space<semaphore_mem>>)
      %dma_wait3A = arith.constant 0 : i32
      %dma_wait3A_354 = arith.constant 0 : i32
      %dma_wait3A_355 = tpu.memref_slice %arg10[%dma_wait3A, %dma_wait3A_354] : memref<128x128xf32, #tpu.memory_space<vmem>> -> memref<32x128xf32, #tpu.memory_space<vmem>>
      %dma_wait3A_356 = arith.constant 0 : i32
      %dma_wait3A_357 = tpu.memref_slice %arg13[%add3A_223, %dma_wait3A_356] : memref<12816x128xf32, #tpu.memory_space<vmem_shared>> -> memref<32x128xf32, #tpu.memory_space<vmem_shared>>
      %dma_wait3A_358 = arith.constant 0 : i32
      %dma_wait3A_359 = tpu.memref_slice %arg13[%add3A_223, %dma_wait3A_358] : memref<12816x128xf32, #tpu.memory_space<vmem_shared>> -> memref<32x128xf32, #tpu.memory_space<vmem_shared>>
      %dma_wait3A_360 = arith.constant 0 : i32
      %dma_wait3A_361 = arith.constant 0 : i32
      %dma_wait3A_362 = tpu.memref_slice %arg10[%dma_wait3A_360, %dma_wait3A_361] : memref<128x128xf32, #tpu.memory_space<vmem>> -> memref<32x128xf32, #tpu.memory_space<vmem>>
      tpu.wait_dma2 semaphore(%run_scoped3A : memref<!tpu.dma_semaphore, #tpu.memory_space<semaphore_mem>>) src(%dma_wait3A_362 : memref<32x128xf32, #tpu.memory_space<vmem>>) dst(%dma_wait3A_359 : memref<32x128xf32, #tpu.memory_space<vmem_shared>>)
      tpu.yield
    }) : () -> ()
    "tpu.region"() ({
      %run_scoped3A = tpu.sem_alloc : memref<!tpu.dma_semaphore, #tpu.memory_space<semaphore_mem>>
      %dma_start3A = tpu.memref_slice %arg14[%mul3A_206] : memref<12816xf32, #tpu.memory_space<vmem_shared>> -> memref<800xf32, #tpu.memory_space<vmem_shared>>
      %dma_start3A_345 = tpu.memref_slice %arg14[%mul3A_206] : memref<12816xf32, #tpu.memory_space<vmem_shared>> -> memref<800xf32, #tpu.memory_space<vmem_shared>>
      tpu.enqueue_dma source(%arg11 : memref<800xf32, #tpu.memory_space<vmem>>) target(%dma_start3A_345 : memref<800xf32, #tpu.memory_space<vmem_shared>>) target_semaphore(%run_scoped3A : memref<!tpu.dma_semaphore, #tpu.memory_space<semaphore_mem>>)
      %dma_wait3A = tpu.memref_slice %arg14[%mul3A_206] : memref<12816xf32, #tpu.memory_space<vmem_shared>> -> memref<800xf32, #tpu.memory_space<vmem_shared>>
      %dma_wait3A_346 = tpu.memref_slice %arg14[%mul3A_206] : memref<12816xf32, #tpu.memory_space<vmem_shared>> -> memref<800xf32, #tpu.memory_space<vmem_shared>>
      tpu.wait_dma2 semaphore(%run_scoped3A : memref<!tpu.dma_semaphore, #tpu.memory_space<semaphore_mem>>) src(%arg11 : memref<800xf32, #tpu.memory_space<vmem>>) dst(%dma_wait3A_346 : memref<800xf32, #tpu.memory_space<vmem_shared>>)
      tpu.yield
    }) : () -> ()
    %barrier3A = arith.constant 0 : index
    tpu.barrier barrier_id(%barrier3A)
    %scan3A_224 = arith.constant 0 : i32
    %scan3A_225 = arith.constant 0 : i32
    %scan3A_226 = arith.constant 10 : i32
    %scan3A_227 = arith.addi %scan3A_225, %scan3A_226 : i32
    %scan3A_228 = arith.constant 1 : i32
    %scan3A_229 = scf.for %scan3A_345 = %scan3A_225 to %scan3A_227 step %scan3A_228 iter_args(%scan3A_346 = %scan3A_224) -> (i32)  : i32 {
      %mul3A_347 = arith.constant 20480 : i32
      %mul3A_348 = arith.muli %arg1, %mul3A_347 : i32
      %mul3A_349 = arith.constant 2048 : i32
      %mul3A_350 = arith.muli %scan3A_345, %mul3A_349 : i32
      %add3A_351 = arith.addi %mul3A_348, %mul3A_350 : i32
      "tpu.region"() ({
        %run_scoped3A = tpu.sem_alloc : memref<!tpu.dma_semaphore, #tpu.memory_space<semaphore_mem>>
        %dma_start3A = tpu.memref_slice %arg2[%add3A_351] : memref<327680xi32, #tpu.memory_space<hbm>> -> memref<2048xi32, #tpu.memory_space<hbm>>
        %dma_start3A_360 = tpu.memref_slice %arg2[%add3A_351] : memref<327680xi32, #tpu.memory_space<hbm>> -> memref<2048xi32, #tpu.memory_space<hbm>>
        tpu.enqueue_dma source(%dma_start3A_360 : memref<2048xi32, #tpu.memory_space<hbm>>) target(%arg6 : memref<2048xi32, #tpu.memory_space<vmem>>) target_semaphore(%run_scoped3A : memref<!tpu.dma_semaphore, #tpu.memory_space<semaphore_mem>>)
        %dma_wait3A = tpu.memref_slice %arg2[%add3A_351] : memref<327680xi32, #tpu.memory_space<hbm>> -> memref<2048xi32, #tpu.memory_space<hbm>>
        %dma_wait3A_361 = tpu.memref_slice %arg2[%add3A_351] : memref<327680xi32, #tpu.memory_space<hbm>> -> memref<2048xi32, #tpu.memory_space<hbm>>
        tpu.wait_dma2 semaphore(%run_scoped3A : memref<!tpu.dma_semaphore, #tpu.memory_space<semaphore_mem>>) src(%dma_wait3A_361 : memref<2048xi32, #tpu.memory_space<hbm>>) dst(%arg6 : memref<2048xi32, #tpu.memory_space<vmem>>)
        tpu.yield
      }) : () -> ()
      %scan3A_352 = arith.constant 0 : i32
      %scan3A_353 = arith.constant 0 : i32
      %scan3A_354 = arith.constant 16 : i32
      %scan3A_355 = arith.addi %scan3A_353, %scan3A_354 : i32
      %scan3A_356 = arith.constant 1 : i32
      %scan3A_357 = scf.for %scan3A_360 = %scan3A_353 to %scan3A_355 step %scan3A_356 iter_args(%scan3A_361 = %scan3A_352) -> (i32)  : i32 {
        %mul3A_362 = arith.constant 128 : i32
        %mul3A_363 = arith.muli %scan3A_360, %mul3A_362 : i32
        %add3A_364 = arith.constant 0 : i32
        %add3A_365 = arith.addi %mul3A_363, %add3A_364 : i32
        %get3A = arith.index_cast %add3A_365 : i32 to index
        %get3A_366 = tpu.vector_load %arg6[%get3A] {strides = array<i32>} : memref<2048xi32, #tpu.memory_space<vmem>>, vector<16xi32>,
        %get3A_367 = vector.shape_cast %get3A_366 : vector<16xi32> to vector<16xi32>
        %shift_right_logical3A = arith.constant 14 : i32
        %shift_right_logical3A_368 = vector.broadcast %shift_right_logical3A : i32 to vector<16xi32>
        %shift_right_logical3A_369 = arith.shrui %get3A_367, %shift_right_logical3A_368 : vector<16xi32>
        %and3A = arith.constant 16383 : i32
        %and3A_370 = vector.broadcast %and3A : i32 to vector<16xi32>
        %and3A_371 = arith.andi %get3A_367, %and3A_370 : vector<16xi32>
        %ge3A = vector.broadcast %mul3A_209 : i32 to vector<16xi32>
        %ge3A_372 = arith.cmpi sge, %shift_right_logical3A_369, %ge3A : vector<16xi32>
        %add3A_373 = arith.constant 12800 : i32
        %add3A_374 = arith.addi %mul3A_209, %add3A_373 : i32
        %lt3A = vector.broadcast %add3A_374 : i32 to vector<16xi32>
        %lt3A_375 = arith.cmpi slt, %shift_right_logical3A_369, %lt3A : vector<16xi32>
        %and3A_376 = arith.andi %ge3A_372, %lt3A_375 : vector<16xi1>
        %sub3A = vector.broadcast %mul3A_209 : i32 to vector<16xi32>
        %sub3A_377 = arith.subi %shift_right_logical3A_369, %sub3A : vector<16xi32>
        %add3A_378 = arith.constant 12800 : i32
        %add3A_379 = arith.addi %add3A_378, %arg1 : i32
        %broadcast_in_dim3A_380 = vector.broadcast %add3A_379 : i32 to vector<16xi32>
        %select_n3A = arith.select %and3A_376, %sub3A_377, %broadcast_in_dim3A_380 : vector<16xi1>, vector<16xi32>
        %add3A_381 = arith.constant 10000 : i32
        %add3A_382 = vector.broadcast %add3A_381 : i32 to vector<16xi32>
        %add3A_383 = arith.addi %add3A_382, %iota3A : vector<16xi32>
        %select_n3A_384 = arith.select %and3A_376, %and3A_371, %add3A_383 : vector<16xi1>, vector<16xi32>
        %jit3A = arith.constant 1.000000e+00 : f32
        %jit3A_385 = arith.constant 0.000000e+00 : f32
        %broadcast_in_dim3A_386 = vector.broadcast %jit3A : f32 to vector<16xf32>
        %broadcast_in_dim3A_387 = vector.broadcast %jit3A_385 : f32 to vector<16xf32>
        %select_n3A_388 = arith.select %and3A_376, %broadcast_in_dim3A_386, %broadcast_in_dim3A_387 : vector<16xi1>, vector<16xf32>
        %swap3A_389 = arith.constant 0 : index
        %swap3A_390 = tpu.vector_load %arg8[%swap3A_389] {strides = array<i32>} : memref<128xi32, #tpu.memory_space<vmem>>, vector<16xi32>,
        %swap3A_391 = vector.shape_cast %swap3A_390 : vector<16xi32> to vector<16xi32>
        %swap3A_392 = vector.shape_cast %select_n3A : vector<16xi32> to vector<16xi32>
        tpu.vector_store %arg8[%swap3A_389], %swap3A_392 {strides = array<i32>} : memref<128xi32, #tpu.memory_space<vmem>>, vector<16xi32>,
        %swap3A_393 = arith.constant 0 : index
        %swap3A_394 = tpu.vector_load %arg7[%swap3A_393] {strides = array<i32>} : memref<128xi32, #tpu.memory_space<vmem>>, vector<16xi32>,
        %swap3A_395 = vector.shape_cast %swap3A_394 : vector<16xi32> to vector<16xi32>
        %swap3A_396 = vector.shape_cast %select_n3A_384 : vector<16xi32> to vector<16xi32>
        tpu.vector_store %arg7[%swap3A_393], %swap3A_396 {strides = array<i32>} : memref<128xi32, #tpu.memory_space<vmem>>, vector<16xi32>,
        %swap3A_397 = arith.constant 0 : index
        %swap3A_398 = tpu.vector_load %arg9[%swap3A_397] {strides = array<i32>} : memref<128xf32, #tpu.memory_space<vmem>>, vector<16xf32>,
        %swap3A_399 = vector.shape_cast %swap3A_398 : vector<16xf32> to vector<16xf32>
        %swap3A_400 = vector.shape_cast %select_n3A_388 : vector<16xf32> to vector<16xf32>
        tpu.vector_store %arg9[%swap3A_397], %swap3A_400 {strides = array<i32>} : memref<128xf32, #tpu.memory_space<vmem>>, vector<16xf32>,
        %add3A_401 = arith.constant 16 : i32
        %add3A_402 = arith.addi %mul3A_363, %add3A_401 : i32
        %get3A_403 = arith.index_cast %add3A_402 : i32 to index
        %get3A_404 = tpu.vector_load %arg6[%get3A_403] {strides = array<i32>} : memref<2048xi32, #tpu.memory_space<vmem>>, vector<16xi32>,
        %get3A_405 = vector.shape_cast %get3A_404 : vector<16xi32> to vector<16xi32>
        %shift_right_logical3A_406 = arith.constant 14 : i32
        %shift_right_logical3A_407 = vector.broadcast %shift_right_logical3A_406 : i32 to vector<16xi32>
        %shift_right_logical3A_408 = arith.shrui %get3A_405, %shift_right_logical3A_407 : vector<16xi32>
        %and3A_409 = arith.constant 16383 : i32
        %and3A_410 = vector.broadcast %and3A_409 : i32 to vector<16xi32>
        %and3A_411 = arith.andi %get3A_405, %and3A_410 : vector<16xi32>
        %ge3A_412 = vector.broadcast %mul3A_209 : i32 to vector<16xi32>
        %ge3A_413 = arith.cmpi sge, %shift_right_logical3A_408, %ge3A_412 : vector<16xi32>
        %add3A_414 = arith.constant 12800 : i32
        %add3A_415 = arith.addi %mul3A_209, %add3A_414 : i32
        %lt3A_416 = vector.broadcast %add3A_415 : i32 to vector<16xi32>
        %lt3A_417 = arith.cmpi slt, %shift_right_logical3A_408, %lt3A_416 : vector<16xi32>
        %and3A_418 = arith.andi %ge3A_413, %lt3A_417 : vector<16xi1>
        %sub3A_419 = vector.broadcast %mul3A_209 : i32 to vector<16xi32>
        %sub3A_420 = arith.subi %shift_right_logical3A_408, %sub3A_419 : vector<16xi32>
        %add3A_421 = arith.constant 12800 : i32
        %add3A_422 = arith.addi %add3A_421, %arg1 : i32
        %broadcast_in_dim3A_423 = vector.broadcast %add3A_422 : i32 to vector<16xi32>
        %select_n3A_424 = arith.select %and3A_418, %sub3A_420, %broadcast_in_dim3A_423 : vector<16xi1>, vector<16xi32>
        %add3A_425 = arith.constant 10016 : i32
        %add3A_426 = vector.broadcast %add3A_425 : i32 to vector<16xi32>
        %add3A_427 = arith.addi %add3A_426, %iota3A : vector<16xi32>
        %select_n3A_428 = arith.select %and3A_418, %and3A_411, %add3A_427 : vector<16xi1>, vector<16xi32>
        %jit3A_429 = arith.constant 1.000000e+00 : f32
        %jit3A_430 = arith.constant 0.000000e+00 : f32
        %broadcast_in_dim3A_431 = vector.broadcast %jit3A_429 : f32 to vector<16xf32>
        %broadcast_in_dim3A_432 = vector.broadcast %jit3A_430 : f32 to vector<16xf32>
        %select_n3A_433 = arith.select %and3A_418, %broadcast_in_dim3A_431, %broadcast_in_dim3A_432 : vector<16xi1>, vector<16xf32>
        %swap3A_434 = arith.constant 16 : index
        %swap3A_435 = tpu.vector_load %arg8[%swap3A_434] {strides = array<i32>} : memref<128xi32, #tpu.memory_space<vmem>>, vector<16xi32>,
        %swap3A_436 = vector.shape_cast %swap3A_435 : vector<16xi32> to vector<16xi32>
        %swap3A_437 = vector.shape_cast %select_n3A_424 : vector<16xi32> to vector<16xi32>
        tpu.vector_store %arg8[%swap3A_434], %swap3A_437 {strides = array<i32>} : memref<128xi32, #tpu.memory_space<vmem>>, vector<16xi32>,
        %swap3A_438 = arith.constant 16 : index
        %swap3A_439 = tpu.vector_load %arg7[%swap3A_438] {strides = array<i32>} : memref<128xi32, #tpu.memory_space<vmem>>, vector<16xi32>,
        %swap3A_440 = vector.shape_cast %swap3A_439 : vector<16xi32> to vector<16xi32>
        %swap3A_441 = vector.shape_cast %select_n3A_428 : vector<16xi32> to vector<16xi32>
        tpu.vector_store %arg7[%swap3A_438], %swap3A_441 {strides = array<i32>} : memref<128xi32, #tpu.memory_space<vmem>>, vector<16xi32>,
        %swap3A_442 = arith.constant 16 : index
        %swap3A_443 = tpu.vector_load %arg9[%swap3A_442] {strides = array<i32>} : memref<128xf32, #tpu.memory_space<vmem>>, vector<16xf32>,
        %swap3A_444 = vector.shape_cast %swap3A_443 : vector<16xf32> to vector<16xf32>
        %swap3A_445 = vector.shape_cast %select_n3A_433 : vector<16xf32> to vector<16xf32>
        tpu.vector_store %arg9[%swap3A_442], %swap3A_445 {strides = array<i32>} : memref<128xf32, #tpu.memory_space<vmem>>, vector<16xf32>,
        %add3A_446 = arith.constant 32 : i32
        %add3A_447 = arith.addi %mul3A_363, %add3A_446 : i32
        %get3A_448 = arith.index_cast %add3A_447 : i32 to index
        %get3A_449 = tpu.vector_load %arg6[%get3A_448] {strides = array<i32>} : memref<2048xi32, #tpu.memory_space<vmem>>, vector<16xi32>,
        %get3A_450 = vector.shape_cast %get3A_449 : vector<16xi32> to vector<16xi32>
        %shift_right_logical3A_451 = arith.constant 14 : i32
        %shift_right_logical3A_452 = vector.broadcast %shift_right_logical3A_451 : i32 to vector<16xi32>
        %shift_right_logical3A_453 = arith.shrui %get3A_450, %shift_right_logical3A_452 : vector<16xi32>
        %and3A_454 = arith.constant 16383 : i32
        %and3A_455 = vector.broadcast %and3A_454 : i32 to vector<16xi32>
        %and3A_456 = arith.andi %get3A_450, %and3A_455 : vector<16xi32>
        %ge3A_457 = vector.broadcast %mul3A_209 : i32 to vector<16xi32>
        %ge3A_458 = arith.cmpi sge, %shift_right_logical3A_453, %ge3A_457 : vector<16xi32>
        %add3A_459 = arith.constant 12800 : i32
        %add3A_460 = arith.addi %mul3A_209, %add3A_459 : i32
        %lt3A_461 = vector.broadcast %add3A_460 : i32 to vector<16xi32>
        %lt3A_462 = arith.cmpi slt, %shift_right_logical3A_453, %lt3A_461 : vector<16xi32>
        %and3A_463 = arith.andi %ge3A_458, %lt3A_462 : vector<16xi1>
        %sub3A_464 = vector.broadcast %mul3A_209 : i32 to vector<16xi32>
        %sub3A_465 = arith.subi %shift_right_logical3A_453, %sub3A_464 : vector<16xi32>
        %add3A_466 = arith.constant 12800 : i32
        %add3A_467 = arith.addi %add3A_466, %arg1 : i32
        %broadcast_in_dim3A_468 = vector.broadcast %add3A_467 : i32 to vector<16xi32>
        %select_n3A_469 = arith.select %and3A_463, %sub3A_465, %broadcast_in_dim3A_468 : vector<16xi1>, vector<16xi32>
        %add3A_470 = arith.constant 10032 : i32
        %add3A_471 = vector.broadcast %add3A_470 : i32 to vector<16xi32>
        %add3A_472 = arith.addi %add3A_471, %iota3A : vector<16xi32>
        %select_n3A_473 = arith.select %and3A_463, %and3A_456, %add3A_472 : vector<16xi1>, vector<16xi32>
        %jit3A_474 = arith.constant 1.000000e+00 : f32
        %jit3A_475 = arith.constant 0.000000e+00 : f32
        %broadcast_in_dim3A_476 = vector.broadcast %jit3A_474 : f32 to vector<16xf32>
        %broadcast_in_dim3A_477 = vector.broadcast %jit3A_475 : f32 to vector<16xf32>
        %select_n3A_478 = arith.select %and3A_463, %broadcast_in_dim3A_476, %broadcast_in_dim3A_477 : vector<16xi1>, vector<16xf32>
        %swap3A_479 = arith.constant 32 : index
        %swap3A_480 = tpu.vector_load %arg8[%swap3A_479] {strides = array<i32>} : memref<128xi32, #tpu.memory_space<vmem>>, vector<16xi32>,
        %swap3A_481 = vector.shape_cast %swap3A_480 : vector<16xi32> to vector<16xi32>
        %swap3A_482 = vector.shape_cast %select_n3A_469 : vector<16xi32> to vector<16xi32>
        tpu.vector_store %arg8[%swap3A_479], %swap3A_482 {strides = array<i32>} : memref<128xi32, #tpu.memory_space<vmem>>, vector<16xi32>,
        %swap3A_483 = arith.constant 32 : index
        %swap3A_484 = tpu.vector_load %arg7[%swap3A_483] {strides = array<i32>} : memref<128xi32, #tpu.memory_space<vmem>>, vector<16xi32>,
        %swap3A_485 = vector.shape_cast %swap3A_484 : vector<16xi32> to vector<16xi32>
        %swap3A_486 = vector.shape_cast %select_n3A_473 : vector<16xi32> to vector<16xi32>
        tpu.vector_store %arg7[%swap3A_483], %swap3A_486 {strides = array<i32>} : memref<128xi32, #tpu.memory_space<vmem>>, vector<16xi32>,
        %swap3A_487 = arith.constant 32 : index
        %swap3A_488 = tpu.vector_load %arg9[%swap3A_487] {strides = array<i32>} : memref<128xf32, #tpu.memory_space<vmem>>, vector<16xf32>,
        %swap3A_489 = vector.shape_cast %swap3A_488 : vector<16xf32> to vector<16xf32>
        %swap3A_490 = vector.shape_cast %select_n3A_478 : vector<16xf32> to vector<16xf32>
        tpu.vector_store %arg9[%swap3A_487], %swap3A_490 {strides = array<i32>} : memref<128xf32, #tpu.memory_space<vmem>>, vector<16xf32>,
        %add3A_491 = arith.constant 48 : i32
        %add3A_492 = arith.addi %mul3A_363, %add3A_491 : i32
        %get3A_493 = arith.index_cast %add3A_492 : i32 to index
        %get3A_494 = tpu.vector_load %arg6[%get3A_493] {strides = array<i32>} : memref<2048xi32, #tpu.memory_space<vmem>>, vector<16xi32>,
        %get3A_495 = vector.shape_cast %get3A_494 : vector<16xi32> to vector<16xi32>
        %shift_right_logical3A_496 = arith.constant 14 : i32
        %shift_right_logical3A_497 = vector.broadcast %shift_right_logical3A_496 : i32 to vector<16xi32>
        %shift_right_logical3A_498 = arith.shrui %get3A_495, %shift_right_logical3A_497 : vector<16xi32>
        %and3A_499 = arith.constant 16383 : i32
        %and3A_500 = vector.broadcast %and3A_499 : i32 to vector<16xi32>
        %and3A_501 = arith.andi %get3A_495, %and3A_500 : vector<16xi32>
        %ge3A_502 = vector.broadcast %mul3A_209 : i32 to vector<16xi32>
        %ge3A_503 = arith.cmpi sge, %shift_right_logical3A_498, %ge3A_502 : vector<16xi32>
        %add3A_504 = arith.constant 12800 : i32
        %add3A_505 = arith.addi %mul3A_209, %add3A_504 : i32
        %lt3A_506 = vector.broadcast %add3A_505 : i32 to vector<16xi32>
        %lt3A_507 = arith.cmpi slt, %shift_right_logical3A_498, %lt3A_506 : vector<16xi32>
        %and3A_508 = arith.andi %ge3A_503, %lt3A_507 : vector<16xi1>
        %sub3A_509 = vector.broadcast %mul3A_209 : i32 to vector<16xi32>
        %sub3A_510 = arith.subi %shift_right_logical3A_498, %sub3A_509 : vector<16xi32>
        %add3A_511 = arith.constant 12800 : i32
        %add3A_512 = arith.addi %add3A_511, %arg1 : i32
        %broadcast_in_dim3A_513 = vector.broadcast %add3A_512 : i32 to vector<16xi32>
        %select_n3A_514 = arith.select %and3A_508, %sub3A_510, %broadcast_in_dim3A_513 : vector<16xi1>, vector<16xi32>
        %add3A_515 = arith.constant 10048 : i32
        %add3A_516 = vector.broadcast %add3A_515 : i32 to vector<16xi32>
        %add3A_517 = arith.addi %add3A_516, %iota3A : vector<16xi32>
        %select_n3A_518 = arith.select %and3A_508, %and3A_501, %add3A_517 : vector<16xi1>, vector<16xi32>
        %jit3A_519 = arith.constant 1.000000e+00 : f32
        %jit3A_520 = arith.constant 0.000000e+00 : f32
        %broadcast_in_dim3A_521 = vector.broadcast %jit3A_519 : f32 to vector<16xf32>
        %broadcast_in_dim3A_522 = vector.broadcast %jit3A_520 : f32 to vector<16xf32>
        %select_n3A_523 = arith.select %and3A_508, %broadcast_in_dim3A_521, %broadcast_in_dim3A_522 : vector<16xi1>, vector<16xf32>
        %swap3A_524 = arith.constant 48 : index
        %swap3A_525 = tpu.vector_load %arg8[%swap3A_524] {strides = array<i32>} : memref<128xi32, #tpu.memory_space<vmem>>, vector<16xi32>,
        %swap3A_526 = vector.shape_cast %swap3A_525 : vector<16xi32> to vector<16xi32>
        %swap3A_527 = vector.shape_cast %select_n3A_514 : vector<16xi32> to vector<16xi32>
        tpu.vector_store %arg8[%swap3A_524], %swap3A_527 {strides = array<i32>} : memref<128xi32, #tpu.memory_space<vmem>>, vector<16xi32>,
        %swap3A_528 = arith.constant 48 : index
        %swap3A_529 = tpu.vector_load %arg7[%swap3A_528] {strides = array<i32>} : memref<128xi32, #tpu.memory_space<vmem>>, vector<16xi32>,
        %swap3A_530 = vector.shape_cast %swap3A_529 : vector<16xi32> to vector<16xi32>
        %swap3A_531 = vector.shape_cast %select_n3A_518 : vector<16xi32> to vector<16xi32>
        tpu.vector_store %arg7[%swap3A_528], %swap3A_531 {strides = array<i32>} : memref<128xi32, #tpu.memory_space<vmem>>, vector<16xi32>,
        %swap3A_532 = arith.constant 48 : index
        %swap3A_533 = tpu.vector_load %arg9[%swap3A_532] {strides = array<i32>} : memref<128xf32, #tpu.memory_space<vmem>>, vector<16xf32>,
        %swap3A_534 = vector.shape_cast %swap3A_533 : vector<16xf32> to vector<16xf32>
        %swap3A_535 = vector.shape_cast %select_n3A_523 : vector<16xf32> to vector<16xf32>
        tpu.vector_store %arg9[%swap3A_532], %swap3A_535 {strides = array<i32>} : memref<128xf32, #tpu.memory_space<vmem>>, vector<16xf32>,
        %add3A_536 = arith.constant 64 : i32
        %add3A_537 = arith.addi %mul3A_363, %add3A_536 : i32
        %get3A_538 = arith.index_cast %add3A_537 : i32 to index
        %get3A_539 = tpu.vector_load %arg6[%get3A_538] {strides = array<i32>} : memref<2048xi32, #tpu.memory_space<vmem>>, vector<16xi32>,
        %get3A_540 = vector.shape_cast %get3A_539 : vector<16xi32> to vector<16xi32>
        %shift_right_logical3A_541 = arith.constant 14 : i32
        %shift_right_logical3A_542 = vector.broadcast %shift_right_logical3A_541 : i32 to vector<16xi32>
        %shift_right_logical3A_543 = arith.shrui %get3A_540, %shift_right_logical3A_542 : vector<16xi32>
        %and3A_544 = arith.constant 16383 : i32
        %and3A_545 = vector.broadcast %and3A_544 : i32 to vector<16xi32>
        %and3A_546 = arith.andi %get3A_540, %and3A_545 : vector<16xi32>
        %ge3A_547 = vector.broadcast %mul3A_209 : i32 to vector<16xi32>
        %ge3A_548 = arith.cmpi sge, %shift_right_logical3A_543, %ge3A_547 : vector<16xi32>
        %add3A_549 = arith.constant 12800 : i32
        %add3A_550 = arith.addi %mul3A_209, %add3A_549 : i32
        %lt3A_551 = vector.broadcast %add3A_550 : i32 to vector<16xi32>
        %lt3A_552 = arith.cmpi slt, %shift_right_logical3A_543, %lt3A_551 : vector<16xi32>
        %and3A_553 = arith.andi %ge3A_548, %lt3A_552 : vector<16xi1>
        %sub3A_554 = vector.broadcast %mul3A_209 : i32 to vector<16xi32>
        %sub3A_555 = arith.subi %shift_right_logical3A_543, %sub3A_554 : vector<16xi32>
        %add3A_556 = arith.constant 12800 : i32
        %add3A_557 = arith.addi %add3A_556, %arg1 : i32
        %broadcast_in_dim3A_558 = vector.broadcast %add3A_557 : i32 to vector<16xi32>
        %select_n3A_559 = arith.select %and3A_553, %sub3A_555, %broadcast_in_dim3A_558 : vector<16xi1>, vector<16xi32>
        %add3A_560 = arith.constant 10064 : i32
        %add3A_561 = vector.broadcast %add3A_560 : i32 to vector<16xi32>
        %add3A_562 = arith.addi %add3A_561, %iota3A : vector<16xi32>
        %select_n3A_563 = arith.select %and3A_553, %and3A_546, %add3A_562 : vector<16xi1>, vector<16xi32>
        %jit3A_564 = arith.constant 1.000000e+00 : f32
        %jit3A_565 = arith.constant 0.000000e+00 : f32
        %broadcast_in_dim3A_566 = vector.broadcast %jit3A_564 : f32 to vector<16xf32>
        %broadcast_in_dim3A_567 = vector.broadcast %jit3A_565 : f32 to vector<16xf32>
        %select_n3A_568 = arith.select %and3A_553, %broadcast_in_dim3A_566, %broadcast_in_dim3A_567 : vector<16xi1>, vector<16xf32>
        %swap3A_569 = arith.constant 64 : index
        %swap3A_570 = tpu.vector_load %arg8[%swap3A_569] {strides = array<i32>} : memref<128xi32, #tpu.memory_space<vmem>>, vector<16xi32>,
        %swap3A_571 = vector.shape_cast %swap3A_570 : vector<16xi32> to vector<16xi32>
        %swap3A_572 = vector.shape_cast %select_n3A_559 : vector<16xi32> to vector<16xi32>
        tpu.vector_store %arg8[%swap3A_569], %swap3A_572 {strides = array<i32>} : memref<128xi32, #tpu.memory_space<vmem>>, vector<16xi32>,
        %swap3A_573 = arith.constant 64 : index
        %swap3A_574 = tpu.vector_load %arg7[%swap3A_573] {strides = array<i32>} : memref<128xi32, #tpu.memory_space<vmem>>, vector<16xi32>,
        %swap3A_575 = vector.shape_cast %swap3A_574 : vector<16xi32> to vector<16xi32>
        %swap3A_576 = vector.shape_cast %select_n3A_563 : vector<16xi32> to vector<16xi32>
        tpu.vector_store %arg7[%swap3A_573], %swap3A_576 {strides = array<i32>} : memref<128xi32, #tpu.memory_space<vmem>>, vector<16xi32>,
        %swap3A_577 = arith.constant 64 : index
        %swap3A_578 = tpu.vector_load %arg9[%swap3A_577] {strides = array<i32>} : memref<128xf32, #tpu.memory_space<vmem>>, vector<16xf32>,
        %swap3A_579 = vector.shape_cast %swap3A_578 : vector<16xf32> to vector<16xf32>
        %swap3A_580 = vector.shape_cast %select_n3A_568 : vector<16xf32> to vector<16xf32>
        tpu.vector_store %arg9[%swap3A_577], %swap3A_580 {strides = array<i32>} : memref<128xf32, #tpu.memory_space<vmem>>, vector<16xf32>,
        %add3A_581 = arith.constant 80 : i32
        %add3A_582 = arith.addi %mul3A_363, %add3A_581 : i32
        %get3A_583 = arith.index_cast %add3A_582 : i32 to index
        %get3A_584 = tpu.vector_load %arg6[%get3A_583] {strides = array<i32>} : memref<2048xi32, #tpu.memory_space<vmem>>, vector<16xi32>,
        %get3A_585 = vector.shape_cast %get3A_584 : vector<16xi32> to vector<16xi32>
        %shift_right_logical3A_586 = arith.constant 14 : i32
        %shift_right_logical3A_587 = vector.broadcast %shift_right_logical3A_586 : i32 to vector<16xi32>
        %shift_right_logical3A_588 = arith.shrui %get3A_585, %shift_right_logical3A_587 : vector<16xi32>
        %and3A_589 = arith.constant 16383 : i32
        %and3A_590 = vector.broadcast %and3A_589 : i32 to vector<16xi32>
        %and3A_591 = arith.andi %get3A_585, %and3A_590 : vector<16xi32>
        %ge3A_592 = vector.broadcast %mul3A_209 : i32 to vector<16xi32>
        %ge3A_593 = arith.cmpi sge, %shift_right_logical3A_588, %ge3A_592 : vector<16xi32>
        %add3A_594 = arith.constant 12800 : i32
        %add3A_595 = arith.addi %mul3A_209, %add3A_594 : i32
        %lt3A_596 = vector.broadcast %add3A_595 : i32 to vector<16xi32>
        %lt3A_597 = arith.cmpi slt, %shift_right_logical3A_588, %lt3A_596 : vector<16xi32>
        %and3A_598 = arith.andi %ge3A_593, %lt3A_597 : vector<16xi1>
        %sub3A_599 = vector.broadcast %mul3A_209 : i32 to vector<16xi32>
        %sub3A_600 = arith.subi %shift_right_logical3A_588, %sub3A_599 : vector<16xi32>
        %add3A_601 = arith.constant 12800 : i32
        %add3A_602 = arith.addi %add3A_601, %arg1 : i32
        %broadcast_in_dim3A_603 = vector.broadcast %add3A_602 : i32 to vector<16xi32>
        %select_n3A_604 = arith.select %and3A_598, %sub3A_600, %broadcast_in_dim3A_603 : vector<16xi1>, vector<16xi32>
        %add3A_605 = arith.constant 10080 : i32
        %add3A_606 = vector.broadcast %add3A_605 : i32 to vector<16xi32>
        %add3A_607 = arith.addi %add3A_606, %iota3A : vector<16xi32>
        %select_n3A_608 = arith.select %and3A_598, %and3A_591, %add3A_607 : vector<16xi1>, vector<16xi32>
        %jit3A_609 = arith.constant 1.000000e+00 : f32
        %jit3A_610 = arith.constant 0.000000e+00 : f32
        %broadcast_in_dim3A_611 = vector.broadcast %jit3A_609 : f32 to vector<16xf32>
        %broadcast_in_dim3A_612 = vector.broadcast %jit3A_610 : f32 to vector<16xf32>
        %select_n3A_613 = arith.select %and3A_598, %broadcast_in_dim3A_611, %broadcast_in_dim3A_612 : vector<16xi1>, vector<16xf32>
        %swap3A_614 = arith.constant 80 : index
        %swap3A_615 = tpu.vector_load %arg8[%swap3A_614] {strides = array<i32>} : memref<128xi32, #tpu.memory_space<vmem>>, vector<16xi32>,
        %swap3A_616 = vector.shape_cast %swap3A_615 : vector<16xi32> to vector<16xi32>
        %swap3A_617 = vector.shape_cast %select_n3A_604 : vector<16xi32> to vector<16xi32>
        tpu.vector_store %arg8[%swap3A_614], %swap3A_617 {strides = array<i32>} : memref<128xi32, #tpu.memory_space<vmem>>, vector<16xi32>,
        %swap3A_618 = arith.constant 80 : index
        %swap3A_619 = tpu.vector_load %arg7[%swap3A_618] {strides = array<i32>} : memref<128xi32, #tpu.memory_space<vmem>>, vector<16xi32>,
        %swap3A_620 = vector.shape_cast %swap3A_619 : vector<16xi32> to vector<16xi32>
        %swap3A_621 = vector.shape_cast %select_n3A_608 : vector<16xi32> to vector<16xi32>
        tpu.vector_store %arg7[%swap3A_618], %swap3A_621 {strides = array<i32>} : memref<128xi32, #tpu.memory_space<vmem>>, vector<16xi32>,
        %swap3A_622 = arith.constant 80 : index
        %swap3A_623 = tpu.vector_load %arg9[%swap3A_622] {strides = array<i32>} : memref<128xf32, #tpu.memory_space<vmem>>, vector<16xf32>,
        %swap3A_624 = vector.shape_cast %swap3A_623 : vector<16xf32> to vector<16xf32>
        %swap3A_625 = vector.shape_cast %select_n3A_613 : vector<16xf32> to vector<16xf32>
        tpu.vector_store %arg9[%swap3A_622], %swap3A_625 {strides = array<i32>} : memref<128xf32, #tpu.memory_space<vmem>>, vector<16xf32>,
        %add3A_626 = arith.constant 96 : i32
        %add3A_627 = arith.addi %mul3A_363, %add3A_626 : i32
        %get3A_628 = arith.index_cast %add3A_627 : i32 to index
        %get3A_629 = tpu.vector_load %arg6[%get3A_628] {strides = array<i32>} : memref<2048xi32, #tpu.memory_space<vmem>>, vector<16xi32>,
        %get3A_630 = vector.shape_cast %get3A_629 : vector<16xi32> to vector<16xi32>
        %shift_right_logical3A_631 = arith.constant 14 : i32
        %shift_right_logical3A_632 = vector.broadcast %shift_right_logical3A_631 : i32 to vector<16xi32>
        %shift_right_logical3A_633 = arith.shrui %get3A_630, %shift_right_logical3A_632 : vector<16xi32>
        %and3A_634 = arith.constant 16383 : i32
        %and3A_635 = vector.broadcast %and3A_634 : i32 to vector<16xi32>
        %and3A_636 = arith.andi %get3A_630, %and3A_635 : vector<16xi32>
        %ge3A_637 = vector.broadcast %mul3A_209 : i32 to vector<16xi32>
        %ge3A_638 = arith.cmpi sge, %shift_right_logical3A_633, %ge3A_637 : vector<16xi32>
        %add3A_639 = arith.constant 12800 : i32
        %add3A_640 = arith.addi %mul3A_209, %add3A_639 : i32
        %lt3A_641 = vector.broadcast %add3A_640 : i32 to vector<16xi32>
        %lt3A_642 = arith.cmpi slt, %shift_right_logical3A_633, %lt3A_641 : vector<16xi32>
        %and3A_643 = arith.andi %ge3A_638, %lt3A_642 : vector<16xi1>
        %sub3A_644 = vector.broadcast %mul3A_209 : i32 to vector<16xi32>
        %sub3A_645 = arith.subi %shift_right_logical3A_633, %sub3A_644 : vector<16xi32>
        %add3A_646 = arith.constant 12800 : i32
        %add3A_647 = arith.addi %add3A_646, %arg1 : i32
        %broadcast_in_dim3A_648 = vector.broadcast %add3A_647 : i32 to vector<16xi32>
        %select_n3A_649 = arith.select %and3A_643, %sub3A_645, %broadcast_in_dim3A_648 : vector<16xi1>, vector<16xi32>
        %add3A_650 = arith.constant 10096 : i32
        %add3A_651 = vector.broadcast %add3A_650 : i32 to vector<16xi32>
        %add3A_652 = arith.addi %add3A_651, %iota3A : vector<16xi32>
        %select_n3A_653 = arith.select %and3A_643, %and3A_636, %add3A_652 : vector<16xi1>, vector<16xi32>
        %jit3A_654 = arith.constant 1.000000e+00 : f32
        %jit3A_655 = arith.constant 0.000000e+00 : f32
        %broadcast_in_dim3A_656 = vector.broadcast %jit3A_654 : f32 to vector<16xf32>
        %broadcast_in_dim3A_657 = vector.broadcast %jit3A_655 : f32 to vector<16xf32>
        %select_n3A_658 = arith.select %and3A_643, %broadcast_in_dim3A_656, %broadcast_in_dim3A_657 : vector<16xi1>, vector<16xf32>
        %swap3A_659 = arith.constant 96 : index
        %swap3A_660 = tpu.vector_load %arg8[%swap3A_659] {strides = array<i32>} : memref<128xi32, #tpu.memory_space<vmem>>, vector<16xi32>,
        %swap3A_661 = vector.shape_cast %swap3A_660 : vector<16xi32> to vector<16xi32>
        %swap3A_662 = vector.shape_cast %select_n3A_649 : vector<16xi32> to vector<16xi32>
        tpu.vector_store %arg8[%swap3A_659], %swap3A_662 {strides = array<i32>} : memref<128xi32, #tpu.memory_space<vmem>>, vector<16xi32>,
        %swap3A_663 = arith.constant 96 : index
        %swap3A_664 = tpu.vector_load %arg7[%swap3A_663] {strides = array<i32>} : memref<128xi32, #tpu.memory_space<vmem>>, vector<16xi32>,
        %swap3A_665 = vector.shape_cast %swap3A_664 : vector<16xi32> to vector<16xi32>
        %swap3A_666 = vector.shape_cast %select_n3A_653 : vector<16xi32> to vector<16xi32>
        tpu.vector_store %arg7[%swap3A_663], %swap3A_666 {strides = array<i32>} : memref<128xi32, #tpu.memory_space<vmem>>, vector<16xi32>,
        %swap3A_667 = arith.constant 96 : index
        %swap3A_668 = tpu.vector_load %arg9[%swap3A_667] {strides = array<i32>} : memref<128xf32, #tpu.memory_space<vmem>>, vector<16xf32>,
        %swap3A_669 = vector.shape_cast %swap3A_668 : vector<16xf32> to vector<16xf32>
        %swap3A_670 = vector.shape_cast %select_n3A_658 : vector<16xf32> to vector<16xf32>
        tpu.vector_store %arg9[%swap3A_667], %swap3A_670 {strides = array<i32>} : memref<128xf32, #tpu.memory_space<vmem>>, vector<16xf32>,
        %add3A_671 = arith.constant 112 : i32
        %add3A_672 = arith.addi %mul3A_363, %add3A_671 : i32
        %get3A_673 = arith.index_cast %add3A_672 : i32 to index
        %get3A_674 = tpu.vector_load %arg6[%get3A_673] {strides = array<i32>} : memref<2048xi32, #tpu.memory_space<vmem>>, vector<16xi32>,
        %get3A_675 = vector.shape_cast %get3A_674 : vector<16xi32> to vector<16xi32>
        %shift_right_logical3A_676 = arith.constant 14 : i32
        %shift_right_logical3A_677 = vector.broadcast %shift_right_logical3A_676 : i32 to vector<16xi32>
        %shift_right_logical3A_678 = arith.shrui %get3A_675, %shift_right_logical3A_677 : vector<16xi32>
        %and3A_679 = arith.constant 16383 : i32
        %and3A_680 = vector.broadcast %and3A_679 : i32 to vector<16xi32>
        %and3A_681 = arith.andi %get3A_675, %and3A_680 : vector<16xi32>
        %ge3A_682 = vector.broadcast %mul3A_209 : i32 to vector<16xi32>
        %ge3A_683 = arith.cmpi sge, %shift_right_logical3A_678, %ge3A_682 : vector<16xi32>
        %add3A_684 = arith.constant 12800 : i32
        %add3A_685 = arith.addi %mul3A_209, %add3A_684 : i32
        %lt3A_686 = vector.broadcast %add3A_685 : i32 to vector<16xi32>
        %lt3A_687 = arith.cmpi slt, %shift_right_logical3A_678, %lt3A_686 : vector<16xi32>
        %and3A_688 = arith.andi %ge3A_683, %lt3A_687 : vector<16xi1>
        %sub3A_689 = vector.broadcast %mul3A_209 : i32 to vector<16xi32>
        %sub3A_690 = arith.subi %shift_right_logical3A_678, %sub3A_689 : vector<16xi32>
        %add3A_691 = arith.constant 12800 : i32
        %add3A_692 = arith.addi %add3A_691, %arg1 : i32
        %broadcast_in_dim3A_693 = vector.broadcast %add3A_692 : i32 to vector<16xi32>
        %select_n3A_694 = arith.select %and3A_688, %sub3A_690, %broadcast_in_dim3A_693 : vector<16xi1>, vector<16xi32>
        %add3A_695 = arith.constant 10112 : i32
        %add3A_696 = vector.broadcast %add3A_695 : i32 to vector<16xi32>
        %add3A_697 = arith.addi %add3A_696, %iota3A : vector<16xi32>
        %select_n3A_698 = arith.select %and3A_688, %and3A_681, %add3A_697 : vector<16xi1>, vector<16xi32>
        %jit3A_699 = arith.constant 1.000000e+00 : f32
        %jit3A_700 = arith.constant 0.000000e+00 : f32
        %broadcast_in_dim3A_701 = vector.broadcast %jit3A_699 : f32 to vector<16xf32>
        %broadcast_in_dim3A_702 = vector.broadcast %jit3A_700 : f32 to vector<16xf32>
        %select_n3A_703 = arith.select %and3A_688, %broadcast_in_dim3A_701, %broadcast_in_dim3A_702 : vector<16xi1>, vector<16xf32>
        %swap3A_704 = arith.constant 112 : index
        %swap3A_705 = tpu.vector_load %arg8[%swap3A_704] {strides = array<i32>} : memref<128xi32, #tpu.memory_space<vmem>>, vector<16xi32>,
        %swap3A_706 = vector.shape_cast %swap3A_705 : vector<16xi32> to vector<16xi32>
        %swap3A_707 = vector.shape_cast %select_n3A_694 : vector<16xi32> to vector<16xi32>
        tpu.vector_store %arg8[%swap3A_704], %swap3A_707 {strides = array<i32>} : memref<128xi32, #tpu.memory_space<vmem>>, vector<16xi32>,
        %swap3A_708 = arith.constant 112 : index
        %swap3A_709 = tpu.vector_load %arg7[%swap3A_708] {strides = array<i32>} : memref<128xi32, #tpu.memory_space<vmem>>, vector<16xi32>,
        %swap3A_710 = vector.shape_cast %swap3A_709 : vector<16xi32> to vector<16xi32>
        %swap3A_711 = vector.shape_cast %select_n3A_698 : vector<16xi32> to vector<16xi32>
        tpu.vector_store %arg7[%swap3A_708], %swap3A_711 {strides = array<i32>} : memref<128xi32, #tpu.memory_space<vmem>>, vector<16xi32>,
        %swap3A_712 = arith.constant 112 : index
        %swap3A_713 = tpu.vector_load %arg9[%swap3A_712] {strides = array<i32>} : memref<128xf32, #tpu.memory_space<vmem>>, vector<16xf32>,
        %swap3A_714 = vector.shape_cast %swap3A_713 : vector<16xf32> to vector<16xf32>
        %swap3A_715 = vector.shape_cast %select_n3A_703 : vector<16xf32> to vector<16xf32>
        tpu.vector_store %arg9[%swap3A_712], %swap3A_715 {strides = array<i32>} : memref<128xf32, #tpu.memory_space<vmem>>, vector<16xf32>,
        %dma_start3A = arith.constant 0 : i32
        %dma_start3A_716 = arith.constant 0 : i32
        %dma_start3A_717 = tpu.memref_slice %arg3[%dma_start3A, %dma_start3A_716] : memref<10128x128xf32, #tpu.memory_space<hbm>> -> memref<10128x128xf32, #tpu.memory_space<hbm>>
        tpu.enqueue_indirect_dma source(%dma_start3A_717 : memref<10128x128xf32, #tpu.memory_space<hbm>>) target(%arg10 : memref<128x128xf32, #tpu.memory_space<vmem>>) offsets(%arg7 : memref<128xi32, #tpu.memory_space<vmem>>) semaphore(%arg15 : memref<!tpu.dma_semaphore, #tpu.memory_space<semaphore_mem>>)
        %dma_wait3A = arith.constant 0 : i32
        %dma_wait3A_718 = arith.constant 0 : i32
        %dma_wait3A_719 = tpu.memref_slice %arg3[%dma_wait3A, %dma_wait3A_718] : memref<10128x128xf32, #tpu.memory_space<hbm>> -> memref<10128x128xf32, #tpu.memory_space<hbm>>
        tpu.wait_indirect_dma semaphore(%arg15 : memref<!tpu.dma_semaphore, #tpu.memory_space<semaphore_mem>>) src(%dma_wait3A_719 : memref<10128x128xf32, #tpu.memory_space<hbm>>) dst(%arg10 : memref<128x128xf32, #tpu.memory_space<vmem>>)
        "tpu.region"() ({
          %run_scoped3A = tpu.sem_alloc : memref<!tpu.dma_semaphore, #tpu.memory_space<semaphore_mem>>
          %dma_start3A_721 = arith.constant 0 : i32
          %dma_start3A_722 = arith.constant 0 : i32
          %dma_start3A_723 = tpu.memref_slice %arg13[%dma_start3A_721, %dma_start3A_722] : memref<12816x128xf32, #tpu.memory_space<vmem_shared>> -> memref<12816x128xf32, #tpu.memory_space<vmem_shared>>
          tpu.enqueue_indirect_dma source(%arg10 : memref<128x128xf32, #tpu.memory_space<vmem>>) target(%dma_start3A_723 : memref<12816x128xf32, #tpu.memory_space<vmem_shared>>) offsets(%arg8 : memref<128xi32, #tpu.memory_space<vmem>>) semaphore(%run_scoped3A : memref<!tpu.dma_semaphore, #tpu.memory_space<semaphore_mem>>) {add = true}
          %dma_wait3A_724 = arith.constant 0 : i32
          %dma_wait3A_725 = arith.constant 0 : i32
          %dma_wait3A_726 = tpu.memref_slice %arg13[%dma_wait3A_724, %dma_wait3A_725] : memref<12816x128xf32, #tpu.memory_space<vmem_shared>> -> memref<12816x128xf32, #tpu.memory_space<vmem_shared>>
          tpu.wait_indirect_dma semaphore(%run_scoped3A : memref<!tpu.dma_semaphore, #tpu.memory_space<semaphore_mem>>) src(%arg10 : memref<128x128xf32, #tpu.memory_space<vmem>>) dst(%dma_wait3A_726 : memref<12816x128xf32, #tpu.memory_space<vmem_shared>>)
          tpu.yield
        }) : () -> ()
        "tpu.region"() ({
          %run_scoped3A = tpu.sem_alloc : memref<!tpu.dma_semaphore, #tpu.memory_space<semaphore_mem>>
          %dma_start3A_721 = arith.constant 0 : i32
          %dma_start3A_722 = tpu.memref_slice %arg14[%dma_start3A_721] : memref<12816xf32, #tpu.memory_space<vmem_shared>> -> memref<12816xf32, #tpu.memory_space<vmem_shared>>
          tpu.enqueue_indirect_dma source(%arg9 : memref<128xf32, #tpu.memory_space<vmem>>) target(%dma_start3A_722 : memref<12816xf32, #tpu.memory_space<vmem_shared>>) offsets(%arg8 : memref<128xi32, #tpu.memory_space<vmem>>) semaphore(%run_scoped3A : memref<!tpu.dma_semaphore, #tpu.memory_space<semaphore_mem>>) {add = true}
          %dma_wait3A_723 = arith.constant 0 : i32
          %dma_wait3A_724 = tpu.memref_slice %arg14[%dma_wait3A_723] : memref<12816xf32, #tpu.memory_space<vmem_shared>> -> memref<12816xf32, #tpu.memory_space<vmem_shared>>
          tpu.wait_indirect_dma semaphore(%run_scoped3A : memref<!tpu.dma_semaphore, #tpu.memory_space<semaphore_mem>>) src(%arg9 : memref<128xf32, #tpu.memory_space<vmem>>) dst(%dma_wait3A_724 : memref<12816xf32, #tpu.memory_space<vmem_shared>>)
          tpu.yield
        }) : () -> ()
        %scan3A_720 = arith.constant 0 : i32
        scf.yield %scan3A_720 : i32
      }
      %scan3A_358 = arith.constant 16 : i32
      %scan3A_359 = arith.constant 0 : i32
      scf.yield %scan3A_359 : i32
    }
    %scan3A_230 = arith.constant 10 : i32
    %barrier3A_231 = arith.constant 0 : index
    tpu.barrier barrier_id(%barrier3A_231)
    %add3A_232 = arith.constant 0 : i32
    %add3A_233 = arith.addi %mul3A_206, %add3A_232 : i32
    "tpu.region"() ({
      %run_scoped3A = tpu.sem_alloc : memref<!tpu.dma_semaphore, #tpu.memory_space<semaphore_mem>>
      %dma_start3A = arith.constant 0 : i32
      %dma_start3A_345 = tpu.memref_slice %arg13[%add3A_233, %dma_start3A] : memref<12816x128xf32, #tpu.memory_space<vmem_shared>> -> memref<128x128xf32, #tpu.memory_space<vmem_shared>>
      %dma_start3A_346 = arith.constant 0 : i32
      %dma_start3A_347 = tpu.memref_slice %arg13[%add3A_233, %dma_start3A_346] : memref<12816x128xf32, #tpu.memory_space<vmem_shared>> -> memref<128x128xf32, #tpu.memory_space<vmem_shared>>
      tpu.enqueue_dma source(%dma_start3A_347 : memref<128x128xf32, #tpu.memory_space<vmem_shared>>) target(%arg10 : memref<128x128xf32, #tpu.memory_space<vmem>>) target_semaphore(%run_scoped3A : memref<!tpu.dma_semaphore, #tpu.memory_space<semaphore_mem>>)
      %dma_wait3A = arith.constant 0 : i32
      %dma_wait3A_348 = tpu.memref_slice %arg13[%add3A_233, %dma_wait3A] : memref<12816x128xf32, #tpu.memory_space<vmem_shared>> -> memref<128x128xf32, #tpu.memory_space<vmem_shared>>
      %dma_wait3A_349 = arith.constant 0 : i32
      %dma_wait3A_350 = tpu.memref_slice %arg13[%add3A_233, %dma_wait3A_349] : memref<12816x128xf32, #tpu.memory_space<vmem_shared>> -> memref<128x128xf32, #tpu.memory_space<vmem_shared>>
      tpu.wait_dma2 semaphore(%run_scoped3A : memref<!tpu.dma_semaphore, #tpu.memory_space<semaphore_mem>>) src(%dma_wait3A_350 : memref<128x128xf32, #tpu.memory_space<vmem_shared>>) dst(%arg10 : memref<128x128xf32, #tpu.memory_space<vmem>>)
      tpu.yield
    }) : () -> ()
    %add3A_234 = arith.addi %mul3A_209, %mul3A_206 : i32
    %add3A_235 = arith.constant 0 : i32
    %add3A_236 = arith.addi %add3A_234, %add3A_235 : i32
    "tpu.region"() ({
      %run_scoped3A = tpu.sem_alloc : memref<!tpu.dma_semaphore, #tpu.memory_space<semaphore_mem>>
      %dma_start3A = arith.constant 0 : i32
      %dma_start3A_345 = tpu.memref_slice %arg4[%add3A_236, %dma_start3A] : memref<51200x128xf32, #tpu.memory_space<hbm>> -> memref<128x128xf32, #tpu.memory_space<hbm>>
      %dma_start3A_346 = arith.constant 0 : i32
      %dma_start3A_347 = tpu.memref_slice %arg4[%add3A_236, %dma_start3A_346] : memref<51200x128xf32, #tpu.memory_space<hbm>> -> memref<128x128xf32, #tpu.memory_space<hbm>>
      tpu.enqueue_dma source(%arg10 : memref<128x128xf32, #tpu.memory_space<vmem>>) target(%dma_start3A_347 : memref<128x128xf32, #tpu.memory_space<hbm>>) target_semaphore(%run_scoped3A : memref<!tpu.dma_semaphore, #tpu.memory_space<semaphore_mem>>)
      %dma_wait3A = arith.constant 0 : i32
      %dma_wait3A_348 = tpu.memref_slice %arg4[%add3A_236, %dma_wait3A] : memref<51200x128xf32, #tpu.memory_space<hbm>> -> memref<128x128xf32, #tpu.memory_space<hbm>>
      %dma_wait3A_349 = arith.constant 0 : i32
      %dma_wait3A_350 = tpu.memref_slice %arg4[%add3A_236, %dma_wait3A_349] : memref<51200x128xf32, #tpu.memory_space<hbm>> -> memref<128x128xf32, #tpu.memory_space<hbm>>
      tpu.wait_dma2 semaphore(%run_scoped3A : memref<!tpu.dma_semaphore, #tpu.memory_space<semaphore_mem>>) src(%arg10 : memref<128x128xf32, #tpu.memory_space<vmem>>) dst(%dma_wait3A_350 : memref<128x128xf32, #tpu.memory_space<hbm>>)
      tpu.yield
    }) : () -> ()
    %add3A_237 = arith.constant 128 : i32
    %add3A_238 = arith.addi %mul3A_206, %add3A_237 : i32
    "tpu.region"() ({
      %run_scoped3A = tpu.sem_alloc : memref<!tpu.dma_semaphore, #tpu.memory_space<semaphore_mem>>
      %dma_start3A = arith.constant 0 : i32
      %dma_start3A_345 = tpu.memref_slice %arg13[%add3A_238, %dma_start3A] : memref<12816x128xf32, #tpu.memory_space<vmem_shared>> -> memref<128x128xf32, #tpu.memory_space<vmem_shared>>
      %dma_start3A_346 = arith.constant 0 : i32
      %dma_start3A_347 = tpu.memref_slice %arg13[%add3A_238, %dma_start3A_346] : memref<12816x128xf32, #tpu.memory_space<vmem_shared>> -> memref<128x128xf32, #tpu.memory_space<vmem_shared>>
      tpu.enqueue_dma source(%dma_start3A_347 : memref<128x128xf32, #tpu.memory_space<vmem_shared>>) target(%arg10 : memref<128x128xf32, #tpu.memory_space<vmem>>) target_semaphore(%run_scoped3A : memref<!tpu.dma_semaphore, #tpu.memory_space<semaphore_mem>>)
      %dma_wait3A = arith.constant 0 : i32
      %dma_wait3A_348 = tpu.memref_slice %arg13[%add3A_238, %dma_wait3A] : memref<12816x128xf32, #tpu.memory_space<vmem_shared>> -> memref<128x128xf32, #tpu.memory_space<vmem_shared>>
      %dma_wait3A_349 = arith.constant 0 : i32
      %dma_wait3A_350 = tpu.memref_slice %arg13[%add3A_238, %dma_wait3A_349] : memref<12816x128xf32, #tpu.memory_space<vmem_shared>> -> memref<128x128xf32, #tpu.memory_space<vmem_shared>>
      tpu.wait_dma2 semaphore(%run_scoped3A : memref<!tpu.dma_semaphore, #tpu.memory_space<semaphore_mem>>) src(%dma_wait3A_350 : memref<128x128xf32, #tpu.memory_space<vmem_shared>>) dst(%arg10 : memref<128x128xf32, #tpu.memory_space<vmem>>)
      tpu.yield
    }) : () -> ()
    %add3A_239 = arith.addi %mul3A_209, %mul3A_206 : i32
    %add3A_240 = arith.constant 128 : i32
    %add3A_241 = arith.addi %add3A_239, %add3A_240 : i32
    "tpu.region"() ({
      %run_scoped3A = tpu.sem_alloc : memref<!tpu.dma_semaphore, #tpu.memory_space<semaphore_mem>>
      %dma_start3A = arith.constant 0 : i32
      %dma_start3A_345 = tpu.memref_slice %arg4[%add3A_241, %dma_start3A] : memref<51200x128xf32, #tpu.memory_space<hbm>> -> memref<128x128xf32, #tpu.memory_space<hbm>>
      %dma_start3A_346 = arith.constant 0 : i32
      %dma_start3A_347 = tpu.memref_slice %arg4[%add3A_241, %dma_start3A_346] : memref<51200x128xf32, #tpu.memory_space<hbm>> -> memref<128x128xf32, #tpu.memory_space<hbm>>
      tpu.enqueue_dma source(%arg10 : memref<128x128xf32, #tpu.memory_space<vmem>>) target(%dma_start3A_347 : memref<128x128xf32, #tpu.memory_space<hbm>>) target_semaphore(%run_scoped3A : memref<!tpu.dma_semaphore, #tpu.memory_space<semaphore_mem>>)
      %dma_wait3A = arith.constant 0 : i32
      %dma_wait3A_348 = tpu.memref_slice %arg4[%add3A_241, %dma_wait3A] : memref<51200x128xf32, #tpu.memory_space<hbm>> -> memref<128x128xf32, #tpu.memory_space<hbm>>
      %dma_wait3A_349 = arith.constant 0 : i32
      %dma_wait3A_350 = tpu.memref_slice %arg4[%add3A_241, %dma_wait3A_349] : memref<51200x128xf32, #tpu.memory_space<hbm>> -> memref<128x128xf32, #tpu.memory_space<hbm>>
      tpu.wait_dma2 semaphore(%run_scoped3A : memref<!tpu.dma_semaphore, #tpu.memory_space<semaphore_mem>>) src(%arg10 : memref<128x128xf32, #tpu.memory_space<vmem>>) dst(%dma_wait3A_350 : memref<128x128xf32, #tpu.memory_space<hbm>>)
      tpu.yield
    }) : () -> ()
    %add3A_242 = arith.constant 256 : i32
    %add3A_243 = arith.addi %mul3A_206, %add3A_242 : i32
    "tpu.region"() ({
      %run_scoped3A = tpu.sem_alloc : memref<!tpu.dma_semaphore, #tpu.memory_space<semaphore_mem>>
      %dma_start3A = arith.constant 0 : i32
      %dma_start3A_345 = tpu.memref_slice %arg13[%add3A_243, %dma_start3A] : memref<12816x128xf32, #tpu.memory_space<vmem_shared>> -> memref<128x128xf32, #tpu.memory_space<vmem_shared>>
      %dma_start3A_346 = arith.constant 0 : i32
      %dma_start3A_347 = tpu.memref_slice %arg13[%add3A_243, %dma_start3A_346] : memref<12816x128xf32, #tpu.memory_space<vmem_shared>> -> memref<128x128xf32, #tpu.memory_space<vmem_shared>>
      tpu.enqueue_dma source(%dma_start3A_347 : memref<128x128xf32, #tpu.memory_space<vmem_shared>>) target(%arg10 : memref<128x128xf32, #tpu.memory_space<vmem>>) target_semaphore(%run_scoped3A : memref<!tpu.dma_semaphore, #tpu.memory_space<semaphore_mem>>)
      %dma_wait3A = arith.constant 0 : i32
      %dma_wait3A_348 = tpu.memref_slice %arg13[%add3A_243, %dma_wait3A] : memref<12816x128xf32, #tpu.memory_space<vmem_shared>> -> memref<128x128xf32, #tpu.memory_space<vmem_shared>>
      %dma_wait3A_349 = arith.constant 0 : i32
      %dma_wait3A_350 = tpu.memref_slice %arg13[%add3A_243, %dma_wait3A_349] : memref<12816x128xf32, #tpu.memory_space<vmem_shared>> -> memref<128x128xf32, #tpu.memory_space<vmem_shared>>
      tpu.wait_dma2 semaphore(%run_scoped3A : memref<!tpu.dma_semaphore, #tpu.memory_space<semaphore_mem>>) src(%dma_wait3A_350 : memref<128x128xf32, #tpu.memory_space<vmem_shared>>) dst(%arg10 : memref<128x128xf32, #tpu.memory_space<vmem>>)
      tpu.yield
    }) : () -> ()
    %add3A_244 = arith.addi %mul3A_209, %mul3A_206 : i32
    %add3A_245 = arith.constant 256 : i32
    %add3A_246 = arith.addi %add3A_244, %add3A_245 : i32
    "tpu.region"() ({
      %run_scoped3A = tpu.sem_alloc : memref<!tpu.dma_semaphore, #tpu.memory_space<semaphore_mem>>
      %dma_start3A = arith.constant 0 : i32
      %dma_start3A_345 = tpu.memref_slice %arg4[%add3A_246, %dma_start3A] : memref<51200x128xf32, #tpu.memory_space<hbm>> -> memref<128x128xf32, #tpu.memory_space<hbm>>
      %dma_start3A_346 = arith.constant 0 : i32
      %dma_start3A_347 = tpu.memref_slice %arg4[%add3A_246, %dma_start3A_346] : memref<51200x128xf32, #tpu.memory_space<hbm>> -> memref<128x128xf32, #tpu.memory_space<hbm>>
      tpu.enqueue_dma source(%arg10 : memref<128x128xf32, #tpu.memory_space<vmem>>) target(%dma_start3A_347 : memref<128x128xf32, #tpu.memory_space<hbm>>) target_semaphore(%run_scoped3A : memref<!tpu.dma_semaphore, #tpu.memory_space<semaphore_mem>>)
      %dma_wait3A = arith.constant 0 : i32
      %dma_wait3A_348 = tpu.memref_slice %arg4[%add3A_246, %dma_wait3A] : memref<51200x128xf32, #tpu.memory_space<hbm>> -> memref<128x128xf32, #tpu.memory_space<hbm>>
      %dma_wait3A_349 = arith.constant 0 : i32
      %dma_wait3A_350 = tpu.memref_slice %arg4[%add3A_246, %dma_wait3A_349] : memref<51200x128xf32, #tpu.memory_space<hbm>> -> memref<128x128xf32, #tpu.memory_space<hbm>>
      tpu.wait_dma2 semaphore(%run_scoped3A : memref<!tpu.dma_semaphore, #tpu.memory_space<semaphore_mem>>) src(%arg10 : memref<128x128xf32, #tpu.memory_space<vmem>>) dst(%dma_wait3A_350 : memref<128x128xf32, #tpu.memory_space<hbm>>)
      tpu.yield
    }) : () -> ()
    %add3A_247 = arith.constant 384 : i32
    %add3A_248 = arith.addi %mul3A_206, %add3A_247 : i32
    "tpu.region"() ({
      %run_scoped3A = tpu.sem_alloc : memref<!tpu.dma_semaphore, #tpu.memory_space<semaphore_mem>>
      %dma_start3A = arith.constant 0 : i32
      %dma_start3A_345 = tpu.memref_slice %arg13[%add3A_248, %dma_start3A] : memref<12816x128xf32, #tpu.memory_space<vmem_shared>> -> memref<128x128xf32, #tpu.memory_space<vmem_shared>>
      %dma_start3A_346 = arith.constant 0 : i32
      %dma_start3A_347 = tpu.memref_slice %arg13[%add3A_248, %dma_start3A_346] : memref<12816x128xf32, #tpu.memory_space<vmem_shared>> -> memref<128x128xf32, #tpu.memory_space<vmem_shared>>
      tpu.enqueue_dma source(%dma_start3A_347 : memref<128x128xf32, #tpu.memory_space<vmem_shared>>) target(%arg10 : memref<128x128xf32, #tpu.memory_space<vmem>>) target_semaphore(%run_scoped3A : memref<!tpu.dma_semaphore, #tpu.memory_space<semaphore_mem>>)
      %dma_wait3A = arith.constant 0 : i32
      %dma_wait3A_348 = tpu.memref_slice %arg13[%add3A_248, %dma_wait3A] : memref<12816x128xf32, #tpu.memory_space<vmem_shared>> -> memref<128x128xf32, #tpu.memory_space<vmem_shared>>
      %dma_wait3A_349 = arith.constant 0 : i32
      %dma_wait3A_350 = tpu.memref_slice %arg13[%add3A_248, %dma_wait3A_349] : memref<12816x128xf32, #tpu.memory_space<vmem_shared>> -> memref<128x128xf32, #tpu.memory_space<vmem_shared>>
      tpu.wait_dma2 semaphore(%run_scoped3A : memref<!tpu.dma_semaphore, #tpu.memory_space<semaphore_mem>>) src(%dma_wait3A_350 : memref<128x128xf32, #tpu.memory_space<vmem_shared>>) dst(%arg10 : memref<128x128xf32, #tpu.memory_space<vmem>>)
      tpu.yield
    }) : () -> ()
    %add3A_249 = arith.addi %mul3A_209, %mul3A_206 : i32
    %add3A_250 = arith.constant 384 : i32
    %add3A_251 = arith.addi %add3A_249, %add3A_250 : i32
    "tpu.region"() ({
      %run_scoped3A = tpu.sem_alloc : memref<!tpu.dma_semaphore, #tpu.memory_space<semaphore_mem>>
      %dma_start3A = arith.constant 0 : i32
      %dma_start3A_345 = tpu.memref_slice %arg4[%add3A_251, %dma_start3A] : memref<51200x128xf32, #tpu.memory_space<hbm>> -> memref<128x128xf32, #tpu.memory_space<hbm>>
      %dma_start3A_346 = arith.constant 0 : i32
      %dma_start3A_347 = tpu.memref_slice %arg4[%add3A_251, %dma_start3A_346] : memref<51200x128xf32, #tpu.memory_space<hbm>> -> memref<128x128xf32, #tpu.memory_space<hbm>>
      tpu.enqueue_dma source(%arg10 : memref<128x128xf32, #tpu.memory_space<vmem>>) target(%dma_start3A_347 : memref<128x128xf32, #tpu.memory_space<hbm>>) target_semaphore(%run_scoped3A : memref<!tpu.dma_semaphore, #tpu.memory_space<semaphore_mem>>)
      %dma_wait3A = arith.constant 0 : i32
      %dma_wait3A_348 = tpu.memref_slice %arg4[%add3A_251, %dma_wait3A] : memref<51200x128xf32, #tpu.memory_space<hbm>> -> memref<128x128xf32, #tpu.memory_space<hbm>>
      %dma_wait3A_349 = arith.constant 0 : i32
      %dma_wait3A_350 = tpu.memref_slice %arg4[%add3A_251, %dma_wait3A_349] : memref<51200x128xf32, #tpu.memory_space<hbm>> -> memref<128x128xf32, #tpu.memory_space<hbm>>
      tpu.wait_dma2 semaphore(%run_scoped3A : memref<!tpu.dma_semaphore, #tpu.memory_space<semaphore_mem>>) src(%arg10 : memref<128x128xf32, #tpu.memory_space<vmem>>) dst(%dma_wait3A_350 : memref<128x128xf32, #tpu.memory_space<hbm>>)
      tpu.yield
    }) : () -> ()
    %add3A_252 = arith.constant 512 : i32
    %add3A_253 = arith.addi %mul3A_206, %add3A_252 : i32
    "tpu.region"() ({
      %run_scoped3A = tpu.sem_alloc : memref<!tpu.dma_semaphore, #tpu.memory_space<semaphore_mem>>
      %dma_start3A = arith.constant 0 : i32
      %dma_start3A_345 = tpu.memref_slice %arg13[%add3A_253, %dma_start3A] : memref<12816x128xf32, #tpu.memory_space<vmem_shared>> -> memref<128x128xf32, #tpu.memory_space<vmem_shared>>
      %dma_start3A_346 = arith.constant 0 : i32
      %dma_start3A_347 = tpu.memref_slice %arg13[%add3A_253, %dma_start3A_346] : memref<12816x128xf32, #tpu.memory_space<vmem_shared>> -> memref<128x128xf32, #tpu.memory_space<vmem_shared>>
      tpu.enqueue_dma source(%dma_start3A_347 : memref<128x128xf32, #tpu.memory_space<vmem_shared>>) target(%arg10 : memref<128x128xf32, #tpu.memory_space<vmem>>) target_semaphore(%run_scoped3A : memref<!tpu.dma_semaphore, #tpu.memory_space<semaphore_mem>>)
      %dma_wait3A = arith.constant 0 : i32
      %dma_wait3A_348 = tpu.memref_slice %arg13[%add3A_253, %dma_wait3A] : memref<12816x128xf32, #tpu.memory_space<vmem_shared>> -> memref<128x128xf32, #tpu.memory_space<vmem_shared>>
      %dma_wait3A_349 = arith.constant 0 : i32
      %dma_wait3A_350 = tpu.memref_slice %arg13[%add3A_253, %dma_wait3A_349] : memref<12816x128xf32, #tpu.memory_space<vmem_shared>> -> memref<128x128xf32, #tpu.memory_space<vmem_shared>>
      tpu.wait_dma2 semaphore(%run_scoped3A : memref<!tpu.dma_semaphore, #tpu.memory_space<semaphore_mem>>) src(%dma_wait3A_350 : memref<128x128xf32, #tpu.memory_space<vmem_shared>>) dst(%arg10 : memref<128x128xf32, #tpu.memory_space<vmem>>)
      tpu.yield
    }) : () -> ()
    %add3A_254 = arith.addi %mul3A_209, %mul3A_206 : i32
    %add3A_255 = arith.constant 512 : i32
    %add3A_256 = arith.addi %add3A_254, %add3A_255 : i32
    "tpu.region"() ({
      %run_scoped3A = tpu.sem_alloc : memref<!tpu.dma_semaphore, #tpu.memory_space<semaphore_mem>>
      %dma_start3A = arith.constant 0 : i32
      %dma_start3A_345 = tpu.memref_slice %arg4[%add3A_256, %dma_start3A] : memref<51200x128xf32, #tpu.memory_space<hbm>> -> memref<128x128xf32, #tpu.memory_space<hbm>>
      %dma_start3A_346 = arith.constant 0 : i32
      %dma_start3A_347 = tpu.memref_slice %arg4[%add3A_256, %dma_start3A_346] : memref<51200x128xf32, #tpu.memory_space<hbm>> -> memref<128x128xf32, #tpu.memory_space<hbm>>
      tpu.enqueue_dma source(%arg10 : memref<128x128xf32, #tpu.memory_space<vmem>>) target(%dma_start3A_347 : memref<128x128xf32, #tpu.memory_space<hbm>>) target_semaphore(%run_scoped3A : memref<!tpu.dma_semaphore, #tpu.memory_space<semaphore_mem>>)
      %dma_wait3A = arith.constant 0 : i32
      %dma_wait3A_348 = tpu.memref_slice %arg4[%add3A_256, %dma_wait3A] : memref<51200x128xf32, #tpu.memory_space<hbm>> -> memref<128x128xf32, #tpu.memory_space<hbm>>
      %dma_wait3A_349 = arith.constant 0 : i32
      %dma_wait3A_350 = tpu.memref_slice %arg4[%add3A_256, %dma_wait3A_349] : memref<51200x128xf32, #tpu.memory_space<hbm>> -> memref<128x128xf32, #tpu.memory_space<hbm>>
      tpu.wait_dma2 semaphore(%run_scoped3A : memref<!tpu.dma_semaphore, #tpu.memory_space<semaphore_mem>>) src(%arg10 : memref<128x128xf32, #tpu.memory_space<vmem>>) dst(%dma_wait3A_350 : memref<128x128xf32, #tpu.memory_space<hbm>>)
      tpu.yield
    }) : () -> ()
    %add3A_257 = arith.constant 640 : i32
    %add3A_258 = arith.addi %mul3A_206, %add3A_257 : i32
    "tpu.region"() ({
      %run_scoped3A = tpu.sem_alloc : memref<!tpu.dma_semaphore, #tpu.memory_space<semaphore_mem>>
      %dma_start3A = arith.constant 0 : i32
      %dma_start3A_345 = tpu.memref_slice %arg13[%add3A_258, %dma_start3A] : memref<12816x128xf32, #tpu.memory_space<vmem_shared>> -> memref<128x128xf32, #tpu.memory_space<vmem_shared>>
      %dma_start3A_346 = arith.constant 0 : i32
      %dma_start3A_347 = tpu.memref_slice %arg13[%add3A_258, %dma_start3A_346] : memref<12816x128xf32, #tpu.memory_space<vmem_shared>> -> memref<128x128xf32, #tpu.memory_space<vmem_shared>>
      tpu.enqueue_dma source(%dma_start3A_347 : memref<128x128xf32, #tpu.memory_space<vmem_shared>>) target(%arg10 : memref<128x128xf32, #tpu.memory_space<vmem>>) target_semaphore(%run_scoped3A : memref<!tpu.dma_semaphore, #tpu.memory_space<semaphore_mem>>)
      %dma_wait3A = arith.constant 0 : i32
      %dma_wait3A_348 = tpu.memref_slice %arg13[%add3A_258, %dma_wait3A] : memref<12816x128xf32, #tpu.memory_space<vmem_shared>> -> memref<128x128xf32, #tpu.memory_space<vmem_shared>>
      %dma_wait3A_349 = arith.constant 0 : i32
      %dma_wait3A_350 = tpu.memref_slice %arg13[%add3A_258, %dma_wait3A_349] : memref<12816x128xf32, #tpu.memory_space<vmem_shared>> -> memref<128x128xf32, #tpu.memory_space<vmem_shared>>
      tpu.wait_dma2 semaphore(%run_scoped3A : memref<!tpu.dma_semaphore, #tpu.memory_space<semaphore_mem>>) src(%dma_wait3A_350 : memref<128x128xf32, #tpu.memory_space<vmem_shared>>) dst(%arg10 : memref<128x128xf32, #tpu.memory_space<vmem>>)
      tpu.yield
    }) : () -> ()
    %add3A_259 = arith.addi %mul3A_209, %mul3A_206 : i32
    %add3A_260 = arith.constant 640 : i32
    %add3A_261 = arith.addi %add3A_259, %add3A_260 : i32
    "tpu.region"() ({
      %run_scoped3A = tpu.sem_alloc : memref<!tpu.dma_semaphore, #tpu.memory_space<semaphore_mem>>
      %dma_start3A = arith.constant 0 : i32
      %dma_start3A_345 = tpu.memref_slice %arg4[%add3A_261, %dma_start3A] : memref<51200x128xf32, #tpu.memory_space<hbm>> -> memref<128x128xf32, #tpu.memory_space<hbm>>
      %dma_start3A_346 = arith.constant 0 : i32
      %dma_start3A_347 = tpu.memref_slice %arg4[%add3A_261, %dma_start3A_346] : memref<51200x128xf32, #tpu.memory_space<hbm>> -> memref<128x128xf32, #tpu.memory_space<hbm>>
      tpu.enqueue_dma source(%arg10 : memref<128x128xf32, #tpu.memory_space<vmem>>) target(%dma_start3A_347 : memref<128x128xf32, #tpu.memory_space<hbm>>) target_semaphore(%run_scoped3A : memref<!tpu.dma_semaphore, #tpu.memory_space<semaphore_mem>>)
      %dma_wait3A = arith.constant 0 : i32
      %dma_wait3A_348 = tpu.memref_slice %arg4[%add3A_261, %dma_wait3A] : memref<51200x128xf32, #tpu.memory_space<hbm>> -> memref<128x128xf32, #tpu.memory_space<hbm>>
      %dma_wait3A_349 = arith.constant 0 : i32
      %dma_wait3A_350 = tpu.memref_slice %arg4[%add3A_261, %dma_wait3A_349] : memref<51200x128xf32, #tpu.memory_space<hbm>> -> memref<128x128xf32, #tpu.memory_space<hbm>>
      tpu.wait_dma2 semaphore(%run_scoped3A : memref<!tpu.dma_semaphore, #tpu.memory_space<semaphore_mem>>) src(%arg10 : memref<128x128xf32, #tpu.memory_space<vmem>>) dst(%dma_wait3A_350 : memref<128x128xf32, #tpu.memory_space<hbm>>)
      tpu.yield
    }) : () -> ()
    %add3A_262 = arith.constant 768 : i32
    %add3A_263 = arith.addi %mul3A_206, %add3A_262 : i32
    "tpu.region"() ({
      %run_scoped3A = tpu.sem_alloc : memref<!tpu.dma_semaphore, #tpu.memory_space<semaphore_mem>>
      %dma_start3A = arith.constant 0 : i32
      %dma_start3A_345 = arith.constant 0 : i32
      %dma_start3A_346 = tpu.memref_slice %arg10[%dma_start3A, %dma_start3A_345] : memref<128x128xf32, #tpu.memory_space<vmem>> -> memref<32x128xf32, #tpu.memory_space<vmem>>
      %dma_start3A_347 = arith.constant 0 : i32
      %dma_start3A_348 = tpu.memref_slice %arg13[%add3A_263, %dma_start3A_347] : memref<12816x128xf32, #tpu.memory_space<vmem_shared>> -> memref<32x128xf32, #tpu.memory_space<vmem_shared>>
      %dma_start3A_349 = arith.constant 0 : i32
      %dma_start3A_350 = arith.constant 0 : i32
      %dma_start3A_351 = tpu.memref_slice %arg10[%dma_start3A_349, %dma_start3A_350] : memref<128x128xf32, #tpu.memory_space<vmem>> -> memref<32x128xf32, #tpu.memory_space<vmem>>
      %dma_start3A_352 = arith.constant 0 : i32
      %dma_start3A_353 = tpu.memref_slice %arg13[%add3A_263, %dma_start3A_352] : memref<12816x128xf32, #tpu.memory_space<vmem_shared>> -> memref<32x128xf32, #tpu.memory_space<vmem_shared>>
      tpu.enqueue_dma source(%dma_start3A_353 : memref<32x128xf32, #tpu.memory_space<vmem_shared>>) target(%dma_start3A_351 : memref<32x128xf32, #tpu.memory_space<vmem>>) target_semaphore(%run_scoped3A : memref<!tpu.dma_semaphore, #tpu.memory_space<semaphore_mem>>)
      %dma_wait3A = arith.constant 0 : i32
      %dma_wait3A_354 = arith.constant 0 : i32
      %dma_wait3A_355 = tpu.memref_slice %arg10[%dma_wait3A, %dma_wait3A_354] : memref<128x128xf32, #tpu.memory_space<vmem>> -> memref<32x128xf32, #tpu.memory_space<vmem>>
      %dma_wait3A_356 = arith.constant 0 : i32
      %dma_wait3A_357 = tpu.memref_slice %arg13[%add3A_263, %dma_wait3A_356] : memref<12816x128xf32, #tpu.memory_space<vmem_shared>> -> memref<32x128xf32, #tpu.memory_space<vmem_shared>>
      %dma_wait3A_358 = arith.constant 0 : i32
      %dma_wait3A_359 = arith.constant 0 : i32
      %dma_wait3A_360 = tpu.memref_slice %arg10[%dma_wait3A_358, %dma_wait3A_359] : memref<128x128xf32, #tpu.memory_space<vmem>> -> memref<32x128xf32, #tpu.memory_space<vmem>>
      %dma_wait3A_361 = arith.constant 0 : i32
      %dma_wait3A_362 = tpu.memref_slice %arg13[%add3A_263, %dma_wait3A_361] : memref<12816x128xf32, #tpu.memory_space<vmem_shared>> -> memref<32x128xf32, #tpu.memory_space<vmem_shared>>
      tpu.wait_dma2 semaphore(%run_scoped3A : memref<!tpu.dma_semaphore, #tpu.memory_space<semaphore_mem>>) src(%dma_wait3A_362 : memref<32x128xf32, #tpu.memory_space<vmem_shared>>) dst(%dma_wait3A_360 : memref<32x128xf32, #tpu.memory_space<vmem>>)
      tpu.yield
    }) : () -> ()
    %add3A_264 = arith.addi %mul3A_209, %mul3A_206 : i32
    %add3A_265 = arith.constant 768 : i32
    %add3A_266 = arith.addi %add3A_264, %add3A_265 : i32
    "tpu.region"() ({
      %run_scoped3A = tpu.sem_alloc : memref<!tpu.dma_semaphore, #tpu.memory_space<semaphore_mem>>
      %dma_start3A = arith.constant 0 : i32
      %dma_start3A_345 = arith.constant 0 : i32
      %dma_start3A_346 = tpu.memref_slice %arg10[%dma_start3A, %dma_start3A_345] : memref<128x128xf32, #tpu.memory_space<vmem>> -> memref<32x128xf32, #tpu.memory_space<vmem>>
      %dma_start3A_347 = arith.constant 0 : i32
      %dma_start3A_348 = tpu.memref_slice %arg4[%add3A_266, %dma_start3A_347] : memref<51200x128xf32, #tpu.memory_space<hbm>> -> memref<32x128xf32, #tpu.memory_space<hbm>>
      %dma_start3A_349 = arith.constant 0 : i32
      %dma_start3A_350 = tpu.memref_slice %arg4[%add3A_266, %dma_start3A_349] : memref<51200x128xf32, #tpu.memory_space<hbm>> -> memref<32x128xf32, #tpu.memory_space<hbm>>
      %dma_start3A_351 = arith.constant 0 : i32
      %dma_start3A_352 = arith.constant 0 : i32
      %dma_start3A_353 = tpu.memref_slice %arg10[%dma_start3A_351, %dma_start3A_352] : memref<128x128xf32, #tpu.memory_space<vmem>> -> memref<32x128xf32, #tpu.memory_space<vmem>>
      tpu.enqueue_dma source(%dma_start3A_353 : memref<32x128xf32, #tpu.memory_space<vmem>>) target(%dma_start3A_350 : memref<32x128xf32, #tpu.memory_space<hbm>>) target_semaphore(%run_scoped3A : memref<!tpu.dma_semaphore, #tpu.memory_space<semaphore_mem>>)
      %dma_wait3A = arith.constant 0 : i32
      %dma_wait3A_354 = arith.constant 0 : i32
      %dma_wait3A_355 = tpu.memref_slice %arg10[%dma_wait3A, %dma_wait3A_354] : memref<128x128xf32, #tpu.memory_space<vmem>> -> memref<32x128xf32, #tpu.memory_space<vmem>>
      %dma_wait3A_356 = arith.constant 0 : i32
      %dma_wait3A_357 = tpu.memref_slice %arg4[%add3A_266, %dma_wait3A_356] : memref<51200x128xf32, #tpu.memory_space<hbm>> -> memref<32x128xf32, #tpu.memory_space<hbm>>
      %dma_wait3A_358 = arith.constant 0 : i32
      %dma_wait3A_359 = tpu.memref_slice %arg4[%add3A_266, %dma_wait3A_358] : memref<51200x128xf32, #tpu.memory_space<hbm>> -> memref<32x128xf32, #tpu.memory_space<hbm>>
      %dma_wait3A_360 = arith.constant 0 : i32
      %dma_wait3A_361 = arith.constant 0 : i32
      %dma_wait3A_362 = tpu.memref_slice %arg10[%dma_wait3A_360, %dma_wait3A_361] : memref<128x128xf32, #tpu.memory_space<vmem>> -> memref<32x128xf32, #tpu.memory_space<vmem>>
      tpu.wait_dma2 semaphore(%run_scoped3A : memref<!tpu.dma_semaphore, #tpu.memory_space<semaphore_mem>>) src(%dma_wait3A_362 : memref<32x128xf32, #tpu.memory_space<vmem>>) dst(%dma_wait3A_359 : memref<32x128xf32, #tpu.memory_space<hbm>>)
      tpu.yield
    }) : () -> ()
    "tpu.region"() ({
      %run_scoped3A = tpu.sem_alloc : memref<!tpu.dma_semaphore, #tpu.memory_space<semaphore_mem>>
      %dma_start3A = tpu.memref_slice %arg14[%mul3A_206] : memref<12816xf32, #tpu.memory_space<vmem_shared>> -> memref<800xf32, #tpu.memory_space<vmem_shared>>
      %dma_start3A_345 = tpu.memref_slice %arg14[%mul3A_206] : memref<12816xf32, #tpu.memory_space<vmem_shared>> -> memref<800xf32, #tpu.memory_space<vmem_shared>>
      tpu.enqueue_dma source(%dma_start3A_345 : memref<800xf32, #tpu.memory_space<vmem_shared>>) target(%arg12 : memref<800xf32, #tpu.memory_space<vmem>>) target_semaphore(%run_scoped3A : memref<!tpu.dma_semaphore, #tpu.memory_space<semaphore_mem>>)
      %dma_wait3A = tpu.memref_slice %arg14[%mul3A_206] : memref<12816xf32, #tpu.memory_space<vmem_shared>> -> memref<800xf32, #tpu.memory_space<vmem_shared>>
      %dma_wait3A_346 = tpu.memref_slice %arg14[%mul3A_206] : memref<12816xf32, #tpu.memory_space<vmem_shared>> -> memref<800xf32, #tpu.memory_space<vmem_shared>>
      tpu.wait_dma2 semaphore(%run_scoped3A : memref<!tpu.dma_semaphore, #tpu.memory_space<semaphore_mem>>) src(%dma_wait3A_346 : memref<800xf32, #tpu.memory_space<vmem_shared>>) dst(%arg12 : memref<800xf32, #tpu.memory_space<vmem>>)
      tpu.yield
    }) : () -> ()
    %add3A_267 = arith.addi %mul3A_209, %mul3A_206 : i32
    "tpu.region"() ({
      %run_scoped3A = tpu.sem_alloc : memref<!tpu.dma_semaphore, #tpu.memory_space<semaphore_mem>>
      %dma_start3A = tpu.memref_slice %arg5[%add3A_267] : memref<51200xf32, #tpu.memory_space<hbm>> -> memref<800xf32, #tpu.memory_space<hbm>>
      %dma_start3A_345 = tpu.memref_slice %arg5[%add3A_267] : memref<51200xf32, #tpu.memory_space<hbm>> -> memref<800xf32, #tpu.memory_space<hbm>>
      tpu.enqueue_dma source(%arg12 : memref<800xf32, #tpu.memory_space<vmem>>) target(%dma_start3A_345 : memref<800xf32, #tpu.memory_space<hbm>>) target_semaphore(%run_scoped3A : memref<!tpu.dma_semaphore, #tpu.memory_space<semaphore_mem>>)
      %dma_wait3A = tpu.memref_slice %arg5[%add3A_267] : memref<51200xf32, #tpu.memory_space<hbm>> -> memref<800xf32, #tpu.memory_space<hbm>>
      %dma_wait3A_346 = tpu.memref_slice %arg5[%add3A_267] : memref<51200xf32, #tpu.memory_space<hbm>> -> memref<800xf32, #tpu.memory_space<hbm>>
      tpu.wait_dma2 semaphore(%run_scoped3A : memref<!tpu.dma_semaphore, #tpu.memory_space<semaphore_mem>>) src(%arg12 : memref<800xf32, #tpu.memory_space<vmem>>) dst(%dma_wait3A_346 : memref<800xf32, #tpu.memory_space<hbm>>)
      tpu.yield
    }) : () -> ()
    %scan3A_268 = arith.constant 0 : i32
    %scan3A_269 = arith.constant 0 : i32
    %scan3A_270 = arith.constant 128 : i32
    %scan3A_271 = arith.addi %scan3A_269, %scan3A_270 : i32
    %scan3A_272 = arith.constant 1 : i32
    %scan3A_273 = scf.for %scan3A_345 = %scan3A_269 to %scan3A_271 step %scan3A_272 iter_args(%scan3A_346 = %scan3A_268) -> (i32)  : i32 {
      %swap3A_347 = arith.index_cast %scan3A_345 : i32 to index
      %swap3A_348 = arith.constant 0 : index
      %swap3A_349 = tpu.vector_load %arg10[%swap3A_347, %swap3A_348] {strides = array<i32>} : memref<128x128xf32, #tpu.memory_space<vmem>>, vector<1x16xf32>,
      %swap3A_350 = vector.shape_cast %swap3A_349 : vector<1x16xf32> to vector<16xf32>
      %swap3A_351 = vector.shape_cast %broadcast_in_dim3A_0 : vector<16xf32> to vector<1x16xf32>
      tpu.vector_store %arg10[%swap3A_347, %swap3A_348], %swap3A_351 {strides = array<i32>} : memref<128x128xf32, #tpu.memory_space<vmem>>, vector<1x16xf32>,
      %swap3A_352 = arith.index_cast %scan3A_345 : i32 to index
      %swap3A_353 = arith.constant 16 : index
      %swap3A_354 = tpu.vector_load %arg10[%swap3A_352, %swap3A_353] {strides = array<i32>} : memref<128x128xf32, #tpu.memory_space<vmem>>, vector<1x16xf32>,
      %swap3A_355 = vector.shape_cast %swap3A_354 : vector<1x16xf32> to vector<16xf32>
      %swap3A_356 = vector.shape_cast %broadcast_in_dim3A_0 : vector<16xf32> to vector<1x16xf32>
      tpu.vector_store %arg10[%swap3A_352, %swap3A_353], %swap3A_356 {strides = array<i32>} : memref<128x128xf32, #tpu.memory_space<vmem>>, vector<1x16xf32>,
      %swap3A_357 = arith.index_cast %scan3A_345 : i32 to index
      %swap3A_358 = arith.constant 32 : index
      %swap3A_359 = tpu.vector_load %arg10[%swap3A_357, %swap3A_358] {strides = array<i32>} : memref<128x128xf32, #tpu.memory_space<vmem>>, vector<1x16xf32>,
      %swap3A_360 = vector.shape_cast %swap3A_359 : vector<1x16xf32> to vector<16xf32>
      %swap3A_361 = vector.shape_cast %broadcast_in_dim3A_0 : vector<16xf32> to vector<1x16xf32>
      tpu.vector_store %arg10[%swap3A_357, %swap3A_358], %swap3A_361 {strides = array<i32>} : memref<128x128xf32, #tpu.memory_space<vmem>>, vector<1x16xf32>,
      %swap3A_362 = arith.index_cast %scan3A_345 : i32 to index
      %swap3A_363 = arith.constant 48 : index
      %swap3A_364 = tpu.vector_load %arg10[%swap3A_362, %swap3A_363] {strides = array<i32>} : memref<128x128xf32, #tpu.memory_space<vmem>>, vector<1x16xf32>,
      %swap3A_365 = vector.shape_cast %swap3A_364 : vector<1x16xf32> to vector<16xf32>
      %swap3A_366 = vector.shape_cast %broadcast_in_dim3A_0 : vector<16xf32> to vector<1x16xf32>
      tpu.vector_store %arg10[%swap3A_362, %swap3A_363], %swap3A_366 {strides = array<i32>} : memref<128x128xf32, #tpu.memory_space<vmem>>, vector<1x16xf32>,
      %swap3A_367 = arith.index_cast %scan3A_345 : i32 to index
      %swap3A_368 = arith.constant 64 : index
      %swap3A_369 = tpu.vector_load %arg10[%swap3A_367, %swap3A_368] {strides = array<i32>} : memref<128x128xf32, #tpu.memory_space<vmem>>, vector<1x16xf32>,
      %swap3A_370 = vector.shape_cast %swap3A_369 : vector<1x16xf32> to vector<16xf32>
      %swap3A_371 = vector.shape_cast %broadcast_in_dim3A_0 : vector<16xf32> to vector<1x16xf32>
      tpu.vector_store %arg10[%swap3A_367, %swap3A_368], %swap3A_371 {strides = array<i32>} : memref<128x128xf32, #tpu.memory_space<vmem>>, vector<1x16xf32>,
      %swap3A_372 = arith.index_cast %scan3A_345 : i32 to index
      %swap3A_373 = arith.constant 80 : index
      %swap3A_374 = tpu.vector_load %arg10[%swap3A_372, %swap3A_373] {strides = array<i32>} : memref<128x128xf32, #tpu.memory_space<vmem>>, vector<1x16xf32>,
      %swap3A_375 = vector.shape_cast %swap3A_374 : vector<1x16xf32> to vector<16xf32>
      %swap3A_376 = vector.shape_cast %broadcast_in_dim3A_0 : vector<16xf32> to vector<1x16xf32>
      tpu.vector_store %arg10[%swap3A_372, %swap3A_373], %swap3A_376 {strides = array<i32>} : memref<128x128xf32, #tpu.memory_space<vmem>>, vector<1x16xf32>,
      %swap3A_377 = arith.index_cast %scan3A_345 : i32 to index
      %swap3A_378 = arith.constant 96 : index
      %swap3A_379 = tpu.vector_load %arg10[%swap3A_377, %swap3A_378] {strides = array<i32>} : memref<128x128xf32, #tpu.memory_space<vmem>>, vector<1x16xf32>,
      %swap3A_380 = vector.shape_cast %swap3A_379 : vector<1x16xf32> to vector<16xf32>
      %swap3A_381 = vector.shape_cast %broadcast_in_dim3A_0 : vector<16xf32> to vector<1x16xf32>
      tpu.vector_store %arg10[%swap3A_377, %swap3A_378], %swap3A_381 {strides = array<i32>} : memref<128x128xf32, #tpu.memory_space<vmem>>, vector<1x16xf32>,
      %swap3A_382 = arith.index_cast %scan3A_345 : i32 to index
      %swap3A_383 = arith.constant 112 : index
      %swap3A_384 = tpu.vector_load %arg10[%swap3A_382, %swap3A_383] {strides = array<i32>} : memref<128x128xf32, #tpu.memory_space<vmem>>, vector<1x16xf32>,
      %swap3A_385 = vector.shape_cast %swap3A_384 : vector<1x16xf32> to vector<16xf32>
      %swap3A_386 = vector.shape_cast %broadcast_in_dim3A_0 : vector<16xf32> to vector<1x16xf32>
      tpu.vector_store %arg10[%swap3A_382, %swap3A_383], %swap3A_386 {strides = array<i32>} : memref<128x128xf32, #tpu.memory_space<vmem>>, vector<1x16xf32>,
      %scan3A_387 = arith.constant 0 : i32
      scf.yield %scan3A_387 : i32
    }
    %scan3A_274 = arith.constant 128 : i32
    %add3A_275 = arith.constant 2 : i32
    %add3A_276 = arith.addi %add3A_275, %arg0 : i32
    %mul3A_277 = arith.constant 12800 : i32
    %mul3A_278 = arith.muli %add3A_276, %mul3A_277 : i32
    %add3A_279 = arith.constant 0 : i32
    %add3A_280 = arith.addi %mul3A_206, %add3A_279 : i32
    "tpu.region"() ({
      %run_scoped3A = tpu.sem_alloc : memref<!tpu.dma_semaphore, #tpu.memory_space<semaphore_mem>>
      %dma_start3A = arith.constant 0 : i32
      %dma_start3A_345 = tpu.memref_slice %arg13[%add3A_280, %dma_start3A] : memref<12816x128xf32, #tpu.memory_space<vmem_shared>> -> memref<128x128xf32, #tpu.memory_space<vmem_shared>>
      %dma_start3A_346 = arith.constant 0 : i32
      %dma_start3A_347 = tpu.memref_slice %arg13[%add3A_280, %dma_start3A_346] : memref<12816x128xf32, #tpu.memory_space<vmem_shared>> -> memref<128x128xf32, #tpu.memory_space<vmem_shared>>
      tpu.enqueue_dma source(%arg10 : memref<128x128xf32, #tpu.memory_space<vmem>>) target(%dma_start3A_347 : memref<128x128xf32, #tpu.memory_space<vmem_shared>>) target_semaphore(%run_scoped3A : memref<!tpu.dma_semaphore, #tpu.memory_space<semaphore_mem>>)
      %dma_wait3A = arith.constant 0 : i32
      %dma_wait3A_348 = tpu.memref_slice %arg13[%add3A_280, %dma_wait3A] : memref<12816x128xf32, #tpu.memory_space<vmem_shared>> -> memref<128x128xf32, #tpu.memory_space<vmem_shared>>
      %dma_wait3A_349 = arith.constant 0 : i32
      %dma_wait3A_350 = tpu.memref_slice %arg13[%add3A_280, %dma_wait3A_349] : memref<12816x128xf32, #tpu.memory_space<vmem_shared>> -> memref<128x128xf32, #tpu.memory_space<vmem_shared>>
      tpu.wait_dma2 semaphore(%run_scoped3A : memref<!tpu.dma_semaphore, #tpu.memory_space<semaphore_mem>>) src(%arg10 : memref<128x128xf32, #tpu.memory_space<vmem>>) dst(%dma_wait3A_350 : memref<128x128xf32, #tpu.memory_space<vmem_shared>>)
      tpu.yield
    }) : () -> ()
    %add3A_281 = arith.constant 128 : i32
    %add3A_282 = arith.addi %mul3A_206, %add3A_281 : i32
    "tpu.region"() ({
      %run_scoped3A = tpu.sem_alloc : memref<!tpu.dma_semaphore, #tpu.memory_space<semaphore_mem>>
      %dma_start3A = arith.constant 0 : i32
      %dma_start3A_345 = tpu.memref_slice %arg13[%add3A_282, %dma_start3A] : memref<12816x128xf32, #tpu.memory_space<vmem_shared>> -> memref<128x128xf32, #tpu.memory_space<vmem_shared>>
      %dma_start3A_346 = arith.constant 0 : i32
      %dma_start3A_347 = tpu.memref_slice %arg13[%add3A_282, %dma_start3A_346] : memref<12816x128xf32, #tpu.memory_space<vmem_shared>> -> memref<128x128xf32, #tpu.memory_space<vmem_shared>>
      tpu.enqueue_dma source(%arg10 : memref<128x128xf32, #tpu.memory_space<vmem>>) target(%dma_start3A_347 : memref<128x128xf32, #tpu.memory_space<vmem_shared>>) target_semaphore(%run_scoped3A : memref<!tpu.dma_semaphore, #tpu.memory_space<semaphore_mem>>)
      %dma_wait3A = arith.constant 0 : i32
      %dma_wait3A_348 = tpu.memref_slice %arg13[%add3A_282, %dma_wait3A] : memref<12816x128xf32, #tpu.memory_space<vmem_shared>> -> memref<128x128xf32, #tpu.memory_space<vmem_shared>>
      %dma_wait3A_349 = arith.constant 0 : i32
      %dma_wait3A_350 = tpu.memref_slice %arg13[%add3A_282, %dma_wait3A_349] : memref<12816x128xf32, #tpu.memory_space<vmem_shared>> -> memref<128x128xf32, #tpu.memory_space<vmem_shared>>
      tpu.wait_dma2 semaphore(%run_scoped3A : memref<!tpu.dma_semaphore, #tpu.memory_space<semaphore_mem>>) src(%arg10 : memref<128x128xf32, #tpu.memory_space<vmem>>) dst(%dma_wait3A_350 : memref<128x128xf32, #tpu.memory_space<vmem_shared>>)
      tpu.yield
    }) : () -> ()
    %add3A_283 = arith.constant 256 : i32
    %add3A_284 = arith.addi %mul3A_206, %add3A_283 : i32
    "tpu.region"() ({
      %run_scoped3A = tpu.sem_alloc : memref<!tpu.dma_semaphore, #tpu.memory_space<semaphore_mem>>
      %dma_start3A = arith.constant 0 : i32
      %dma_start3A_345 = tpu.memref_slice %arg13[%add3A_284, %dma_start3A] : memref<12816x128xf32, #tpu.memory_space<vmem_shared>> -> memref<128x128xf32, #tpu.memory_space<vmem_shared>>
      %dma_start3A_346 = arith.constant 0 : i32
      %dma_start3A_347 = tpu.memref_slice %arg13[%add3A_284, %dma_start3A_346] : memref<12816x128xf32, #tpu.memory_space<vmem_shared>> -> memref<128x128xf32, #tpu.memory_space<vmem_shared>>
      tpu.enqueue_dma source(%arg10 : memref<128x128xf32, #tpu.memory_space<vmem>>) target(%dma_start3A_347 : memref<128x128xf32, #tpu.memory_space<vmem_shared>>) target_semaphore(%run_scoped3A : memref<!tpu.dma_semaphore, #tpu.memory_space<semaphore_mem>>)
      %dma_wait3A = arith.constant 0 : i32
      %dma_wait3A_348 = tpu.memref_slice %arg13[%add3A_284, %dma_wait3A] : memref<12816x128xf32, #tpu.memory_space<vmem_shared>> -> memref<128x128xf32, #tpu.memory_space<vmem_shared>>
      %dma_wait3A_349 = arith.constant 0 : i32
      %dma_wait3A_350 = tpu.memref_slice %arg13[%add3A_284, %dma_wait3A_349] : memref<12816x128xf32, #tpu.memory_space<vmem_shared>> -> memref<128x128xf32, #tpu.memory_space<vmem_shared>>
      tpu.wait_dma2 semaphore(%run_scoped3A : memref<!tpu.dma_semaphore, #tpu.memory_space<semaphore_mem>>) src(%arg10 : memref<128x128xf32, #tpu.memory_space<vmem>>) dst(%dma_wait3A_350 : memref<128x128xf32, #tpu.memory_space<vmem_shared>>)
      tpu.yield
    }) : () -> ()
    %add3A_285 = arith.constant 384 : i32
    %add3A_286 = arith.addi %mul3A_206, %add3A_285 : i32
    "tpu.region"() ({
      %run_scoped3A = tpu.sem_alloc : memref<!tpu.dma_semaphore, #tpu.memory_space<semaphore_mem>>
      %dma_start3A = arith.constant 0 : i32
      %dma_start3A_345 = tpu.memref_slice %arg13[%add3A_286, %dma_start3A] : memref<12816x128xf32, #tpu.memory_space<vmem_shared>> -> memref<128x128xf32, #tpu.memory_space<vmem_shared>>
      %dma_start3A_346 = arith.constant 0 : i32
      %dma_start3A_347 = tpu.memref_slice %arg13[%add3A_286, %dma_start3A_346] : memref<12816x128xf32, #tpu.memory_space<vmem_shared>> -> memref<128x128xf32, #tpu.memory_space<vmem_shared>>
      tpu.enqueue_dma source(%arg10 : memref<128x128xf32, #tpu.memory_space<vmem>>) target(%dma_start3A_347 : memref<128x128xf32, #tpu.memory_space<vmem_shared>>) target_semaphore(%run_scoped3A : memref<!tpu.dma_semaphore, #tpu.memory_space<semaphore_mem>>)
      %dma_wait3A = arith.constant 0 : i32
      %dma_wait3A_348 = tpu.memref_slice %arg13[%add3A_286, %dma_wait3A] : memref<12816x128xf32, #tpu.memory_space<vmem_shared>> -> memref<128x128xf32, #tpu.memory_space<vmem_shared>>
      %dma_wait3A_349 = arith.constant 0 : i32
      %dma_wait3A_350 = tpu.memref_slice %arg13[%add3A_286, %dma_wait3A_349] : memref<12816x128xf32, #tpu.memory_space<vmem_shared>> -> memref<128x128xf32, #tpu.memory_space<vmem_shared>>
      tpu.wait_dma2 semaphore(%run_scoped3A : memref<!tpu.dma_semaphore, #tpu.memory_space<semaphore_mem>>) src(%arg10 : memref<128x128xf32, #tpu.memory_space<vmem>>) dst(%dma_wait3A_350 : memref<128x128xf32, #tpu.memory_space<vmem_shared>>)
      tpu.yield
    }) : () -> ()
    %add3A_287 = arith.constant 512 : i32
    %add3A_288 = arith.addi %mul3A_206, %add3A_287 : i32
    "tpu.region"() ({
      %run_scoped3A = tpu.sem_alloc : memref<!tpu.dma_semaphore, #tpu.memory_space<semaphore_mem>>
      %dma_start3A = arith.constant 0 : i32
      %dma_start3A_345 = tpu.memref_slice %arg13[%add3A_288, %dma_start3A] : memref<12816x128xf32, #tpu.memory_space<vmem_shared>> -> memref<128x128xf32, #tpu.memory_space<vmem_shared>>
      %dma_start3A_346 = arith.constant 0 : i32
      %dma_start3A_347 = tpu.memref_slice %arg13[%add3A_288, %dma_start3A_346] : memref<12816x128xf32, #tpu.memory_space<vmem_shared>> -> memref<128x128xf32, #tpu.memory_space<vmem_shared>>
      tpu.enqueue_dma source(%arg10 : memref<128x128xf32, #tpu.memory_space<vmem>>) target(%dma_start3A_347 : memref<128x128xf32, #tpu.memory_space<vmem_shared>>) target_semaphore(%run_scoped3A : memref<!tpu.dma_semaphore, #tpu.memory_space<semaphore_mem>>)
      %dma_wait3A = arith.constant 0 : i32
      %dma_wait3A_348 = tpu.memref_slice %arg13[%add3A_288, %dma_wait3A] : memref<12816x128xf32, #tpu.memory_space<vmem_shared>> -> memref<128x128xf32, #tpu.memory_space<vmem_shared>>
      %dma_wait3A_349 = arith.constant 0 : i32
      %dma_wait3A_350 = tpu.memref_slice %arg13[%add3A_288, %dma_wait3A_349] : memref<12816x128xf32, #tpu.memory_space<vmem_shared>> -> memref<128x128xf32, #tpu.memory_space<vmem_shared>>
      tpu.wait_dma2 semaphore(%run_scoped3A : memref<!tpu.dma_semaphore, #tpu.memory_space<semaphore_mem>>) src(%arg10 : memref<128x128xf32, #tpu.memory_space<vmem>>) dst(%dma_wait3A_350 : memref<128x128xf32, #tpu.memory_space<vmem_shared>>)
      tpu.yield
    }) : () -> ()
    %add3A_289 = arith.constant 640 : i32
    %add3A_290 = arith.addi %mul3A_206, %add3A_289 : i32
    "tpu.region"() ({
      %run_scoped3A = tpu.sem_alloc : memref<!tpu.dma_semaphore, #tpu.memory_space<semaphore_mem>>
      %dma_start3A = arith.constant 0 : i32
      %dma_start3A_345 = tpu.memref_slice %arg13[%add3A_290, %dma_start3A] : memref<12816x128xf32, #tpu.memory_space<vmem_shared>> -> memref<128x128xf32, #tpu.memory_space<vmem_shared>>
      %dma_start3A_346 = arith.constant 0 : i32
      %dma_start3A_347 = tpu.memref_slice %arg13[%add3A_290, %dma_start3A_346] : memref<12816x128xf32, #tpu.memory_space<vmem_shared>> -> memref<128x128xf32, #tpu.memory_space<vmem_shared>>
      tpu.enqueue_dma source(%arg10 : memref<128x128xf32, #tpu.memory_space<vmem>>) target(%dma_start3A_347 : memref<128x128xf32, #tpu.memory_space<vmem_shared>>) target_semaphore(%run_scoped3A : memref<!tpu.dma_semaphore, #tpu.memory_space<semaphore_mem>>)
      %dma_wait3A = arith.constant 0 : i32
      %dma_wait3A_348 = tpu.memref_slice %arg13[%add3A_290, %dma_wait3A] : memref<12816x128xf32, #tpu.memory_space<vmem_shared>> -> memref<128x128xf32, #tpu.memory_space<vmem_shared>>
      %dma_wait3A_349 = arith.constant 0 : i32
      %dma_wait3A_350 = tpu.memref_slice %arg13[%add3A_290, %dma_wait3A_349] : memref<12816x128xf32, #tpu.memory_space<vmem_shared>> -> memref<128x128xf32, #tpu.memory_space<vmem_shared>>
      tpu.wait_dma2 semaphore(%run_scoped3A : memref<!tpu.dma_semaphore, #tpu.memory_space<semaphore_mem>>) src(%arg10 : memref<128x128xf32, #tpu.memory_space<vmem>>) dst(%dma_wait3A_350 : memref<128x128xf32, #tpu.memory_space<vmem_shared>>)
      tpu.yield
    }) : () -> ()
    %add3A_291 = arith.constant 768 : i32
    %add3A_292 = arith.addi %mul3A_206, %add3A_291 : i32
    "tpu.region"() ({
      %run_scoped3A = tpu.sem_alloc : memref<!tpu.dma_semaphore, #tpu.memory_space<semaphore_mem>>
      %dma_start3A = arith.constant 0 : i32
      %dma_start3A_345 = arith.constant 0 : i32
      %dma_start3A_346 = tpu.memref_slice %arg10[%dma_start3A, %dma_start3A_345] : memref<128x128xf32, #tpu.memory_space<vmem>> -> memref<32x128xf32, #tpu.memory_space<vmem>>
      %dma_start3A_347 = arith.constant 0 : i32
      %dma_start3A_348 = tpu.memref_slice %arg13[%add3A_292, %dma_start3A_347] : memref<12816x128xf32, #tpu.memory_space<vmem_shared>> -> memref<32x128xf32, #tpu.memory_space<vmem_shared>>
      %dma_start3A_349 = arith.constant 0 : i32
      %dma_start3A_350 = tpu.memref_slice %arg13[%add3A_292, %dma_start3A_349] : memref<12816x128xf32, #tpu.memory_space<vmem_shared>> -> memref<32x128xf32, #tpu.memory_space<vmem_shared>>
      %dma_start3A_351 = arith.constant 0 : i32
      %dma_start3A_352 = arith.constant 0 : i32
      %dma_start3A_353 = tpu.memref_slice %arg10[%dma_start3A_351, %dma_start3A_352] : memref<128x128xf32, #tpu.memory_space<vmem>> -> memref<32x128xf32, #tpu.memory_space<vmem>>
      tpu.enqueue_dma source(%dma_start3A_353 : memref<32x128xf32, #tpu.memory_space<vmem>>) target(%dma_start3A_350 : memref<32x128xf32, #tpu.memory_space<vmem_shared>>) target_semaphore(%run_scoped3A : memref<!tpu.dma_semaphore, #tpu.memory_space<semaphore_mem>>)
      %dma_wait3A = arith.constant 0 : i32
      %dma_wait3A_354 = arith.constant 0 : i32
      %dma_wait3A_355 = tpu.memref_slice %arg10[%dma_wait3A, %dma_wait3A_354] : memref<128x128xf32, #tpu.memory_space<vmem>> -> memref<32x128xf32, #tpu.memory_space<vmem>>
      %dma_wait3A_356 = arith.constant 0 : i32
      %dma_wait3A_357 = tpu.memref_slice %arg13[%add3A_292, %dma_wait3A_356] : memref<12816x128xf32, #tpu.memory_space<vmem_shared>> -> memref<32x128xf32, #tpu.memory_space<vmem_shared>>
      %dma_wait3A_358 = arith.constant 0 : i32
      %dma_wait3A_359 = tpu.memref_slice %arg13[%add3A_292, %dma_wait3A_358] : memref<12816x128xf32, #tpu.memory_space<vmem_shared>> -> memref<32x128xf32, #tpu.memory_space<vmem_shared>>
      %dma_wait3A_360 = arith.constant 0 : i32
      %dma_wait3A_361 = arith.constant 0 : i32
      %dma_wait3A_362 = tpu.memref_slice %arg10[%dma_wait3A_360, %dma_wait3A_361] : memref<128x128xf32, #tpu.memory_space<vmem>> -> memref<32x128xf32, #tpu.memory_space<vmem>>
      tpu.wait_dma2 semaphore(%run_scoped3A : memref<!tpu.dma_semaphore, #tpu.memory_space<semaphore_mem>>) src(%dma_wait3A_362 : memref<32x128xf32, #tpu.memory_space<vmem>>) dst(%dma_wait3A_359 : memref<32x128xf32, #tpu.memory_space<vmem_shared>>)
      tpu.yield
    }) : () -> ()
    "tpu.region"() ({
      %run_scoped3A = tpu.sem_alloc : memref<!tpu.dma_semaphore, #tpu.memory_space<semaphore_mem>>
      %dma_start3A = tpu.memref_slice %arg14[%mul3A_206] : memref<12816xf32, #tpu.memory_space<vmem_shared>> -> memref<800xf32, #tpu.memory_space<vmem_shared>>
      %dma_start3A_345 = tpu.memref_slice %arg14[%mul3A_206] : memref<12816xf32, #tpu.memory_space<vmem_shared>> -> memref<800xf32, #tpu.memory_space<vmem_shared>>
      tpu.enqueue_dma source(%arg11 : memref<800xf32, #tpu.memory_space<vmem>>) target(%dma_start3A_345 : memref<800xf32, #tpu.memory_space<vmem_shared>>) target_semaphore(%run_scoped3A : memref<!tpu.dma_semaphore, #tpu.memory_space<semaphore_mem>>)
      %dma_wait3A = tpu.memref_slice %arg14[%mul3A_206] : memref<12816xf32, #tpu.memory_space<vmem_shared>> -> memref<800xf32, #tpu.memory_space<vmem_shared>>
      %dma_wait3A_346 = tpu.memref_slice %arg14[%mul3A_206] : memref<12816xf32, #tpu.memory_space<vmem_shared>> -> memref<800xf32, #tpu.memory_space<vmem_shared>>
      tpu.wait_dma2 semaphore(%run_scoped3A : memref<!tpu.dma_semaphore, #tpu.memory_space<semaphore_mem>>) src(%arg11 : memref<800xf32, #tpu.memory_space<vmem>>) dst(%dma_wait3A_346 : memref<800xf32, #tpu.memory_space<vmem_shared>>)
      tpu.yield
    }) : () -> ()
    %barrier3A_293 = arith.constant 0 : index
    tpu.barrier barrier_id(%barrier3A_293)
    %scan3A_294 = arith.constant 0 : i32
    %scan3A_295 = arith.constant 0 : i32
    %scan3A_296 = arith.constant 10 : i32
    %scan3A_297 = arith.addi %scan3A_295, %scan3A_296 : i32
    %scan3A_298 = arith.constant 1 : i32
    %scan3A_299 = scf.for %scan3A_345 = %scan3A_295 to %scan3A_297 step %scan3A_298 iter_args(%scan3A_346 = %scan3A_294) -> (i32)  : i32 {
      %mul3A_347 = arith.constant 20480 : i32
      %mul3A_348 = arith.muli %arg1, %mul3A_347 : i32
      %mul3A_349 = arith.constant 2048 : i32
      %mul3A_350 = arith.muli %scan3A_345, %mul3A_349 : i32
      %add3A_351 = arith.addi %mul3A_348, %mul3A_350 : i32
      "tpu.region"() ({
        %run_scoped3A = tpu.sem_alloc : memref<!tpu.dma_semaphore, #tpu.memory_space<semaphore_mem>>
        %dma_start3A = tpu.memref_slice %arg2[%add3A_351] : memref<327680xi32, #tpu.memory_space<hbm>> -> memref<2048xi32, #tpu.memory_space<hbm>>
        %dma_start3A_360 = tpu.memref_slice %arg2[%add3A_351] : memref<327680xi32, #tpu.memory_space<hbm>> -> memref<2048xi32, #tpu.memory_space<hbm>>
        tpu.enqueue_dma source(%dma_start3A_360 : memref<2048xi32, #tpu.memory_space<hbm>>) target(%arg6 : memref<2048xi32, #tpu.memory_space<vmem>>) target_semaphore(%run_scoped3A : memref<!tpu.dma_semaphore, #tpu.memory_space<semaphore_mem>>)
        %dma_wait3A = tpu.memref_slice %arg2[%add3A_351] : memref<327680xi32, #tpu.memory_space<hbm>> -> memref<2048xi32, #tpu.memory_space<hbm>>
        %dma_wait3A_361 = tpu.memref_slice %arg2[%add3A_351] : memref<327680xi32, #tpu.memory_space<hbm>> -> memref<2048xi32, #tpu.memory_space<hbm>>
        tpu.wait_dma2 semaphore(%run_scoped3A : memref<!tpu.dma_semaphore, #tpu.memory_space<semaphore_mem>>) src(%dma_wait3A_361 : memref<2048xi32, #tpu.memory_space<hbm>>) dst(%arg6 : memref<2048xi32, #tpu.memory_space<vmem>>)
        tpu.yield
      }) : () -> ()
      %scan3A_352 = arith.constant 0 : i32
      %scan3A_353 = arith.constant 0 : i32
      %scan3A_354 = arith.constant 16 : i32
      %scan3A_355 = arith.addi %scan3A_353, %scan3A_354 : i32
      %scan3A_356 = arith.constant 1 : i32
      %scan3A_357 = scf.for %scan3A_360 = %scan3A_353 to %scan3A_355 step %scan3A_356 iter_args(%scan3A_361 = %scan3A_352) -> (i32)  : i32 {
        %mul3A_362 = arith.constant 128 : i32
        %mul3A_363 = arith.muli %scan3A_360, %mul3A_362 : i32
        %add3A_364 = arith.constant 0 : i32
        %add3A_365 = arith.addi %mul3A_363, %add3A_364 : i32
        %get3A = arith.index_cast %add3A_365 : i32 to index
        %get3A_366 = tpu.vector_load %arg6[%get3A] {strides = array<i32>} : memref<2048xi32, #tpu.memory_space<vmem>>, vector<16xi32>,
        %get3A_367 = vector.shape_cast %get3A_366 : vector<16xi32> to vector<16xi32>
        %shift_right_logical3A = arith.constant 14 : i32
        %shift_right_logical3A_368 = vector.broadcast %shift_right_logical3A : i32 to vector<16xi32>
        %shift_right_logical3A_369 = arith.shrui %get3A_367, %shift_right_logical3A_368 : vector<16xi32>
        %and3A = arith.constant 16383 : i32
        %and3A_370 = vector.broadcast %and3A : i32 to vector<16xi32>
        %and3A_371 = arith.andi %get3A_367, %and3A_370 : vector<16xi32>
        %ge3A = vector.broadcast %mul3A_278 : i32 to vector<16xi32>
        %ge3A_372 = arith.cmpi sge, %shift_right_logical3A_369, %ge3A : vector<16xi32>
        %add3A_373 = arith.constant 12800 : i32
        %add3A_374 = arith.addi %mul3A_278, %add3A_373 : i32
        %lt3A = vector.broadcast %add3A_374 : i32 to vector<16xi32>
        %lt3A_375 = arith.cmpi slt, %shift_right_logical3A_369, %lt3A : vector<16xi32>
        %and3A_376 = arith.andi %ge3A_372, %lt3A_375 : vector<16xi1>
        %sub3A = vector.broadcast %mul3A_278 : i32 to vector<16xi32>
        %sub3A_377 = arith.subi %shift_right_logical3A_369, %sub3A : vector<16xi32>
        %add3A_378 = arith.constant 12800 : i32
        %add3A_379 = arith.addi %add3A_378, %arg1 : i32
        %broadcast_in_dim3A_380 = vector.broadcast %add3A_379 : i32 to vector<16xi32>
        %select_n3A = arith.select %and3A_376, %sub3A_377, %broadcast_in_dim3A_380 : vector<16xi1>, vector<16xi32>
        %add3A_381 = arith.constant 10000 : i32
        %add3A_382 = vector.broadcast %add3A_381 : i32 to vector<16xi32>
        %add3A_383 = arith.addi %add3A_382, %iota3A : vector<16xi32>
        %select_n3A_384 = arith.select %and3A_376, %and3A_371, %add3A_383 : vector<16xi1>, vector<16xi32>
        %jit3A = arith.constant 1.000000e+00 : f32
        %jit3A_385 = arith.constant 0.000000e+00 : f32
        %broadcast_in_dim3A_386 = vector.broadcast %jit3A : f32 to vector<16xf32>
        %broadcast_in_dim3A_387 = vector.broadcast %jit3A_385 : f32 to vector<16xf32>
        %select_n3A_388 = arith.select %and3A_376, %broadcast_in_dim3A_386, %broadcast_in_dim3A_387 : vector<16xi1>, vector<16xf32>
        %swap3A_389 = arith.constant 0 : index
        %swap3A_390 = tpu.vector_load %arg8[%swap3A_389] {strides = array<i32>} : memref<128xi32, #tpu.memory_space<vmem>>, vector<16xi32>,
        %swap3A_391 = vector.shape_cast %swap3A_390 : vector<16xi32> to vector<16xi32>
        %swap3A_392 = vector.shape_cast %select_n3A : vector<16xi32> to vector<16xi32>
        tpu.vector_store %arg8[%swap3A_389], %swap3A_392 {strides = array<i32>} : memref<128xi32, #tpu.memory_space<vmem>>, vector<16xi32>,
        %swap3A_393 = arith.constant 0 : index
        %swap3A_394 = tpu.vector_load %arg7[%swap3A_393] {strides = array<i32>} : memref<128xi32, #tpu.memory_space<vmem>>, vector<16xi32>,
        %swap3A_395 = vector.shape_cast %swap3A_394 : vector<16xi32> to vector<16xi32>
        %swap3A_396 = vector.shape_cast %select_n3A_384 : vector<16xi32> to vector<16xi32>
        tpu.vector_store %arg7[%swap3A_393], %swap3A_396 {strides = array<i32>} : memref<128xi32, #tpu.memory_space<vmem>>, vector<16xi32>,
        %swap3A_397 = arith.constant 0 : index
        %swap3A_398 = tpu.vector_load %arg9[%swap3A_397] {strides = array<i32>} : memref<128xf32, #tpu.memory_space<vmem>>, vector<16xf32>,
        %swap3A_399 = vector.shape_cast %swap3A_398 : vector<16xf32> to vector<16xf32>
        %swap3A_400 = vector.shape_cast %select_n3A_388 : vector<16xf32> to vector<16xf32>
        tpu.vector_store %arg9[%swap3A_397], %swap3A_400 {strides = array<i32>} : memref<128xf32, #tpu.memory_space<vmem>>, vector<16xf32>,
        %add3A_401 = arith.constant 16 : i32
        %add3A_402 = arith.addi %mul3A_363, %add3A_401 : i32
        %get3A_403 = arith.index_cast %add3A_402 : i32 to index
        %get3A_404 = tpu.vector_load %arg6[%get3A_403] {strides = array<i32>} : memref<2048xi32, #tpu.memory_space<vmem>>, vector<16xi32>,
        %get3A_405 = vector.shape_cast %get3A_404 : vector<16xi32> to vector<16xi32>
        %shift_right_logical3A_406 = arith.constant 14 : i32
        %shift_right_logical3A_407 = vector.broadcast %shift_right_logical3A_406 : i32 to vector<16xi32>
        %shift_right_logical3A_408 = arith.shrui %get3A_405, %shift_right_logical3A_407 : vector<16xi32>
        %and3A_409 = arith.constant 16383 : i32
        %and3A_410 = vector.broadcast %and3A_409 : i32 to vector<16xi32>
        %and3A_411 = arith.andi %get3A_405, %and3A_410 : vector<16xi32>
        %ge3A_412 = vector.broadcast %mul3A_278 : i32 to vector<16xi32>
        %ge3A_413 = arith.cmpi sge, %shift_right_logical3A_408, %ge3A_412 : vector<16xi32>
        %add3A_414 = arith.constant 12800 : i32
        %add3A_415 = arith.addi %mul3A_278, %add3A_414 : i32
        %lt3A_416 = vector.broadcast %add3A_415 : i32 to vector<16xi32>
        %lt3A_417 = arith.cmpi slt, %shift_right_logical3A_408, %lt3A_416 : vector<16xi32>
        %and3A_418 = arith.andi %ge3A_413, %lt3A_417 : vector<16xi1>
        %sub3A_419 = vector.broadcast %mul3A_278 : i32 to vector<16xi32>
        %sub3A_420 = arith.subi %shift_right_logical3A_408, %sub3A_419 : vector<16xi32>
        %add3A_421 = arith.constant 12800 : i32
        %add3A_422 = arith.addi %add3A_421, %arg1 : i32
        %broadcast_in_dim3A_423 = vector.broadcast %add3A_422 : i32 to vector<16xi32>
        %select_n3A_424 = arith.select %and3A_418, %sub3A_420, %broadcast_in_dim3A_423 : vector<16xi1>, vector<16xi32>
        %add3A_425 = arith.constant 10016 : i32
        %add3A_426 = vector.broadcast %add3A_425 : i32 to vector<16xi32>
        %add3A_427 = arith.addi %add3A_426, %iota3A : vector<16xi32>
        %select_n3A_428 = arith.select %and3A_418, %and3A_411, %add3A_427 : vector<16xi1>, vector<16xi32>
        %jit3A_429 = arith.constant 1.000000e+00 : f32
        %jit3A_430 = arith.constant 0.000000e+00 : f32
        %broadcast_in_dim3A_431 = vector.broadcast %jit3A_429 : f32 to vector<16xf32>
        %broadcast_in_dim3A_432 = vector.broadcast %jit3A_430 : f32 to vector<16xf32>
        %select_n3A_433 = arith.select %and3A_418, %broadcast_in_dim3A_431, %broadcast_in_dim3A_432 : vector<16xi1>, vector<16xf32>
        %swap3A_434 = arith.constant 16 : index
        %swap3A_435 = tpu.vector_load %arg8[%swap3A_434] {strides = array<i32>} : memref<128xi32, #tpu.memory_space<vmem>>, vector<16xi32>,
        %swap3A_436 = vector.shape_cast %swap3A_435 : vector<16xi32> to vector<16xi32>
        %swap3A_437 = vector.shape_cast %select_n3A_424 : vector<16xi32> to vector<16xi32>
        tpu.vector_store %arg8[%swap3A_434], %swap3A_437 {strides = array<i32>} : memref<128xi32, #tpu.memory_space<vmem>>, vector<16xi32>,
        %swap3A_438 = arith.constant 16 : index
        %swap3A_439 = tpu.vector_load %arg7[%swap3A_438] {strides = array<i32>} : memref<128xi32, #tpu.memory_space<vmem>>, vector<16xi32>,
        %swap3A_440 = vector.shape_cast %swap3A_439 : vector<16xi32> to vector<16xi32>
        %swap3A_441 = vector.shape_cast %select_n3A_428 : vector<16xi32> to vector<16xi32>
        tpu.vector_store %arg7[%swap3A_438], %swap3A_441 {strides = array<i32>} : memref<128xi32, #tpu.memory_space<vmem>>, vector<16xi32>,
        %swap3A_442 = arith.constant 16 : index
        %swap3A_443 = tpu.vector_load %arg9[%swap3A_442] {strides = array<i32>} : memref<128xf32, #tpu.memory_space<vmem>>, vector<16xf32>,
        %swap3A_444 = vector.shape_cast %swap3A_443 : vector<16xf32> to vector<16xf32>
        %swap3A_445 = vector.shape_cast %select_n3A_433 : vector<16xf32> to vector<16xf32>
        tpu.vector_store %arg9[%swap3A_442], %swap3A_445 {strides = array<i32>} : memref<128xf32, #tpu.memory_space<vmem>>, vector<16xf32>,
        %add3A_446 = arith.constant 32 : i32
        %add3A_447 = arith.addi %mul3A_363, %add3A_446 : i32
        %get3A_448 = arith.index_cast %add3A_447 : i32 to index
        %get3A_449 = tpu.vector_load %arg6[%get3A_448] {strides = array<i32>} : memref<2048xi32, #tpu.memory_space<vmem>>, vector<16xi32>,
        %get3A_450 = vector.shape_cast %get3A_449 : vector<16xi32> to vector<16xi32>
        %shift_right_logical3A_451 = arith.constant 14 : i32
        %shift_right_logical3A_452 = vector.broadcast %shift_right_logical3A_451 : i32 to vector<16xi32>
        %shift_right_logical3A_453 = arith.shrui %get3A_450, %shift_right_logical3A_452 : vector<16xi32>
        %and3A_454 = arith.constant 16383 : i32
        %and3A_455 = vector.broadcast %and3A_454 : i32 to vector<16xi32>
        %and3A_456 = arith.andi %get3A_450, %and3A_455 : vector<16xi32>
        %ge3A_457 = vector.broadcast %mul3A_278 : i32 to vector<16xi32>
        %ge3A_458 = arith.cmpi sge, %shift_right_logical3A_453, %ge3A_457 : vector<16xi32>
        %add3A_459 = arith.constant 12800 : i32
        %add3A_460 = arith.addi %mul3A_278, %add3A_459 : i32
        %lt3A_461 = vector.broadcast %add3A_460 : i32 to vector<16xi32>
        %lt3A_462 = arith.cmpi slt, %shift_right_logical3A_453, %lt3A_461 : vector<16xi32>
        %and3A_463 = arith.andi %ge3A_458, %lt3A_462 : vector<16xi1>
        %sub3A_464 = vector.broadcast %mul3A_278 : i32 to vector<16xi32>
        %sub3A_465 = arith.subi %shift_right_logical3A_453, %sub3A_464 : vector<16xi32>
        %add3A_466 = arith.constant 12800 : i32
        %add3A_467 = arith.addi %add3A_466, %arg1 : i32
        %broadcast_in_dim3A_468 = vector.broadcast %add3A_467 : i32 to vector<16xi32>
        %select_n3A_469 = arith.select %and3A_463, %sub3A_465, %broadcast_in_dim3A_468 : vector<16xi1>, vector<16xi32>
        %add3A_470 = arith.constant 10032 : i32
        %add3A_471 = vector.broadcast %add3A_470 : i32 to vector<16xi32>
        %add3A_472 = arith.addi %add3A_471, %iota3A : vector<16xi32>
        %select_n3A_473 = arith.select %and3A_463, %and3A_456, %add3A_472 : vector<16xi1>, vector<16xi32>
        %jit3A_474 = arith.constant 1.000000e+00 : f32
        %jit3A_475 = arith.constant 0.000000e+00 : f32
        %broadcast_in_dim3A_476 = vector.broadcast %jit3A_474 : f32 to vector<16xf32>
        %broadcast_in_dim3A_477 = vector.broadcast %jit3A_475 : f32 to vector<16xf32>
        %select_n3A_478 = arith.select %and3A_463, %broadcast_in_dim3A_476, %broadcast_in_dim3A_477 : vector<16xi1>, vector<16xf32>
        %swap3A_479 = arith.constant 32 : index
        %swap3A_480 = tpu.vector_load %arg8[%swap3A_479] {strides = array<i32>} : memref<128xi32, #tpu.memory_space<vmem>>, vector<16xi32>,
        %swap3A_481 = vector.shape_cast %swap3A_480 : vector<16xi32> to vector<16xi32>
        %swap3A_482 = vector.shape_cast %select_n3A_469 : vector<16xi32> to vector<16xi32>
        tpu.vector_store %arg8[%swap3A_479], %swap3A_482 {strides = array<i32>} : memref<128xi32, #tpu.memory_space<vmem>>, vector<16xi32>,
        %swap3A_483 = arith.constant 32 : index
        %swap3A_484 = tpu.vector_load %arg7[%swap3A_483] {strides = array<i32>} : memref<128xi32, #tpu.memory_space<vmem>>, vector<16xi32>,
        %swap3A_485 = vector.shape_cast %swap3A_484 : vector<16xi32> to vector<16xi32>
        %swap3A_486 = vector.shape_cast %select_n3A_473 : vector<16xi32> to vector<16xi32>
        tpu.vector_store %arg7[%swap3A_483], %swap3A_486 {strides = array<i32>} : memref<128xi32, #tpu.memory_space<vmem>>, vector<16xi32>,
        %swap3A_487 = arith.constant 32 : index
        %swap3A_488 = tpu.vector_load %arg9[%swap3A_487] {strides = array<i32>} : memref<128xf32, #tpu.memory_space<vmem>>, vector<16xf32>,
        %swap3A_489 = vector.shape_cast %swap3A_488 : vector<16xf32> to vector<16xf32>
        %swap3A_490 = vector.shape_cast %select_n3A_478 : vector<16xf32> to vector<16xf32>
        tpu.vector_store %arg9[%swap3A_487], %swap3A_490 {strides = array<i32>} : memref<128xf32, #tpu.memory_space<vmem>>, vector<16xf32>,
        %add3A_491 = arith.constant 48 : i32
        %add3A_492 = arith.addi %mul3A_363, %add3A_491 : i32
        %get3A_493 = arith.index_cast %add3A_492 : i32 to index
        %get3A_494 = tpu.vector_load %arg6[%get3A_493] {strides = array<i32>} : memref<2048xi32, #tpu.memory_space<vmem>>, vector<16xi32>,
        %get3A_495 = vector.shape_cast %get3A_494 : vector<16xi32> to vector<16xi32>
        %shift_right_logical3A_496 = arith.constant 14 : i32
        %shift_right_logical3A_497 = vector.broadcast %shift_right_logical3A_496 : i32 to vector<16xi32>
        %shift_right_logical3A_498 = arith.shrui %get3A_495, %shift_right_logical3A_497 : vector<16xi32>
        %and3A_499 = arith.constant 16383 : i32
        %and3A_500 = vector.broadcast %and3A_499 : i32 to vector<16xi32>
        %and3A_501 = arith.andi %get3A_495, %and3A_500 : vector<16xi32>
        %ge3A_502 = vector.broadcast %mul3A_278 : i32 to vector<16xi32>
        %ge3A_503 = arith.cmpi sge, %shift_right_logical3A_498, %ge3A_502 : vector<16xi32>
        %add3A_504 = arith.constant 12800 : i32
        %add3A_505 = arith.addi %mul3A_278, %add3A_504 : i32
        %lt3A_506 = vector.broadcast %add3A_505 : i32 to vector<16xi32>
        %lt3A_507 = arith.cmpi slt, %shift_right_logical3A_498, %lt3A_506 : vector<16xi32>
        %and3A_508 = arith.andi %ge3A_503, %lt3A_507 : vector<16xi1>
        %sub3A_509 = vector.broadcast %mul3A_278 : i32 to vector<16xi32>
        %sub3A_510 = arith.subi %shift_right_logical3A_498, %sub3A_509 : vector<16xi32>
        %add3A_511 = arith.constant 12800 : i32
        %add3A_512 = arith.addi %add3A_511, %arg1 : i32
        %broadcast_in_dim3A_513 = vector.broadcast %add3A_512 : i32 to vector<16xi32>
        %select_n3A_514 = arith.select %and3A_508, %sub3A_510, %broadcast_in_dim3A_513 : vector<16xi1>, vector<16xi32>
        %add3A_515 = arith.constant 10048 : i32
        %add3A_516 = vector.broadcast %add3A_515 : i32 to vector<16xi32>
        %add3A_517 = arith.addi %add3A_516, %iota3A : vector<16xi32>
        %select_n3A_518 = arith.select %and3A_508, %and3A_501, %add3A_517 : vector<16xi1>, vector<16xi32>
        %jit3A_519 = arith.constant 1.000000e+00 : f32
        %jit3A_520 = arith.constant 0.000000e+00 : f32
        %broadcast_in_dim3A_521 = vector.broadcast %jit3A_519 : f32 to vector<16xf32>
        %broadcast_in_dim3A_522 = vector.broadcast %jit3A_520 : f32 to vector<16xf32>
        %select_n3A_523 = arith.select %and3A_508, %broadcast_in_dim3A_521, %broadcast_in_dim3A_522 : vector<16xi1>, vector<16xf32>
        %swap3A_524 = arith.constant 48 : index
        %swap3A_525 = tpu.vector_load %arg8[%swap3A_524] {strides = array<i32>} : memref<128xi32, #tpu.memory_space<vmem>>, vector<16xi32>,
        %swap3A_526 = vector.shape_cast %swap3A_525 : vector<16xi32> to vector<16xi32>
        %swap3A_527 = vector.shape_cast %select_n3A_514 : vector<16xi32> to vector<16xi32>
        tpu.vector_store %arg8[%swap3A_524], %swap3A_527 {strides = array<i32>} : memref<128xi32, #tpu.memory_space<vmem>>, vector<16xi32>,
        %swap3A_528 = arith.constant 48 : index
        %swap3A_529 = tpu.vector_load %arg7[%swap3A_528] {strides = array<i32>} : memref<128xi32, #tpu.memory_space<vmem>>, vector<16xi32>,
        %swap3A_530 = vector.shape_cast %swap3A_529 : vector<16xi32> to vector<16xi32>
        %swap3A_531 = vector.shape_cast %select_n3A_518 : vector<16xi32> to vector<16xi32>
        tpu.vector_store %arg7[%swap3A_528], %swap3A_531 {strides = array<i32>} : memref<128xi32, #tpu.memory_space<vmem>>, vector<16xi32>,
        %swap3A_532 = arith.constant 48 : index
        %swap3A_533 = tpu.vector_load %arg9[%swap3A_532] {strides = array<i32>} : memref<128xf32, #tpu.memory_space<vmem>>, vector<16xf32>,
        %swap3A_534 = vector.shape_cast %swap3A_533 : vector<16xf32> to vector<16xf32>
        %swap3A_535 = vector.shape_cast %select_n3A_523 : vector<16xf32> to vector<16xf32>
        tpu.vector_store %arg9[%swap3A_532], %swap3A_535 {strides = array<i32>} : memref<128xf32, #tpu.memory_space<vmem>>, vector<16xf32>,
        %add3A_536 = arith.constant 64 : i32
        %add3A_537 = arith.addi %mul3A_363, %add3A_536 : i32
        %get3A_538 = arith.index_cast %add3A_537 : i32 to index
        %get3A_539 = tpu.vector_load %arg6[%get3A_538] {strides = array<i32>} : memref<2048xi32, #tpu.memory_space<vmem>>, vector<16xi32>,
        %get3A_540 = vector.shape_cast %get3A_539 : vector<16xi32> to vector<16xi32>
        %shift_right_logical3A_541 = arith.constant 14 : i32
        %shift_right_logical3A_542 = vector.broadcast %shift_right_logical3A_541 : i32 to vector<16xi32>
        %shift_right_logical3A_543 = arith.shrui %get3A_540, %shift_right_logical3A_542 : vector<16xi32>
        %and3A_544 = arith.constant 16383 : i32
        %and3A_545 = vector.broadcast %and3A_544 : i32 to vector<16xi32>
        %and3A_546 = arith.andi %get3A_540, %and3A_545 : vector<16xi32>
        %ge3A_547 = vector.broadcast %mul3A_278 : i32 to vector<16xi32>
        %ge3A_548 = arith.cmpi sge, %shift_right_logical3A_543, %ge3A_547 : vector<16xi32>
        %add3A_549 = arith.constant 12800 : i32
        %add3A_550 = arith.addi %mul3A_278, %add3A_549 : i32
        %lt3A_551 = vector.broadcast %add3A_550 : i32 to vector<16xi32>
        %lt3A_552 = arith.cmpi slt, %shift_right_logical3A_543, %lt3A_551 : vector<16xi32>
        %and3A_553 = arith.andi %ge3A_548, %lt3A_552 : vector<16xi1>
        %sub3A_554 = vector.broadcast %mul3A_278 : i32 to vector<16xi32>
        %sub3A_555 = arith.subi %shift_right_logical3A_543, %sub3A_554 : vector<16xi32>
        %add3A_556 = arith.constant 12800 : i32
        %add3A_557 = arith.addi %add3A_556, %arg1 : i32
        %broadcast_in_dim3A_558 = vector.broadcast %add3A_557 : i32 to vector<16xi32>
        %select_n3A_559 = arith.select %and3A_553, %sub3A_555, %broadcast_in_dim3A_558 : vector<16xi1>, vector<16xi32>
        %add3A_560 = arith.constant 10064 : i32
        %add3A_561 = vector.broadcast %add3A_560 : i32 to vector<16xi32>
        %add3A_562 = arith.addi %add3A_561, %iota3A : vector<16xi32>
        %select_n3A_563 = arith.select %and3A_553, %and3A_546, %add3A_562 : vector<16xi1>, vector<16xi32>
        %jit3A_564 = arith.constant 1.000000e+00 : f32
        %jit3A_565 = arith.constant 0.000000e+00 : f32
        %broadcast_in_dim3A_566 = vector.broadcast %jit3A_564 : f32 to vector<16xf32>
        %broadcast_in_dim3A_567 = vector.broadcast %jit3A_565 : f32 to vector<16xf32>
        %select_n3A_568 = arith.select %and3A_553, %broadcast_in_dim3A_566, %broadcast_in_dim3A_567 : vector<16xi1>, vector<16xf32>
        %swap3A_569 = arith.constant 64 : index
        %swap3A_570 = tpu.vector_load %arg8[%swap3A_569] {strides = array<i32>} : memref<128xi32, #tpu.memory_space<vmem>>, vector<16xi32>,
        %swap3A_571 = vector.shape_cast %swap3A_570 : vector<16xi32> to vector<16xi32>
        %swap3A_572 = vector.shape_cast %select_n3A_559 : vector<16xi32> to vector<16xi32>
        tpu.vector_store %arg8[%swap3A_569], %swap3A_572 {strides = array<i32>} : memref<128xi32, #tpu.memory_space<vmem>>, vector<16xi32>,
        %swap3A_573 = arith.constant 64 : index
        %swap3A_574 = tpu.vector_load %arg7[%swap3A_573] {strides = array<i32>} : memref<128xi32, #tpu.memory_space<vmem>>, vector<16xi32>,
        %swap3A_575 = vector.shape_cast %swap3A_574 : vector<16xi32> to vector<16xi32>
        %swap3A_576 = vector.shape_cast %select_n3A_563 : vector<16xi32> to vector<16xi32>
        tpu.vector_store %arg7[%swap3A_573], %swap3A_576 {strides = array<i32>} : memref<128xi32, #tpu.memory_space<vmem>>, vector<16xi32>,
        %swap3A_577 = arith.constant 64 : index
        %swap3A_578 = tpu.vector_load %arg9[%swap3A_577] {strides = array<i32>} : memref<128xf32, #tpu.memory_space<vmem>>, vector<16xf32>,
        %swap3A_579 = vector.shape_cast %swap3A_578 : vector<16xf32> to vector<16xf32>
        %swap3A_580 = vector.shape_cast %select_n3A_568 : vector<16xf32> to vector<16xf32>
        tpu.vector_store %arg9[%swap3A_577], %swap3A_580 {strides = array<i32>} : memref<128xf32, #tpu.memory_space<vmem>>, vector<16xf32>,
        %add3A_581 = arith.constant 80 : i32
        %add3A_582 = arith.addi %mul3A_363, %add3A_581 : i32
        %get3A_583 = arith.index_cast %add3A_582 : i32 to index
        %get3A_584 = tpu.vector_load %arg6[%get3A_583] {strides = array<i32>} : memref<2048xi32, #tpu.memory_space<vmem>>, vector<16xi32>,
        %get3A_585 = vector.shape_cast %get3A_584 : vector<16xi32> to vector<16xi32>
        %shift_right_logical3A_586 = arith.constant 14 : i32
        %shift_right_logical3A_587 = vector.broadcast %shift_right_logical3A_586 : i32 to vector<16xi32>
        %shift_right_logical3A_588 = arith.shrui %get3A_585, %shift_right_logical3A_587 : vector<16xi32>
        %and3A_589 = arith.constant 16383 : i32
        %and3A_590 = vector.broadcast %and3A_589 : i32 to vector<16xi32>
        %and3A_591 = arith.andi %get3A_585, %and3A_590 : vector<16xi32>
        %ge3A_592 = vector.broadcast %mul3A_278 : i32 to vector<16xi32>
        %ge3A_593 = arith.cmpi sge, %shift_right_logical3A_588, %ge3A_592 : vector<16xi32>
        %add3A_594 = arith.constant 12800 : i32
        %add3A_595 = arith.addi %mul3A_278, %add3A_594 : i32
        %lt3A_596 = vector.broadcast %add3A_595 : i32 to vector<16xi32>
        %lt3A_597 = arith.cmpi slt, %shift_right_logical3A_588, %lt3A_596 : vector<16xi32>
        %and3A_598 = arith.andi %ge3A_593, %lt3A_597 : vector<16xi1>
        %sub3A_599 = vector.broadcast %mul3A_278 : i32 to vector<16xi32>
        %sub3A_600 = arith.subi %shift_right_logical3A_588, %sub3A_599 : vector<16xi32>
        %add3A_601 = arith.constant 12800 : i32
        %add3A_602 = arith.addi %add3A_601, %arg1 : i32
        %broadcast_in_dim3A_603 = vector.broadcast %add3A_602 : i32 to vector<16xi32>
        %select_n3A_604 = arith.select %and3A_598, %sub3A_600, %broadcast_in_dim3A_603 : vector<16xi1>, vector<16xi32>
        %add3A_605 = arith.constant 10080 : i32
        %add3A_606 = vector.broadcast %add3A_605 : i32 to vector<16xi32>
        %add3A_607 = arith.addi %add3A_606, %iota3A : vector<16xi32>
        %select_n3A_608 = arith.select %and3A_598, %and3A_591, %add3A_607 : vector<16xi1>, vector<16xi32>
        %jit3A_609 = arith.constant 1.000000e+00 : f32
        %jit3A_610 = arith.constant 0.000000e+00 : f32
        %broadcast_in_dim3A_611 = vector.broadcast %jit3A_609 : f32 to vector<16xf32>
        %broadcast_in_dim3A_612 = vector.broadcast %jit3A_610 : f32 to vector<16xf32>
        %select_n3A_613 = arith.select %and3A_598, %broadcast_in_dim3A_611, %broadcast_in_dim3A_612 : vector<16xi1>, vector<16xf32>
        %swap3A_614 = arith.constant 80 : index
        %swap3A_615 = tpu.vector_load %arg8[%swap3A_614] {strides = array<i32>} : memref<128xi32, #tpu.memory_space<vmem>>, vector<16xi32>,
        %swap3A_616 = vector.shape_cast %swap3A_615 : vector<16xi32> to vector<16xi32>
        %swap3A_617 = vector.shape_cast %select_n3A_604 : vector<16xi32> to vector<16xi32>
        tpu.vector_store %arg8[%swap3A_614], %swap3A_617 {strides = array<i32>} : memref<128xi32, #tpu.memory_space<vmem>>, vector<16xi32>,
        %swap3A_618 = arith.constant 80 : index
        %swap3A_619 = tpu.vector_load %arg7[%swap3A_618] {strides = array<i32>} : memref<128xi32, #tpu.memory_space<vmem>>, vector<16xi32>,
        %swap3A_620 = vector.shape_cast %swap3A_619 : vector<16xi32> to vector<16xi32>
        %swap3A_621 = vector.shape_cast %select_n3A_608 : vector<16xi32> to vector<16xi32>
        tpu.vector_store %arg7[%swap3A_618], %swap3A_621 {strides = array<i32>} : memref<128xi32, #tpu.memory_space<vmem>>, vector<16xi32>,
        %swap3A_622 = arith.constant 80 : index
        %swap3A_623 = tpu.vector_load %arg9[%swap3A_622] {strides = array<i32>} : memref<128xf32, #tpu.memory_space<vmem>>, vector<16xf32>,
        %swap3A_624 = vector.shape_cast %swap3A_623 : vector<16xf32> to vector<16xf32>
        %swap3A_625 = vector.shape_cast %select_n3A_613 : vector<16xf32> to vector<16xf32>
        tpu.vector_store %arg9[%swap3A_622], %swap3A_625 {strides = array<i32>} : memref<128xf32, #tpu.memory_space<vmem>>, vector<16xf32>,
        %add3A_626 = arith.constant 96 : i32
        %add3A_627 = arith.addi %mul3A_363, %add3A_626 : i32
        %get3A_628 = arith.index_cast %add3A_627 : i32 to index
        %get3A_629 = tpu.vector_load %arg6[%get3A_628] {strides = array<i32>} : memref<2048xi32, #tpu.memory_space<vmem>>, vector<16xi32>,
        %get3A_630 = vector.shape_cast %get3A_629 : vector<16xi32> to vector<16xi32>
        %shift_right_logical3A_631 = arith.constant 14 : i32
        %shift_right_logical3A_632 = vector.broadcast %shift_right_logical3A_631 : i32 to vector<16xi32>
        %shift_right_logical3A_633 = arith.shrui %get3A_630, %shift_right_logical3A_632 : vector<16xi32>
        %and3A_634 = arith.constant 16383 : i32
        %and3A_635 = vector.broadcast %and3A_634 : i32 to vector<16xi32>
        %and3A_636 = arith.andi %get3A_630, %and3A_635 : vector<16xi32>
        %ge3A_637 = vector.broadcast %mul3A_278 : i32 to vector<16xi32>
        %ge3A_638 = arith.cmpi sge, %shift_right_logical3A_633, %ge3A_637 : vector<16xi32>
        %add3A_639 = arith.constant 12800 : i32
        %add3A_640 = arith.addi %mul3A_278, %add3A_639 : i32
        %lt3A_641 = vector.broadcast %add3A_640 : i32 to vector<16xi32>
        %lt3A_642 = arith.cmpi slt, %shift_right_logical3A_633, %lt3A_641 : vector<16xi32>
        %and3A_643 = arith.andi %ge3A_638, %lt3A_642 : vector<16xi1>
        %sub3A_644 = vector.broadcast %mul3A_278 : i32 to vector<16xi32>
        %sub3A_645 = arith.subi %shift_right_logical3A_633, %sub3A_644 : vector<16xi32>
        %add3A_646 = arith.constant 12800 : i32
        %add3A_647 = arith.addi %add3A_646, %arg1 : i32
        %broadcast_in_dim3A_648 = vector.broadcast %add3A_647 : i32 to vector<16xi32>
        %select_n3A_649 = arith.select %and3A_643, %sub3A_645, %broadcast_in_dim3A_648 : vector<16xi1>, vector<16xi32>
        %add3A_650 = arith.constant 10096 : i32
        %add3A_651 = vector.broadcast %add3A_650 : i32 to vector<16xi32>
        %add3A_652 = arith.addi %add3A_651, %iota3A : vector<16xi32>
        %select_n3A_653 = arith.select %and3A_643, %and3A_636, %add3A_652 : vector<16xi1>, vector<16xi32>
        %jit3A_654 = arith.constant 1.000000e+00 : f32
        %jit3A_655 = arith.constant 0.000000e+00 : f32
        %broadcast_in_dim3A_656 = vector.broadcast %jit3A_654 : f32 to vector<16xf32>
        %broadcast_in_dim3A_657 = vector.broadcast %jit3A_655 : f32 to vector<16xf32>
        %select_n3A_658 = arith.select %and3A_643, %broadcast_in_dim3A_656, %broadcast_in_dim3A_657 : vector<16xi1>, vector<16xf32>
        %swap3A_659 = arith.constant 96 : index
        %swap3A_660 = tpu.vector_load %arg8[%swap3A_659] {strides = array<i32>} : memref<128xi32, #tpu.memory_space<vmem>>, vector<16xi32>,
        %swap3A_661 = vector.shape_cast %swap3A_660 : vector<16xi32> to vector<16xi32>
        %swap3A_662 = vector.shape_cast %select_n3A_649 : vector<16xi32> to vector<16xi32>
        tpu.vector_store %arg8[%swap3A_659], %swap3A_662 {strides = array<i32>} : memref<128xi32, #tpu.memory_space<vmem>>, vector<16xi32>,
        %swap3A_663 = arith.constant 96 : index
        %swap3A_664 = tpu.vector_load %arg7[%swap3A_663] {strides = array<i32>} : memref<128xi32, #tpu.memory_space<vmem>>, vector<16xi32>,
        %swap3A_665 = vector.shape_cast %swap3A_664 : vector<16xi32> to vector<16xi32>
        %swap3A_666 = vector.shape_cast %select_n3A_653 : vector<16xi32> to vector<16xi32>
        tpu.vector_store %arg7[%swap3A_663], %swap3A_666 {strides = array<i32>} : memref<128xi32, #tpu.memory_space<vmem>>, vector<16xi32>,
        %swap3A_667 = arith.constant 96 : index
        %swap3A_668 = tpu.vector_load %arg9[%swap3A_667] {strides = array<i32>} : memref<128xf32, #tpu.memory_space<vmem>>, vector<16xf32>,
        %swap3A_669 = vector.shape_cast %swap3A_668 : vector<16xf32> to vector<16xf32>
        %swap3A_670 = vector.shape_cast %select_n3A_658 : vector<16xf32> to vector<16xf32>
        tpu.vector_store %arg9[%swap3A_667], %swap3A_670 {strides = array<i32>} : memref<128xf32, #tpu.memory_space<vmem>>, vector<16xf32>,
        %add3A_671 = arith.constant 112 : i32
        %add3A_672 = arith.addi %mul3A_363, %add3A_671 : i32
        %get3A_673 = arith.index_cast %add3A_672 : i32 to index
        %get3A_674 = tpu.vector_load %arg6[%get3A_673] {strides = array<i32>} : memref<2048xi32, #tpu.memory_space<vmem>>, vector<16xi32>,
        %get3A_675 = vector.shape_cast %get3A_674 : vector<16xi32> to vector<16xi32>
        %shift_right_logical3A_676 = arith.constant 14 : i32
        %shift_right_logical3A_677 = vector.broadcast %shift_right_logical3A_676 : i32 to vector<16xi32>
        %shift_right_logical3A_678 = arith.shrui %get3A_675, %shift_right_logical3A_677 : vector<16xi32>
        %and3A_679 = arith.constant 16383 : i32
        %and3A_680 = vector.broadcast %and3A_679 : i32 to vector<16xi32>
        %and3A_681 = arith.andi %get3A_675, %and3A_680 : vector<16xi32>
        %ge3A_682 = vector.broadcast %mul3A_278 : i32 to vector<16xi32>
        %ge3A_683 = arith.cmpi sge, %shift_right_logical3A_678, %ge3A_682 : vector<16xi32>
        %add3A_684 = arith.constant 12800 : i32
        %add3A_685 = arith.addi %mul3A_278, %add3A_684 : i32
        %lt3A_686 = vector.broadcast %add3A_685 : i32 to vector<16xi32>
        %lt3A_687 = arith.cmpi slt, %shift_right_logical3A_678, %lt3A_686 : vector<16xi32>
        %and3A_688 = arith.andi %ge3A_683, %lt3A_687 : vector<16xi1>
        %sub3A_689 = vector.broadcast %mul3A_278 : i32 to vector<16xi32>
        %sub3A_690 = arith.subi %shift_right_logical3A_678, %sub3A_689 : vector<16xi32>
        %add3A_691 = arith.constant 12800 : i32
        %add3A_692 = arith.addi %add3A_691, %arg1 : i32
        %broadcast_in_dim3A_693 = vector.broadcast %add3A_692 : i32 to vector<16xi32>
        %select_n3A_694 = arith.select %and3A_688, %sub3A_690, %broadcast_in_dim3A_693 : vector<16xi1>, vector<16xi32>
        %add3A_695 = arith.constant 10112 : i32
        %add3A_696 = vector.broadcast %add3A_695 : i32 to vector<16xi32>
        %add3A_697 = arith.addi %add3A_696, %iota3A : vector<16xi32>
        %select_n3A_698 = arith.select %and3A_688, %and3A_681, %add3A_697 : vector<16xi1>, vector<16xi32>
        %jit3A_699 = arith.constant 1.000000e+00 : f32
        %jit3A_700 = arith.constant 0.000000e+00 : f32
        %broadcast_in_dim3A_701 = vector.broadcast %jit3A_699 : f32 to vector<16xf32>
        %broadcast_in_dim3A_702 = vector.broadcast %jit3A_700 : f32 to vector<16xf32>
        %select_n3A_703 = arith.select %and3A_688, %broadcast_in_dim3A_701, %broadcast_in_dim3A_702 : vector<16xi1>, vector<16xf32>
        %swap3A_704 = arith.constant 112 : index
        %swap3A_705 = tpu.vector_load %arg8[%swap3A_704] {strides = array<i32>} : memref<128xi32, #tpu.memory_space<vmem>>, vector<16xi32>,
        %swap3A_706 = vector.shape_cast %swap3A_705 : vector<16xi32> to vector<16xi32>
        %swap3A_707 = vector.shape_cast %select_n3A_694 : vector<16xi32> to vector<16xi32>
        tpu.vector_store %arg8[%swap3A_704], %swap3A_707 {strides = array<i32>} : memref<128xi32, #tpu.memory_space<vmem>>, vector<16xi32>,
        %swap3A_708 = arith.constant 112 : index
        %swap3A_709 = tpu.vector_load %arg7[%swap3A_708] {strides = array<i32>} : memref<128xi32, #tpu.memory_space<vmem>>, vector<16xi32>,
        %swap3A_710 = vector.shape_cast %swap3A_709 : vector<16xi32> to vector<16xi32>
        %swap3A_711 = vector.shape_cast %select_n3A_698 : vector<16xi32> to vector<16xi32>
        tpu.vector_store %arg7[%swap3A_708], %swap3A_711 {strides = array<i32>} : memref<128xi32, #tpu.memory_space<vmem>>, vector<16xi32>,
        %swap3A_712 = arith.constant 112 : index
        %swap3A_713 = tpu.vector_load %arg9[%swap3A_712] {strides = array<i32>} : memref<128xf32, #tpu.memory_space<vmem>>, vector<16xf32>,
        %swap3A_714 = vector.shape_cast %swap3A_713 : vector<16xf32> to vector<16xf32>
        %swap3A_715 = vector.shape_cast %select_n3A_703 : vector<16xf32> to vector<16xf32>
        tpu.vector_store %arg9[%swap3A_712], %swap3A_715 {strides = array<i32>} : memref<128xf32, #tpu.memory_space<vmem>>, vector<16xf32>,
        %dma_start3A = arith.constant 0 : i32
        %dma_start3A_716 = arith.constant 0 : i32
        %dma_start3A_717 = tpu.memref_slice %arg3[%dma_start3A, %dma_start3A_716] : memref<10128x128xf32, #tpu.memory_space<hbm>> -> memref<10128x128xf32, #tpu.memory_space<hbm>>
        tpu.enqueue_indirect_dma source(%dma_start3A_717 : memref<10128x128xf32, #tpu.memory_space<hbm>>) target(%arg10 : memref<128x128xf32, #tpu.memory_space<vmem>>) offsets(%arg7 : memref<128xi32, #tpu.memory_space<vmem>>) semaphore(%arg15 : memref<!tpu.dma_semaphore, #tpu.memory_space<semaphore_mem>>)
        %dma_wait3A = arith.constant 0 : i32
        %dma_wait3A_718 = arith.constant 0 : i32
        %dma_wait3A_719 = tpu.memref_slice %arg3[%dma_wait3A, %dma_wait3A_718] : memref<10128x128xf32, #tpu.memory_space<hbm>> -> memref<10128x128xf32, #tpu.memory_space<hbm>>
        tpu.wait_indirect_dma semaphore(%arg15 : memref<!tpu.dma_semaphore, #tpu.memory_space<semaphore_mem>>) src(%dma_wait3A_719 : memref<10128x128xf32, #tpu.memory_space<hbm>>) dst(%arg10 : memref<128x128xf32, #tpu.memory_space<vmem>>)
        "tpu.region"() ({
          %run_scoped3A = tpu.sem_alloc : memref<!tpu.dma_semaphore, #tpu.memory_space<semaphore_mem>>
          %dma_start3A_721 = arith.constant 0 : i32
          %dma_start3A_722 = arith.constant 0 : i32
          %dma_start3A_723 = tpu.memref_slice %arg13[%dma_start3A_721, %dma_start3A_722] : memref<12816x128xf32, #tpu.memory_space<vmem_shared>> -> memref<12816x128xf32, #tpu.memory_space<vmem_shared>>
          tpu.enqueue_indirect_dma source(%arg10 : memref<128x128xf32, #tpu.memory_space<vmem>>) target(%dma_start3A_723 : memref<12816x128xf32, #tpu.memory_space<vmem_shared>>) offsets(%arg8 : memref<128xi32, #tpu.memory_space<vmem>>) semaphore(%run_scoped3A : memref<!tpu.dma_semaphore, #tpu.memory_space<semaphore_mem>>) {add = true}
          %dma_wait3A_724 = arith.constant 0 : i32
          %dma_wait3A_725 = arith.constant 0 : i32
          %dma_wait3A_726 = tpu.memref_slice %arg13[%dma_wait3A_724, %dma_wait3A_725] : memref<12816x128xf32, #tpu.memory_space<vmem_shared>> -> memref<12816x128xf32, #tpu.memory_space<vmem_shared>>
          tpu.wait_indirect_dma semaphore(%run_scoped3A : memref<!tpu.dma_semaphore, #tpu.memory_space<semaphore_mem>>) src(%arg10 : memref<128x128xf32, #tpu.memory_space<vmem>>) dst(%dma_wait3A_726 : memref<12816x128xf32, #tpu.memory_space<vmem_shared>>)
          tpu.yield
        }) : () -> ()
        "tpu.region"() ({
          %run_scoped3A = tpu.sem_alloc : memref<!tpu.dma_semaphore, #tpu.memory_space<semaphore_mem>>
          %dma_start3A_721 = arith.constant 0 : i32
          %dma_start3A_722 = tpu.memref_slice %arg14[%dma_start3A_721] : memref<12816xf32, #tpu.memory_space<vmem_shared>> -> memref<12816xf32, #tpu.memory_space<vmem_shared>>
          tpu.enqueue_indirect_dma source(%arg9 : memref<128xf32, #tpu.memory_space<vmem>>) target(%dma_start3A_722 : memref<12816xf32, #tpu.memory_space<vmem_shared>>) offsets(%arg8 : memref<128xi32, #tpu.memory_space<vmem>>) semaphore(%run_scoped3A : memref<!tpu.dma_semaphore, #tpu.memory_space<semaphore_mem>>) {add = true}
          %dma_wait3A_723 = arith.constant 0 : i32
          %dma_wait3A_724 = tpu.memref_slice %arg14[%dma_wait3A_723] : memref<12816xf32, #tpu.memory_space<vmem_shared>> -> memref<12816xf32, #tpu.memory_space<vmem_shared>>
          tpu.wait_indirect_dma semaphore(%run_scoped3A : memref<!tpu.dma_semaphore, #tpu.memory_space<semaphore_mem>>) src(%arg9 : memref<128xf32, #tpu.memory_space<vmem>>) dst(%dma_wait3A_724 : memref<12816xf32, #tpu.memory_space<vmem_shared>>)
          tpu.yield
        }) : () -> ()
        %scan3A_720 = arith.constant 0 : i32
        scf.yield %scan3A_720 : i32
      }
      %scan3A_358 = arith.constant 16 : i32
      %scan3A_359 = arith.constant 0 : i32
      scf.yield %scan3A_359 : i32
    }
    %scan3A_300 = arith.constant 10 : i32
    %barrier3A_301 = arith.constant 0 : index
    tpu.barrier barrier_id(%barrier3A_301)
    %add3A_302 = arith.constant 0 : i32
    %add3A_303 = arith.addi %mul3A_206, %add3A_302 : i32
    "tpu.region"() ({
      %run_scoped3A = tpu.sem_alloc : memref<!tpu.dma_semaphore, #tpu.memory_space<semaphore_mem>>
      %dma_start3A = arith.constant 0 : i32
      %dma_start3A_345 = tpu.memref_slice %arg13[%add3A_303, %dma_start3A] : memref<12816x128xf32, #tpu.memory_space<vmem_shared>> -> memref<128x128xf32, #tpu.memory_space<vmem_shared>>
      %dma_start3A_346 = arith.constant 0 : i32
      %dma_start3A_347 = tpu.memref_slice %arg13[%add3A_303, %dma_start3A_346] : memref<12816x128xf32, #tpu.memory_space<vmem_shared>> -> memref<128x128xf32, #tpu.memory_space<vmem_shared>>
      tpu.enqueue_dma source(%dma_start3A_347 : memref<128x128xf32, #tpu.memory_space<vmem_shared>>) target(%arg10 : memref<128x128xf32, #tpu.memory_space<vmem>>) target_semaphore(%run_scoped3A : memref<!tpu.dma_semaphore, #tpu.memory_space<semaphore_mem>>)
      %dma_wait3A = arith.constant 0 : i32
      %dma_wait3A_348 = tpu.memref_slice %arg13[%add3A_303, %dma_wait3A] : memref<12816x128xf32, #tpu.memory_space<vmem_shared>> -> memref<128x128xf32, #tpu.memory_space<vmem_shared>>
      %dma_wait3A_349 = arith.constant 0 : i32
      %dma_wait3A_350 = tpu.memref_slice %arg13[%add3A_303, %dma_wait3A_349] : memref<12816x128xf32, #tpu.memory_space<vmem_shared>> -> memref<128x128xf32, #tpu.memory_space<vmem_shared>>
      tpu.wait_dma2 semaphore(%run_scoped3A : memref<!tpu.dma_semaphore, #tpu.memory_space<semaphore_mem>>) src(%dma_wait3A_350 : memref<128x128xf32, #tpu.memory_space<vmem_shared>>) dst(%arg10 : memref<128x128xf32, #tpu.memory_space<vmem>>)
      tpu.yield
    }) : () -> ()
    %add3A_304 = arith.addi %mul3A_278, %mul3A_206 : i32
    %add3A_305 = arith.constant 0 : i32
    %add3A_306 = arith.addi %add3A_304, %add3A_305 : i32
    "tpu.region"() ({
      %run_scoped3A = tpu.sem_alloc : memref<!tpu.dma_semaphore, #tpu.memory_space<semaphore_mem>>
      %dma_start3A = arith.constant 0 : i32
      %dma_start3A_345 = tpu.memref_slice %arg4[%add3A_306, %dma_start3A] : memref<51200x128xf32, #tpu.memory_space<hbm>> -> memref<128x128xf32, #tpu.memory_space<hbm>>
      %dma_start3A_346 = arith.constant 0 : i32
      %dma_start3A_347 = tpu.memref_slice %arg4[%add3A_306, %dma_start3A_346] : memref<51200x128xf32, #tpu.memory_space<hbm>> -> memref<128x128xf32, #tpu.memory_space<hbm>>
      tpu.enqueue_dma source(%arg10 : memref<128x128xf32, #tpu.memory_space<vmem>>) target(%dma_start3A_347 : memref<128x128xf32, #tpu.memory_space<hbm>>) target_semaphore(%run_scoped3A : memref<!tpu.dma_semaphore, #tpu.memory_space<semaphore_mem>>)
      %dma_wait3A = arith.constant 0 : i32
      %dma_wait3A_348 = tpu.memref_slice %arg4[%add3A_306, %dma_wait3A] : memref<51200x128xf32, #tpu.memory_space<hbm>> -> memref<128x128xf32, #tpu.memory_space<hbm>>
      %dma_wait3A_349 = arith.constant 0 : i32
      %dma_wait3A_350 = tpu.memref_slice %arg4[%add3A_306, %dma_wait3A_349] : memref<51200x128xf32, #tpu.memory_space<hbm>> -> memref<128x128xf32, #tpu.memory_space<hbm>>
      tpu.wait_dma2 semaphore(%run_scoped3A : memref<!tpu.dma_semaphore, #tpu.memory_space<semaphore_mem>>) src(%arg10 : memref<128x128xf32, #tpu.memory_space<vmem>>) dst(%dma_wait3A_350 : memref<128x128xf32, #tpu.memory_space<hbm>>)
      tpu.yield
    }) : () -> ()
    %add3A_307 = arith.constant 128 : i32
    %add3A_308 = arith.addi %mul3A_206, %add3A_307 : i32
    "tpu.region"() ({
      %run_scoped3A = tpu.sem_alloc : memref<!tpu.dma_semaphore, #tpu.memory_space<semaphore_mem>>
      %dma_start3A = arith.constant 0 : i32
      %dma_start3A_345 = tpu.memref_slice %arg13[%add3A_308, %dma_start3A] : memref<12816x128xf32, #tpu.memory_space<vmem_shared>> -> memref<128x128xf32, #tpu.memory_space<vmem_shared>>
      %dma_start3A_346 = arith.constant 0 : i32
      %dma_start3A_347 = tpu.memref_slice %arg13[%add3A_308, %dma_start3A_346] : memref<12816x128xf32, #tpu.memory_space<vmem_shared>> -> memref<128x128xf32, #tpu.memory_space<vmem_shared>>
      tpu.enqueue_dma source(%dma_start3A_347 : memref<128x128xf32, #tpu.memory_space<vmem_shared>>) target(%arg10 : memref<128x128xf32, #tpu.memory_space<vmem>>) target_semaphore(%run_scoped3A : memref<!tpu.dma_semaphore, #tpu.memory_space<semaphore_mem>>)
      %dma_wait3A = arith.constant 0 : i32
      %dma_wait3A_348 = tpu.memref_slice %arg13[%add3A_308, %dma_wait3A] : memref<12816x128xf32, #tpu.memory_space<vmem_shared>> -> memref<128x128xf32, #tpu.memory_space<vmem_shared>>
      %dma_wait3A_349 = arith.constant 0 : i32
      %dma_wait3A_350 = tpu.memref_slice %arg13[%add3A_308, %dma_wait3A_349] : memref<12816x128xf32, #tpu.memory_space<vmem_shared>> -> memref<128x128xf32, #tpu.memory_space<vmem_shared>>
      tpu.wait_dma2 semaphore(%run_scoped3A : memref<!tpu.dma_semaphore, #tpu.memory_space<semaphore_mem>>) src(%dma_wait3A_350 : memref<128x128xf32, #tpu.memory_space<vmem_shared>>) dst(%arg10 : memref<128x128xf32, #tpu.memory_space<vmem>>)
      tpu.yield
    }) : () -> ()
    %add3A_309 = arith.addi %mul3A_278, %mul3A_206 : i32
    %add3A_310 = arith.constant 128 : i32
    %add3A_311 = arith.addi %add3A_309, %add3A_310 : i32
    "tpu.region"() ({
      %run_scoped3A = tpu.sem_alloc : memref<!tpu.dma_semaphore, #tpu.memory_space<semaphore_mem>>
      %dma_start3A = arith.constant 0 : i32
      %dma_start3A_345 = tpu.memref_slice %arg4[%add3A_311, %dma_start3A] : memref<51200x128xf32, #tpu.memory_space<hbm>> -> memref<128x128xf32, #tpu.memory_space<hbm>>
      %dma_start3A_346 = arith.constant 0 : i32
      %dma_start3A_347 = tpu.memref_slice %arg4[%add3A_311, %dma_start3A_346] : memref<51200x128xf32, #tpu.memory_space<hbm>> -> memref<128x128xf32, #tpu.memory_space<hbm>>
      tpu.enqueue_dma source(%arg10 : memref<128x128xf32, #tpu.memory_space<vmem>>) target(%dma_start3A_347 : memref<128x128xf32, #tpu.memory_space<hbm>>) target_semaphore(%run_scoped3A : memref<!tpu.dma_semaphore, #tpu.memory_space<semaphore_mem>>)
      %dma_wait3A = arith.constant 0 : i32
      %dma_wait3A_348 = tpu.memref_slice %arg4[%add3A_311, %dma_wait3A] : memref<51200x128xf32, #tpu.memory_space<hbm>> -> memref<128x128xf32, #tpu.memory_space<hbm>>
      %dma_wait3A_349 = arith.constant 0 : i32
      %dma_wait3A_350 = tpu.memref_slice %arg4[%add3A_311, %dma_wait3A_349] : memref<51200x128xf32, #tpu.memory_space<hbm>> -> memref<128x128xf32, #tpu.memory_space<hbm>>
      tpu.wait_dma2 semaphore(%run_scoped3A : memref<!tpu.dma_semaphore, #tpu.memory_space<semaphore_mem>>) src(%arg10 : memref<128x128xf32, #tpu.memory_space<vmem>>) dst(%dma_wait3A_350 : memref<128x128xf32, #tpu.memory_space<hbm>>)
      tpu.yield
    }) : () -> ()
    %add3A_312 = arith.constant 256 : i32
    %add3A_313 = arith.addi %mul3A_206, %add3A_312 : i32
    "tpu.region"() ({
      %run_scoped3A = tpu.sem_alloc : memref<!tpu.dma_semaphore, #tpu.memory_space<semaphore_mem>>
      %dma_start3A = arith.constant 0 : i32
      %dma_start3A_345 = tpu.memref_slice %arg13[%add3A_313, %dma_start3A] : memref<12816x128xf32, #tpu.memory_space<vmem_shared>> -> memref<128x128xf32, #tpu.memory_space<vmem_shared>>
      %dma_start3A_346 = arith.constant 0 : i32
      %dma_start3A_347 = tpu.memref_slice %arg13[%add3A_313, %dma_start3A_346] : memref<12816x128xf32, #tpu.memory_space<vmem_shared>> -> memref<128x128xf32, #tpu.memory_space<vmem_shared>>
      tpu.enqueue_dma source(%dma_start3A_347 : memref<128x128xf32, #tpu.memory_space<vmem_shared>>) target(%arg10 : memref<128x128xf32, #tpu.memory_space<vmem>>) target_semaphore(%run_scoped3A : memref<!tpu.dma_semaphore, #tpu.memory_space<semaphore_mem>>)
      %dma_wait3A = arith.constant 0 : i32
      %dma_wait3A_348 = tpu.memref_slice %arg13[%add3A_313, %dma_wait3A] : memref<12816x128xf32, #tpu.memory_space<vmem_shared>> -> memref<128x128xf32, #tpu.memory_space<vmem_shared>>
      %dma_wait3A_349 = arith.constant 0 : i32
      %dma_wait3A_350 = tpu.memref_slice %arg13[%add3A_313, %dma_wait3A_349] : memref<12816x128xf32, #tpu.memory_space<vmem_shared>> -> memref<128x128xf32, #tpu.memory_space<vmem_shared>>
      tpu.wait_dma2 semaphore(%run_scoped3A : memref<!tpu.dma_semaphore, #tpu.memory_space<semaphore_mem>>) src(%dma_wait3A_350 : memref<128x128xf32, #tpu.memory_space<vmem_shared>>) dst(%arg10 : memref<128x128xf32, #tpu.memory_space<vmem>>)
      tpu.yield
    }) : () -> ()
    %add3A_314 = arith.addi %mul3A_278, %mul3A_206 : i32
    %add3A_315 = arith.constant 256 : i32
    %add3A_316 = arith.addi %add3A_314, %add3A_315 : i32
    "tpu.region"() ({
      %run_scoped3A = tpu.sem_alloc : memref<!tpu.dma_semaphore, #tpu.memory_space<semaphore_mem>>
      %dma_start3A = arith.constant 0 : i32
      %dma_start3A_345 = tpu.memref_slice %arg4[%add3A_316, %dma_start3A] : memref<51200x128xf32, #tpu.memory_space<hbm>> -> memref<128x128xf32, #tpu.memory_space<hbm>>
      %dma_start3A_346 = arith.constant 0 : i32
      %dma_start3A_347 = tpu.memref_slice %arg4[%add3A_316, %dma_start3A_346] : memref<51200x128xf32, #tpu.memory_space<hbm>> -> memref<128x128xf32, #tpu.memory_space<hbm>>
      tpu.enqueue_dma source(%arg10 : memref<128x128xf32, #tpu.memory_space<vmem>>) target(%dma_start3A_347 : memref<128x128xf32, #tpu.memory_space<hbm>>) target_semaphore(%run_scoped3A : memref<!tpu.dma_semaphore, #tpu.memory_space<semaphore_mem>>)
      %dma_wait3A = arith.constant 0 : i32
      %dma_wait3A_348 = tpu.memref_slice %arg4[%add3A_316, %dma_wait3A] : memref<51200x128xf32, #tpu.memory_space<hbm>> -> memref<128x128xf32, #tpu.memory_space<hbm>>
      %dma_wait3A_349 = arith.constant 0 : i32
      %dma_wait3A_350 = tpu.memref_slice %arg4[%add3A_316, %dma_wait3A_349] : memref<51200x128xf32, #tpu.memory_space<hbm>> -> memref<128x128xf32, #tpu.memory_space<hbm>>
      tpu.wait_dma2 semaphore(%run_scoped3A : memref<!tpu.dma_semaphore, #tpu.memory_space<semaphore_mem>>) src(%arg10 : memref<128x128xf32, #tpu.memory_space<vmem>>) dst(%dma_wait3A_350 : memref<128x128xf32, #tpu.memory_space<hbm>>)
      tpu.yield
    }) : () -> ()
    %add3A_317 = arith.constant 384 : i32
    %add3A_318 = arith.addi %mul3A_206, %add3A_317 : i32
    "tpu.region"() ({
      %run_scoped3A = tpu.sem_alloc : memref<!tpu.dma_semaphore, #tpu.memory_space<semaphore_mem>>
      %dma_start3A = arith.constant 0 : i32
      %dma_start3A_345 = tpu.memref_slice %arg13[%add3A_318, %dma_start3A] : memref<12816x128xf32, #tpu.memory_space<vmem_shared>> -> memref<128x128xf32, #tpu.memory_space<vmem_shared>>
      %dma_start3A_346 = arith.constant 0 : i32
      %dma_start3A_347 = tpu.memref_slice %arg13[%add3A_318, %dma_start3A_346] : memref<12816x128xf32, #tpu.memory_space<vmem_shared>> -> memref<128x128xf32, #tpu.memory_space<vmem_shared>>
      tpu.enqueue_dma source(%dma_start3A_347 : memref<128x128xf32, #tpu.memory_space<vmem_shared>>) target(%arg10 : memref<128x128xf32, #tpu.memory_space<vmem>>) target_semaphore(%run_scoped3A : memref<!tpu.dma_semaphore, #tpu.memory_space<semaphore_mem>>)
      %dma_wait3A = arith.constant 0 : i32
      %dma_wait3A_348 = tpu.memref_slice %arg13[%add3A_318, %dma_wait3A] : memref<12816x128xf32, #tpu.memory_space<vmem_shared>> -> memref<128x128xf32, #tpu.memory_space<vmem_shared>>
      %dma_wait3A_349 = arith.constant 0 : i32
      %dma_wait3A_350 = tpu.memref_slice %arg13[%add3A_318, %dma_wait3A_349] : memref<12816x128xf32, #tpu.memory_space<vmem_shared>> -> memref<128x128xf32, #tpu.memory_space<vmem_shared>>
      tpu.wait_dma2 semaphore(%run_scoped3A : memref<!tpu.dma_semaphore, #tpu.memory_space<semaphore_mem>>) src(%dma_wait3A_350 : memref<128x128xf32, #tpu.memory_space<vmem_shared>>) dst(%arg10 : memref<128x128xf32, #tpu.memory_space<vmem>>)
      tpu.yield
    }) : () -> ()
    %add3A_319 = arith.addi %mul3A_278, %mul3A_206 : i32
    %add3A_320 = arith.constant 384 : i32
    %add3A_321 = arith.addi %add3A_319, %add3A_320 : i32
    "tpu.region"() ({
      %run_scoped3A = tpu.sem_alloc : memref<!tpu.dma_semaphore, #tpu.memory_space<semaphore_mem>>
      %dma_start3A = arith.constant 0 : i32
      %dma_start3A_345 = tpu.memref_slice %arg4[%add3A_321, %dma_start3A] : memref<51200x128xf32, #tpu.memory_space<hbm>> -> memref<128x128xf32, #tpu.memory_space<hbm>>
      %dma_start3A_346 = arith.constant 0 : i32
      %dma_start3A_347 = tpu.memref_slice %arg4[%add3A_321, %dma_start3A_346] : memref<51200x128xf32, #tpu.memory_space<hbm>> -> memref<128x128xf32, #tpu.memory_space<hbm>>
      tpu.enqueue_dma source(%arg10 : memref<128x128xf32, #tpu.memory_space<vmem>>) target(%dma_start3A_347 : memref<128x128xf32, #tpu.memory_space<hbm>>) target_semaphore(%run_scoped3A : memref<!tpu.dma_semaphore, #tpu.memory_space<semaphore_mem>>)
      %dma_wait3A = arith.constant 0 : i32
      %dma_wait3A_348 = tpu.memref_slice %arg4[%add3A_321, %dma_wait3A] : memref<51200x128xf32, #tpu.memory_space<hbm>> -> memref<128x128xf32, #tpu.memory_space<hbm>>
      %dma_wait3A_349 = arith.constant 0 : i32
      %dma_wait3A_350 = tpu.memref_slice %arg4[%add3A_321, %dma_wait3A_349] : memref<51200x128xf32, #tpu.memory_space<hbm>> -> memref<128x128xf32, #tpu.memory_space<hbm>>
      tpu.wait_dma2 semaphore(%run_scoped3A : memref<!tpu.dma_semaphore, #tpu.memory_space<semaphore_mem>>) src(%arg10 : memref<128x128xf32, #tpu.memory_space<vmem>>) dst(%dma_wait3A_350 : memref<128x128xf32, #tpu.memory_space<hbm>>)
      tpu.yield
    }) : () -> ()
    %add3A_322 = arith.constant 512 : i32
    %add3A_323 = arith.addi %mul3A_206, %add3A_322 : i32
    "tpu.region"() ({
      %run_scoped3A = tpu.sem_alloc : memref<!tpu.dma_semaphore, #tpu.memory_space<semaphore_mem>>
      %dma_start3A = arith.constant 0 : i32
      %dma_start3A_345 = tpu.memref_slice %arg13[%add3A_323, %dma_start3A] : memref<12816x128xf32, #tpu.memory_space<vmem_shared>> -> memref<128x128xf32, #tpu.memory_space<vmem_shared>>
      %dma_start3A_346 = arith.constant 0 : i32
      %dma_start3A_347 = tpu.memref_slice %arg13[%add3A_323, %dma_start3A_346] : memref<12816x128xf32, #tpu.memory_space<vmem_shared>> -> memref<128x128xf32, #tpu.memory_space<vmem_shared>>
      tpu.enqueue_dma source(%dma_start3A_347 : memref<128x128xf32, #tpu.memory_space<vmem_shared>>) target(%arg10 : memref<128x128xf32, #tpu.memory_space<vmem>>) target_semaphore(%run_scoped3A : memref<!tpu.dma_semaphore, #tpu.memory_space<semaphore_mem>>)
      %dma_wait3A = arith.constant 0 : i32
      %dma_wait3A_348 = tpu.memref_slice %arg13[%add3A_323, %dma_wait3A] : memref<12816x128xf32, #tpu.memory_space<vmem_shared>> -> memref<128x128xf32, #tpu.memory_space<vmem_shared>>
      %dma_wait3A_349 = arith.constant 0 : i32
      %dma_wait3A_350 = tpu.memref_slice %arg13[%add3A_323, %dma_wait3A_349] : memref<12816x128xf32, #tpu.memory_space<vmem_shared>> -> memref<128x128xf32, #tpu.memory_space<vmem_shared>>
      tpu.wait_dma2 semaphore(%run_scoped3A : memref<!tpu.dma_semaphore, #tpu.memory_space<semaphore_mem>>) src(%dma_wait3A_350 : memref<128x128xf32, #tpu.memory_space<vmem_shared>>) dst(%arg10 : memref<128x128xf32, #tpu.memory_space<vmem>>)
      tpu.yield
    }) : () -> ()
    %add3A_324 = arith.addi %mul3A_278, %mul3A_206 : i32
    %add3A_325 = arith.constant 512 : i32
    %add3A_326 = arith.addi %add3A_324, %add3A_325 : i32
    "tpu.region"() ({
      %run_scoped3A = tpu.sem_alloc : memref<!tpu.dma_semaphore, #tpu.memory_space<semaphore_mem>>
      %dma_start3A = arith.constant 0 : i32
      %dma_start3A_345 = tpu.memref_slice %arg4[%add3A_326, %dma_start3A] : memref<51200x128xf32, #tpu.memory_space<hbm>> -> memref<128x128xf32, #tpu.memory_space<hbm>>
      %dma_start3A_346 = arith.constant 0 : i32
      %dma_start3A_347 = tpu.memref_slice %arg4[%add3A_326, %dma_start3A_346] : memref<51200x128xf32, #tpu.memory_space<hbm>> -> memref<128x128xf32, #tpu.memory_space<hbm>>
      tpu.enqueue_dma source(%arg10 : memref<128x128xf32, #tpu.memory_space<vmem>>) target(%dma_start3A_347 : memref<128x128xf32, #tpu.memory_space<hbm>>) target_semaphore(%run_scoped3A : memref<!tpu.dma_semaphore, #tpu.memory_space<semaphore_mem>>)
      %dma_wait3A = arith.constant 0 : i32
      %dma_wait3A_348 = tpu.memref_slice %arg4[%add3A_326, %dma_wait3A] : memref<51200x128xf32, #tpu.memory_space<hbm>> -> memref<128x128xf32, #tpu.memory_space<hbm>>
      %dma_wait3A_349 = arith.constant 0 : i32
      %dma_wait3A_350 = tpu.memref_slice %arg4[%add3A_326, %dma_wait3A_349] : memref<51200x128xf32, #tpu.memory_space<hbm>> -> memref<128x128xf32, #tpu.memory_space<hbm>>
      tpu.wait_dma2 semaphore(%run_scoped3A : memref<!tpu.dma_semaphore, #tpu.memory_space<semaphore_mem>>) src(%arg10 : memref<128x128xf32, #tpu.memory_space<vmem>>) dst(%dma_wait3A_350 : memref<128x128xf32, #tpu.memory_space<hbm>>)
      tpu.yield
    }) : () -> ()
    %add3A_327 = arith.constant 640 : i32
    %add3A_328 = arith.addi %mul3A_206, %add3A_327 : i32
    "tpu.region"() ({
      %run_scoped3A = tpu.sem_alloc : memref<!tpu.dma_semaphore, #tpu.memory_space<semaphore_mem>>
      %dma_start3A = arith.constant 0 : i32
      %dma_start3A_345 = tpu.memref_slice %arg13[%add3A_328, %dma_start3A] : memref<12816x128xf32, #tpu.memory_space<vmem_shared>> -> memref<128x128xf32, #tpu.memory_space<vmem_shared>>
      %dma_start3A_346 = arith.constant 0 : i32
      %dma_start3A_347 = tpu.memref_slice %arg13[%add3A_328, %dma_start3A_346] : memref<12816x128xf32, #tpu.memory_space<vmem_shared>> -> memref<128x128xf32, #tpu.memory_space<vmem_shared>>
      tpu.enqueue_dma source(%dma_start3A_347 : memref<128x128xf32, #tpu.memory_space<vmem_shared>>) target(%arg10 : memref<128x128xf32, #tpu.memory_space<vmem>>) target_semaphore(%run_scoped3A : memref<!tpu.dma_semaphore, #tpu.memory_space<semaphore_mem>>)
      %dma_wait3A = arith.constant 0 : i32
      %dma_wait3A_348 = tpu.memref_slice %arg13[%add3A_328, %dma_wait3A] : memref<12816x128xf32, #tpu.memory_space<vmem_shared>> -> memref<128x128xf32, #tpu.memory_space<vmem_shared>>
      %dma_wait3A_349 = arith.constant 0 : i32
      %dma_wait3A_350 = tpu.memref_slice %arg13[%add3A_328, %dma_wait3A_349] : memref<12816x128xf32, #tpu.memory_space<vmem_shared>> -> memref<128x128xf32, #tpu.memory_space<vmem_shared>>
      tpu.wait_dma2 semaphore(%run_scoped3A : memref<!tpu.dma_semaphore, #tpu.memory_space<semaphore_mem>>) src(%dma_wait3A_350 : memref<128x128xf32, #tpu.memory_space<vmem_shared>>) dst(%arg10 : memref<128x128xf32, #tpu.memory_space<vmem>>)
      tpu.yield
    }) : () -> ()
    %add3A_329 = arith.addi %mul3A_278, %mul3A_206 : i32
    %add3A_330 = arith.constant 640 : i32
    %add3A_331 = arith.addi %add3A_329, %add3A_330 : i32
    "tpu.region"() ({
      %run_scoped3A = tpu.sem_alloc : memref<!tpu.dma_semaphore, #tpu.memory_space<semaphore_mem>>
      %dma_start3A = arith.constant 0 : i32
      %dma_start3A_345 = tpu.memref_slice %arg4[%add3A_331, %dma_start3A] : memref<51200x128xf32, #tpu.memory_space<hbm>> -> memref<128x128xf32, #tpu.memory_space<hbm>>
      %dma_start3A_346 = arith.constant 0 : i32
      %dma_start3A_347 = tpu.memref_slice %arg4[%add3A_331, %dma_start3A_346] : memref<51200x128xf32, #tpu.memory_space<hbm>> -> memref<128x128xf32, #tpu.memory_space<hbm>>
      tpu.enqueue_dma source(%arg10 : memref<128x128xf32, #tpu.memory_space<vmem>>) target(%dma_start3A_347 : memref<128x128xf32, #tpu.memory_space<hbm>>) target_semaphore(%run_scoped3A : memref<!tpu.dma_semaphore, #tpu.memory_space<semaphore_mem>>)
      %dma_wait3A = arith.constant 0 : i32
      %dma_wait3A_348 = tpu.memref_slice %arg4[%add3A_331, %dma_wait3A] : memref<51200x128xf32, #tpu.memory_space<hbm>> -> memref<128x128xf32, #tpu.memory_space<hbm>>
      %dma_wait3A_349 = arith.constant 0 : i32
      %dma_wait3A_350 = tpu.memref_slice %arg4[%add3A_331, %dma_wait3A_349] : memref<51200x128xf32, #tpu.memory_space<hbm>> -> memref<128x128xf32, #tpu.memory_space<hbm>>
      tpu.wait_dma2 semaphore(%run_scoped3A : memref<!tpu.dma_semaphore, #tpu.memory_space<semaphore_mem>>) src(%arg10 : memref<128x128xf32, #tpu.memory_space<vmem>>) dst(%dma_wait3A_350 : memref<128x128xf32, #tpu.memory_space<hbm>>)
      tpu.yield
    }) : () -> ()
    %add3A_332 = arith.constant 768 : i32
    %add3A_333 = arith.addi %mul3A_206, %add3A_332 : i32
    "tpu.region"() ({
      %run_scoped3A = tpu.sem_alloc : memref<!tpu.dma_semaphore, #tpu.memory_space<semaphore_mem>>
      %dma_start3A = arith.constant 0 : i32
      %dma_start3A_345 = arith.constant 0 : i32
      %dma_start3A_346 = tpu.memref_slice %arg10[%dma_start3A, %dma_start3A_345] : memref<128x128xf32, #tpu.memory_space<vmem>> -> memref<32x128xf32, #tpu.memory_space<vmem>>
      %dma_start3A_347 = arith.constant 0 : i32
      %dma_start3A_348 = tpu.memref_slice %arg13[%add3A_333, %dma_start3A_347] : memref<12816x128xf32, #tpu.memory_space<vmem_shared>> -> memref<32x128xf32, #tpu.memory_space<vmem_shared>>
      %dma_start3A_349 = arith.constant 0 : i32
      %dma_start3A_350 = arith.constant 0 : i32
      %dma_start3A_351 = tpu.memref_slice %arg10[%dma_start3A_349, %dma_start3A_350] : memref<128x128xf32, #tpu.memory_space<vmem>> -> memref<32x128xf32, #tpu.memory_space<vmem>>
      %dma_start3A_352 = arith.constant 0 : i32
      %dma_start3A_353 = tpu.memref_slice %arg13[%add3A_333, %dma_start3A_352] : memref<12816x128xf32, #tpu.memory_space<vmem_shared>> -> memref<32x128xf32, #tpu.memory_space<vmem_shared>>
      tpu.enqueue_dma source(%dma_start3A_353 : memref<32x128xf32, #tpu.memory_space<vmem_shared>>) target(%dma_start3A_351 : memref<32x128xf32, #tpu.memory_space<vmem>>) target_semaphore(%run_scoped3A : memref<!tpu.dma_semaphore, #tpu.memory_space<semaphore_mem>>)
      %dma_wait3A = arith.constant 0 : i32
      %dma_wait3A_354 = arith.constant 0 : i32
      %dma_wait3A_355 = tpu.memref_slice %arg10[%dma_wait3A, %dma_wait3A_354] : memref<128x128xf32, #tpu.memory_space<vmem>> -> memref<32x128xf32, #tpu.memory_space<vmem>>
      %dma_wait3A_356 = arith.constant 0 : i32
      %dma_wait3A_357 = tpu.memref_slice %arg13[%add3A_333, %dma_wait3A_356] : memref<12816x128xf32, #tpu.memory_space<vmem_shared>> -> memref<32x128xf32, #tpu.memory_space<vmem_shared>>
      %dma_wait3A_358 = arith.constant 0 : i32
      %dma_wait3A_359 = arith.constant 0 : i32
      %dma_wait3A_360 = tpu.memref_slice %arg10[%dma_wait3A_358, %dma_wait3A_359] : memref<128x128xf32, #tpu.memory_space<vmem>> -> memref<32x128xf32, #tpu.memory_space<vmem>>
      %dma_wait3A_361 = arith.constant 0 : i32
      %dma_wait3A_362 = tpu.memref_slice %arg13[%add3A_333, %dma_wait3A_361] : memref<12816x128xf32, #tpu.memory_space<vmem_shared>> -> memref<32x128xf32, #tpu.memory_space<vmem_shared>>
      tpu.wait_dma2 semaphore(%run_scoped3A : memref<!tpu.dma_semaphore, #tpu.memory_space<semaphore_mem>>) src(%dma_wait3A_362 : memref<32x128xf32, #tpu.memory_space<vmem_shared>>) dst(%dma_wait3A_360 : memref<32x128xf32, #tpu.memory_space<vmem>>)
      tpu.yield
    }) : () -> ()
    %add3A_334 = arith.addi %mul3A_278, %mul3A_206 : i32
    %add3A_335 = arith.constant 768 : i32
    %add3A_336 = arith.addi %add3A_334, %add3A_335 : i32
    "tpu.region"() ({
      %run_scoped3A = tpu.sem_alloc : memref<!tpu.dma_semaphore, #tpu.memory_space<semaphore_mem>>
      %dma_start3A = arith.constant 0 : i32
      %dma_start3A_345 = arith.constant 0 : i32
      %dma_start3A_346 = tpu.memref_slice %arg10[%dma_start3A, %dma_start3A_345] : memref<128x128xf32, #tpu.memory_space<vmem>> -> memref<32x128xf32, #tpu.memory_space<vmem>>
      %dma_start3A_347 = arith.constant 0 : i32
      %dma_start3A_348 = tpu.memref_slice %arg4[%add3A_336, %dma_start3A_347] : memref<51200x128xf32, #tpu.memory_space<hbm>> -> memref<32x128xf32, #tpu.memory_space<hbm>>
      %dma_start3A_349 = arith.constant 0 : i32
      %dma_start3A_350 = tpu.memref_slice %arg4[%add3A_336, %dma_start3A_349] : memref<51200x128xf32, #tpu.memory_space<hbm>> -> memref<32x128xf32, #tpu.memory_space<hbm>>
      %dma_start3A_351 = arith.constant 0 : i32
      %dma_start3A_352 = arith.constant 0 : i32
      %dma_start3A_353 = tpu.memref_slice %arg10[%dma_start3A_351, %dma_start3A_352] : memref<128x128xf32, #tpu.memory_space<vmem>> -> memref<32x128xf32, #tpu.memory_space<vmem>>
      tpu.enqueue_dma source(%dma_start3A_353 : memref<32x128xf32, #tpu.memory_space<vmem>>) target(%dma_start3A_350 : memref<32x128xf32, #tpu.memory_space<hbm>>) target_semaphore(%run_scoped3A : memref<!tpu.dma_semaphore, #tpu.memory_space<semaphore_mem>>)
      %dma_wait3A = arith.constant 0 : i32
      %dma_wait3A_354 = arith.constant 0 : i32
      %dma_wait3A_355 = tpu.memref_slice %arg10[%dma_wait3A, %dma_wait3A_354] : memref<128x128xf32, #tpu.memory_space<vmem>> -> memref<32x128xf32, #tpu.memory_space<vmem>>
      %dma_wait3A_356 = arith.constant 0 : i32
      %dma_wait3A_357 = tpu.memref_slice %arg4[%add3A_336, %dma_wait3A_356] : memref<51200x128xf32, #tpu.memory_space<hbm>> -> memref<32x128xf32, #tpu.memory_space<hbm>>
      %dma_wait3A_358 = arith.constant 0 : i32
      %dma_wait3A_359 = tpu.memref_slice %arg4[%add3A_336, %dma_wait3A_358] : memref<51200x128xf32, #tpu.memory_space<hbm>> -> memref<32x128xf32, #tpu.memory_space<hbm>>
      %dma_wait3A_360 = arith.constant 0 : i32
      %dma_wait3A_361 = arith.constant 0 : i32
      %dma_wait3A_362 = tpu.memref_slice %arg10[%dma_wait3A_360, %dma_wait3A_361] : memref<128x128xf32, #tpu.memory_space<vmem>> -> memref<32x128xf32, #tpu.memory_space<vmem>>
      tpu.wait_dma2 semaphore(%run_scoped3A : memref<!tpu.dma_semaphore, #tpu.memory_space<semaphore_mem>>) src(%dma_wait3A_362 : memref<32x128xf32, #tpu.memory_space<vmem>>) dst(%dma_wait3A_359 : memref<32x128xf32, #tpu.memory_space<hbm>>)
      tpu.yield
    }) : () -> ()
    "tpu.region"() ({
      %run_scoped3A = tpu.sem_alloc : memref<!tpu.dma_semaphore, #tpu.memory_space<semaphore_mem>>
      %dma_start3A = tpu.memref_slice %arg14[%mul3A_206] : memref<12816xf32, #tpu.memory_space<vmem_shared>> -> memref<800xf32, #tpu.memory_space<vmem_shared>>
      %dma_start3A_345 = tpu.memref_slice %arg14[%mul3A_206] : memref<12816xf32, #tpu.memory_space<vmem_shared>> -> memref<800xf32, #tpu.memory_space<vmem_shared>>
      tpu.enqueue_dma source(%dma_start3A_345 : memref<800xf32, #tpu.memory_space<vmem_shared>>) target(%arg12 : memref<800xf32, #tpu.memory_space<vmem>>) target_semaphore(%run_scoped3A : memref<!tpu.dma_semaphore, #tpu.memory_space<semaphore_mem>>)
      %dma_wait3A = tpu.memref_slice %arg14[%mul3A_206] : memref<12816xf32, #tpu.memory_space<vmem_shared>> -> memref<800xf32, #tpu.memory_space<vmem_shared>>
      %dma_wait3A_346 = tpu.memref_slice %arg14[%mul3A_206] : memref<12816xf32, #tpu.memory_space<vmem_shared>> -> memref<800xf32, #tpu.memory_space<vmem_shared>>
      tpu.wait_dma2 semaphore(%run_scoped3A : memref<!tpu.dma_semaphore, #tpu.memory_space<semaphore_mem>>) src(%dma_wait3A_346 : memref<800xf32, #tpu.memory_space<vmem_shared>>) dst(%arg12 : memref<800xf32, #tpu.memory_space<vmem>>)
      tpu.yield
    }) : () -> ()
    %add3A_337 = arith.addi %mul3A_278, %mul3A_206 : i32
    "tpu.region"() ({
      %run_scoped3A = tpu.sem_alloc : memref<!tpu.dma_semaphore, #tpu.memory_space<semaphore_mem>>
      %dma_start3A = tpu.memref_slice %arg5[%add3A_337] : memref<51200xf32, #tpu.memory_space<hbm>> -> memref<800xf32, #tpu.memory_space<hbm>>
      %dma_start3A_345 = tpu.memref_slice %arg5[%add3A_337] : memref<51200xf32, #tpu.memory_space<hbm>> -> memref<800xf32, #tpu.memory_space<hbm>>
      tpu.enqueue_dma source(%arg12 : memref<800xf32, #tpu.memory_space<vmem>>) target(%dma_start3A_345 : memref<800xf32, #tpu.memory_space<hbm>>) target_semaphore(%run_scoped3A : memref<!tpu.dma_semaphore, #tpu.memory_space<semaphore_mem>>)
      %dma_wait3A = tpu.memref_slice %arg5[%add3A_337] : memref<51200xf32, #tpu.memory_space<hbm>> -> memref<800xf32, #tpu.memory_space<hbm>>
      %dma_wait3A_346 = tpu.memref_slice %arg5[%add3A_337] : memref<51200xf32, #tpu.memory_space<hbm>> -> memref<800xf32, #tpu.memory_space<hbm>>
      tpu.wait_dma2 semaphore(%run_scoped3A : memref<!tpu.dma_semaphore, #tpu.memory_space<semaphore_mem>>) src(%arg12 : memref<800xf32, #tpu.memory_space<vmem>>) dst(%dma_wait3A_346 : memref<800xf32, #tpu.memory_space<hbm>>)
      tpu.yield
    }) : () -> ()
    %scan3A_338 = arith.constant 0 : i32
    %scan3A_339 = arith.constant 0 : i32
    %scan3A_340 = arith.constant 128 : i32
    %scan3A_341 = arith.addi %scan3A_339, %scan3A_340 : i32
    %scan3A_342 = arith.constant 1 : i32
    %scan3A_343 = scf.for %scan3A_345 = %scan3A_339 to %scan3A_341 step %scan3A_342 iter_args(%scan3A_346 = %scan3A_338) -> (i32)  : i32 {
      %swap3A_347 = arith.index_cast %scan3A_345 : i32 to index
      %swap3A_348 = arith.constant 0 : index
      %swap3A_349 = tpu.vector_load %arg10[%swap3A_347, %swap3A_348] {strides = array<i32>} : memref<128x128xf32, #tpu.memory_space<vmem>>, vector<1x16xf32>,
      %swap3A_350 = vector.shape_cast %swap3A_349 : vector<1x16xf32> to vector<16xf32>
      %swap3A_351 = vector.shape_cast %broadcast_in_dim3A_0 : vector<16xf32> to vector<1x16xf32>
      tpu.vector_store %arg10[%swap3A_347, %swap3A_348], %swap3A_351 {strides = array<i32>} : memref<128x128xf32, #tpu.memory_space<vmem>>, vector<1x16xf32>,
      %swap3A_352 = arith.index_cast %scan3A_345 : i32 to index
      %swap3A_353 = arith.constant 16 : index
      %swap3A_354 = tpu.vector_load %arg10[%swap3A_352, %swap3A_353] {strides = array<i32>} : memref<128x128xf32, #tpu.memory_space<vmem>>, vector<1x16xf32>,
      %swap3A_355 = vector.shape_cast %swap3A_354 : vector<1x16xf32> to vector<16xf32>
      %swap3A_356 = vector.shape_cast %broadcast_in_dim3A_0 : vector<16xf32> to vector<1x16xf32>
      tpu.vector_store %arg10[%swap3A_352, %swap3A_353], %swap3A_356 {strides = array<i32>} : memref<128x128xf32, #tpu.memory_space<vmem>>, vector<1x16xf32>,
      %swap3A_357 = arith.index_cast %scan3A_345 : i32 to index
      %swap3A_358 = arith.constant 32 : index
      %swap3A_359 = tpu.vector_load %arg10[%swap3A_357, %swap3A_358] {strides = array<i32>} : memref<128x128xf32, #tpu.memory_space<vmem>>, vector<1x16xf32>,
      %swap3A_360 = vector.shape_cast %swap3A_359 : vector<1x16xf32> to vector<16xf32>
      %swap3A_361 = vector.shape_cast %broadcast_in_dim3A_0 : vector<16xf32> to vector<1x16xf32>
      tpu.vector_store %arg10[%swap3A_357, %swap3A_358], %swap3A_361 {strides = array<i32>} : memref<128x128xf32, #tpu.memory_space<vmem>>, vector<1x16xf32>,
      %swap3A_362 = arith.index_cast %scan3A_345 : i32 to index
      %swap3A_363 = arith.constant 48 : index
      %swap3A_364 = tpu.vector_load %arg10[%swap3A_362, %swap3A_363] {strides = array<i32>} : memref<128x128xf32, #tpu.memory_space<vmem>>, vector<1x16xf32>,
      %swap3A_365 = vector.shape_cast %swap3A_364 : vector<1x16xf32> to vector<16xf32>
      %swap3A_366 = vector.shape_cast %broadcast_in_dim3A_0 : vector<16xf32> to vector<1x16xf32>
      tpu.vector_store %arg10[%swap3A_362, %swap3A_363], %swap3A_366 {strides = array<i32>} : memref<128x128xf32, #tpu.memory_space<vmem>>, vector<1x16xf32>,
      %swap3A_367 = arith.index_cast %scan3A_345 : i32 to index
      %swap3A_368 = arith.constant 64 : index
      %swap3A_369 = tpu.vector_load %arg10[%swap3A_367, %swap3A_368] {strides = array<i32>} : memref<128x128xf32, #tpu.memory_space<vmem>>, vector<1x16xf32>,
      %swap3A_370 = vector.shape_cast %swap3A_369 : vector<1x16xf32> to vector<16xf32>
      %swap3A_371 = vector.shape_cast %broadcast_in_dim3A_0 : vector<16xf32> to vector<1x16xf32>
      tpu.vector_store %arg10[%swap3A_367, %swap3A_368], %swap3A_371 {strides = array<i32>} : memref<128x128xf32, #tpu.memory_space<vmem>>, vector<1x16xf32>,
      %swap3A_372 = arith.index_cast %scan3A_345 : i32 to index
      %swap3A_373 = arith.constant 80 : index
      %swap3A_374 = tpu.vector_load %arg10[%swap3A_372, %swap3A_373] {strides = array<i32>} : memref<128x128xf32, #tpu.memory_space<vmem>>, vector<1x16xf32>,
      %swap3A_375 = vector.shape_cast %swap3A_374 : vector<1x16xf32> to vector<16xf32>
      %swap3A_376 = vector.shape_cast %broadcast_in_dim3A_0 : vector<16xf32> to vector<1x16xf32>
      tpu.vector_store %arg10[%swap3A_372, %swap3A_373], %swap3A_376 {strides = array<i32>} : memref<128x128xf32, #tpu.memory_space<vmem>>, vector<1x16xf32>,
      %swap3A_377 = arith.index_cast %scan3A_345 : i32 to index
      %swap3A_378 = arith.constant 96 : index
      %swap3A_379 = tpu.vector_load %arg10[%swap3A_377, %swap3A_378] {strides = array<i32>} : memref<128x128xf32, #tpu.memory_space<vmem>>, vector<1x16xf32>,
      %swap3A_380 = vector.shape_cast %swap3A_379 : vector<1x16xf32> to vector<16xf32>
      %swap3A_381 = vector.shape_cast %broadcast_in_dim3A_0 : vector<16xf32> to vector<1x16xf32>
      tpu.vector_store %arg10[%swap3A_377, %swap3A_378], %swap3A_381 {strides = array<i32>} : memref<128x128xf32, #tpu.memory_space<vmem>>, vector<1x16xf32>,
      %swap3A_382 = arith.index_cast %scan3A_345 : i32 to index
      %swap3A_383 = arith.constant 112 : index
      %swap3A_384 = tpu.vector_load %arg10[%swap3A_382, %swap3A_383] {strides = array<i32>} : memref<128x128xf32, #tpu.memory_space<vmem>>, vector<1x16xf32>,
      %swap3A_385 = vector.shape_cast %swap3A_384 : vector<1x16xf32> to vector<16xf32>
      %swap3A_386 = vector.shape_cast %broadcast_in_dim3A_0 : vector<16xf32> to vector<1x16xf32>
      tpu.vector_store %arg10[%swap3A_382, %swap3A_383], %swap3A_386 {strides = array<i32>} : memref<128x128xf32, #tpu.memory_space<vmem>>, vector<1x16xf32>,
      %scan3A_387 = arith.constant 0 : i32
      scf.yield %scan3A_387 : i32
    }
    %scan3A_344 = arith.constant 128 : i32
    return
  }
}

module attributes {stable_mosaic.version = 14 : i64} {
  func.func @_tc_attn_body(%arg0: i32, %arg1: memref<1000x128xf32, #tpu.memory_space<vmem>>, %arg2: memref<1000x128xf32, #tpu.memory_space<vmem>>, %arg3: memref<1000x128xf32, #tpu.memory_space<vmem>>, %arg4: memref<1000x128xf32, #tpu.memory_space<vmem>>, %arg5: memref<1000x128xf32, #tpu.memory_space<vmem>>, %arg6: memref<1x1x1000xf32, #tpu.memory_space<vmem>>, %arg7: memref<1x1x1000xf32, #tpu.memory_space<vmem>>, %arg8: memref<1x1x1000xf32, #tpu.memory_space<vmem>>, %arg9: memref<1x1x1000xf32, #tpu.memory_space<vmem>>, %arg10: memref<1x1x1000xf32, #tpu.memory_space<vmem>>, %arg11: memref<128x64xf32, #tpu.memory_space<vmem>>, %arg12: memref<1x64xf32, #tpu.memory_space<vmem>>, %arg13: memref<64x1xf32, #tpu.memory_space<vmem>>, %arg14: memref<1x1xf32, #tpu.memory_space<vmem>>, %arg15: memref<1000x128xf32, #tpu.memory_space<vmem>>) attributes {dimension_semantics = [#tpu.dimension_semantics<arbitrary>], iteration_bounds = array<i64: 10>, scalar_prefetch = 0 : i64, scratch_operands = 0 : i64, tpu.core_type = #tpu.core_type<tc>, window_params = [{transform_indices = @transform_0, window_bounds = array<i64: 1000, 128>}, {transform_indices = @transform_1, window_bounds = array<i64: 1000, 128>}, {transform_indices = @transform_2, window_bounds = array<i64: 1000, 128>}, {transform_indices = @transform_3, window_bounds = array<i64: 1000, 128>}, {transform_indices = @transform_4, window_bounds = array<i64: 1000, 128>}, {transform_indices = @transform_5, window_bounds = array<i64: 1, 1, 1000>}, {transform_indices = @transform_6, window_bounds = array<i64: 1, 1, 1000>}, {transform_indices = @transform_7, window_bounds = array<i64: 1, 1, 1000>}, {transform_indices = @transform_8, window_bounds = array<i64: 1, 1, 1000>}, {transform_indices = @transform_9, window_bounds = array<i64: 1, 1, 1000>}, {pipeline_mode = #tpu.pipeline_mode<synchronous>, transform_indices = @transform_10, window_bounds = array<i64: 128, 64>}, {pipeline_mode = #tpu.pipeline_mode<synchronous>, transform_indices = @transform_11, window_bounds = array<i64: 1, 64>}, {pipeline_mode = #tpu.pipeline_mode<synchronous>, transform_indices = @transform_12, window_bounds = array<i64: 64, 1>}, {pipeline_mode = #tpu.pipeline_mode<synchronous>, transform_indices = @transform_13, window_bounds = array<i64: 1, 1>}, {transform_indices = @transform_14, window_bounds = array<i64: 1000, 128>}]} {
    %get3A = arith.constant 0 : index
    %get3A_0 = arith.constant 0 : index
    %get3A_1 = vector.load %arg1[%get3A, %get3A_0] : memref<1000x128xf32, #tpu.memory_space<vmem>>, vector<1000x128xf32>
    %get3A_2 = arith.constant 0 : index
    %get3A_3 = arith.constant 0 : index
    %get3A_4 = arith.constant 0 : index
    %get3A_5 = vector.load %arg6[%get3A_2, %get3A_3, %get3A_4] : memref<1x1x1000xf32, #tpu.memory_space<vmem>>, vector<1x1x1000xf32>
    %get3A_6 = vector.shape_cast %get3A_5 : vector<1x1x1000xf32> to vector<1000xf32>
    %broadcast_in_dim3A = vector.shape_cast %get3A_6 : vector<1000xf32> to vector<1000x1xf32>
    %gt3A = arith.constant 0.000000e+00 : f32
    %gt3A_7 = vector.broadcast %gt3A : f32 to vector<1000x1xf32>
    %gt3A_8 = arith.cmpf ogt, %broadcast_in_dim3A, %gt3A_7 : vector<1000x1xf32>
    %max3A = arith.constant 1.000000e+00 : f32
    %max3A_9 = vector.broadcast %max3A : f32 to vector<1000xf32>
    %max3A_10 = arith.maximumf %get3A_6, %max3A_9 : vector<1000xf32>
    %broadcast_in_dim3A_11 = vector.shape_cast %max3A_10 : vector<1000xf32> to vector<1000x1xf32>
    %div3A = vector.broadcast %broadcast_in_dim3A_11 : vector<1000x1xf32> to vector<1000x128xf32>
    %div3A_12 = arith.divf %get3A_1, %div3A : vector<1000x128xf32>
    %jit3A = arith.constant 0.000000e+00 : f32
    %broadcast_in_dim3A_13 = vector.shape_cast %gt3A_8 : vector<1000x1xi1> to vector<1000x1xi1>
    %broadcast_in_dim3A_14 = vector.broadcast %broadcast_in_dim3A_13 : vector<1000x1xi1> to vector<1000x128xi1>
    %broadcast_in_dim3A_15 = vector.broadcast %jit3A : f32 to vector<1000x128xf32>
    %select_n3A = arith.select %broadcast_in_dim3A_14, %div3A_12, %broadcast_in_dim3A_15 : vector<1000x128xi1>, vector<1000x128xf32>
    %get3A_16 = arith.constant 0 : index
    %get3A_17 = arith.constant 0 : index
    %get3A_18 = vector.load %arg11[%get3A_16, %get3A_17] : memref<128x64xf32, #tpu.memory_space<vmem>>, vector<128x64xf32>
    %dot_general3A = arith.constant dense<0.000000e+00> : vector<1000x64xf32>
    %dot_general3A_19 = tpu.matmul %select_n3A, %get3A_18, %dot_general3A {dimension_numbers = #tpu.dot_dimension_numbers<[1], [0], [0], [1], [0, 0, 1, 1], [], []>, transpose_lhs_hint = false} : vector<1000x128xf32>, vector<128x64xf32>, vector<1000x64xf32> -> vector<1000x64xf32>
    %get3A_20 = arith.constant 0 : index
    %get3A_21 = arith.constant 0 : index
    %get3A_22 = vector.load %arg12[%get3A_20, %get3A_21] : memref<1x64xf32, #tpu.memory_space<vmem>>, vector<1x64xf32>
    %add3A = vector.broadcast %get3A_22 : vector<1x64xf32> to vector<1000x64xf32>
    %add3A_23 = arith.addf %dot_general3A_19, %add3A : vector<1000x64xf32>
    %tanh3A = math.tanh %add3A_23 : vector<1000x64xf32>
    %get3A_24 = arith.constant 0 : index
    %get3A_25 = arith.constant 0 : index
    %get3A_26 = vector.load %arg13[%get3A_24, %get3A_25] : memref<64x1xf32, #tpu.memory_space<vmem>>, vector<64x1xf32>
    %dot_general3A_27 = arith.constant dense<0.000000e+00> : vector<1000x1xf32>
    %dot_general3A_28 = tpu.matmul %tanh3A, %get3A_26, %dot_general3A_27 {dimension_numbers = #tpu.dot_dimension_numbers<[1], [0], [0], [1], [0, 0, 1, 1], [], []>, transpose_lhs_hint = false} : vector<1000x64xf32>, vector<64x1xf32>, vector<1000x1xf32> -> vector<1000x1xf32>
    %get3A_29 = arith.constant 0 : index
    %get3A_30 = arith.constant 0 : index
    %get3A_31 = vector.load %arg14[%get3A_29, %get3A_30] : memref<1x1xf32, #tpu.memory_space<vmem>>, vector<1x1xf32>
    %add3A_32 = vector.broadcast %get3A_31 : vector<1x1xf32> to vector<1000x1xf32>
    %add3A_33 = arith.addf %dot_general3A_28, %add3A_32 : vector<1000x1xf32>
    %get3A_34 = arith.constant 0 : index
    %get3A_35 = arith.constant 0 : index
    %get3A_36 = vector.load %arg2[%get3A_34, %get3A_35] : memref<1000x128xf32, #tpu.memory_space<vmem>>, vector<1000x128xf32>
    %get3A_37 = arith.constant 0 : index
    %get3A_38 = arith.constant 0 : index
    %get3A_39 = arith.constant 0 : index
    %get3A_40 = vector.load %arg7[%get3A_37, %get3A_38, %get3A_39] : memref<1x1x1000xf32, #tpu.memory_space<vmem>>, vector<1x1x1000xf32>
    %get3A_41 = vector.shape_cast %get3A_40 : vector<1x1x1000xf32> to vector<1000xf32>
    %broadcast_in_dim3A_42 = vector.shape_cast %get3A_41 : vector<1000xf32> to vector<1000x1xf32>
    %gt3A_43 = arith.constant 0.000000e+00 : f32
    %gt3A_44 = vector.broadcast %gt3A_43 : f32 to vector<1000x1xf32>
    %gt3A_45 = arith.cmpf ogt, %broadcast_in_dim3A_42, %gt3A_44 : vector<1000x1xf32>
    %max3A_46 = arith.constant 1.000000e+00 : f32
    %max3A_47 = vector.broadcast %max3A_46 : f32 to vector<1000xf32>
    %max3A_48 = arith.maximumf %get3A_41, %max3A_47 : vector<1000xf32>
    %broadcast_in_dim3A_49 = vector.shape_cast %max3A_48 : vector<1000xf32> to vector<1000x1xf32>
    %div3A_50 = vector.broadcast %broadcast_in_dim3A_49 : vector<1000x1xf32> to vector<1000x128xf32>
    %div3A_51 = arith.divf %get3A_36, %div3A_50 : vector<1000x128xf32>
    %jit3A_52 = arith.constant 0.000000e+00 : f32
    %broadcast_in_dim3A_53 = vector.shape_cast %gt3A_45 : vector<1000x1xi1> to vector<1000x1xi1>
    %broadcast_in_dim3A_54 = vector.broadcast %broadcast_in_dim3A_53 : vector<1000x1xi1> to vector<1000x128xi1>
    %broadcast_in_dim3A_55 = vector.broadcast %jit3A_52 : f32 to vector<1000x128xf32>
    %select_n3A_56 = arith.select %broadcast_in_dim3A_54, %div3A_51, %broadcast_in_dim3A_55 : vector<1000x128xi1>, vector<1000x128xf32>
    %get3A_57 = arith.constant 0 : index
    %get3A_58 = arith.constant 0 : index
    %get3A_59 = vector.load %arg11[%get3A_57, %get3A_58] : memref<128x64xf32, #tpu.memory_space<vmem>>, vector<128x64xf32>
    %dot_general3A_60 = arith.constant dense<0.000000e+00> : vector<1000x64xf32>
    %dot_general3A_61 = tpu.matmul %select_n3A_56, %get3A_59, %dot_general3A_60 {dimension_numbers = #tpu.dot_dimension_numbers<[1], [0], [0], [1], [0, 0, 1, 1], [], []>, transpose_lhs_hint = false} : vector<1000x128xf32>, vector<128x64xf32>, vector<1000x64xf32> -> vector<1000x64xf32>
    %get3A_62 = arith.constant 0 : index
    %get3A_63 = arith.constant 0 : index
    %get3A_64 = vector.load %arg12[%get3A_62, %get3A_63] : memref<1x64xf32, #tpu.memory_space<vmem>>, vector<1x64xf32>
    %add3A_65 = vector.broadcast %get3A_64 : vector<1x64xf32> to vector<1000x64xf32>
    %add3A_66 = arith.addf %dot_general3A_61, %add3A_65 : vector<1000x64xf32>
    %tanh3A_67 = math.tanh %add3A_66 : vector<1000x64xf32>
    %get3A_68 = arith.constant 0 : index
    %get3A_69 = arith.constant 0 : index
    %get3A_70 = vector.load %arg13[%get3A_68, %get3A_69] : memref<64x1xf32, #tpu.memory_space<vmem>>, vector<64x1xf32>
    %dot_general3A_71 = arith.constant dense<0.000000e+00> : vector<1000x1xf32>
    %dot_general3A_72 = tpu.matmul %tanh3A_67, %get3A_70, %dot_general3A_71 {dimension_numbers = #tpu.dot_dimension_numbers<[1], [0], [0], [1], [0, 0, 1, 1], [], []>, transpose_lhs_hint = false} : vector<1000x64xf32>, vector<64x1xf32>, vector<1000x1xf32> -> vector<1000x1xf32>
    %get3A_73 = arith.constant 0 : index
    %get3A_74 = arith.constant 0 : index
    %get3A_75 = vector.load %arg14[%get3A_73, %get3A_74] : memref<1x1xf32, #tpu.memory_space<vmem>>, vector<1x1xf32>
    %add3A_76 = vector.broadcast %get3A_75 : vector<1x1xf32> to vector<1000x1xf32>
    %add3A_77 = arith.addf %dot_general3A_72, %add3A_76 : vector<1000x1xf32>
    %get3A_78 = arith.constant 0 : index
    %get3A_79 = arith.constant 0 : index
    %get3A_80 = vector.load %arg3[%get3A_78, %get3A_79] : memref<1000x128xf32, #tpu.memory_space<vmem>>, vector<1000x128xf32>
    %get3A_81 = arith.constant 0 : index
    %get3A_82 = arith.constant 0 : index
    %get3A_83 = arith.constant 0 : index
    %get3A_84 = vector.load %arg8[%get3A_81, %get3A_82, %get3A_83] : memref<1x1x1000xf32, #tpu.memory_space<vmem>>, vector<1x1x1000xf32>
    %get3A_85 = vector.shape_cast %get3A_84 : vector<1x1x1000xf32> to vector<1000xf32>
    %broadcast_in_dim3A_86 = vector.shape_cast %get3A_85 : vector<1000xf32> to vector<1000x1xf32>
    %gt3A_87 = arith.constant 0.000000e+00 : f32
    %gt3A_88 = vector.broadcast %gt3A_87 : f32 to vector<1000x1xf32>
    %gt3A_89 = arith.cmpf ogt, %broadcast_in_dim3A_86, %gt3A_88 : vector<1000x1xf32>
    %max3A_90 = arith.constant 1.000000e+00 : f32
    %max3A_91 = vector.broadcast %max3A_90 : f32 to vector<1000xf32>
    %max3A_92 = arith.maximumf %get3A_85, %max3A_91 : vector<1000xf32>
    %broadcast_in_dim3A_93 = vector.shape_cast %max3A_92 : vector<1000xf32> to vector<1000x1xf32>
    %div3A_94 = vector.broadcast %broadcast_in_dim3A_93 : vector<1000x1xf32> to vector<1000x128xf32>
    %div3A_95 = arith.divf %get3A_80, %div3A_94 : vector<1000x128xf32>
    %jit3A_96 = arith.constant 0.000000e+00 : f32
    %broadcast_in_dim3A_97 = vector.shape_cast %gt3A_89 : vector<1000x1xi1> to vector<1000x1xi1>
    %broadcast_in_dim3A_98 = vector.broadcast %broadcast_in_dim3A_97 : vector<1000x1xi1> to vector<1000x128xi1>
    %broadcast_in_dim3A_99 = vector.broadcast %jit3A_96 : f32 to vector<1000x128xf32>
    %select_n3A_100 = arith.select %broadcast_in_dim3A_98, %div3A_95, %broadcast_in_dim3A_99 : vector<1000x128xi1>, vector<1000x128xf32>
    %get3A_101 = arith.constant 0 : index
    %get3A_102 = arith.constant 0 : index
    %get3A_103 = vector.load %arg11[%get3A_101, %get3A_102] : memref<128x64xf32, #tpu.memory_space<vmem>>, vector<128x64xf32>
    %dot_general3A_104 = arith.constant dense<0.000000e+00> : vector<1000x64xf32>
    %dot_general3A_105 = tpu.matmul %select_n3A_100, %get3A_103, %dot_general3A_104 {dimension_numbers = #tpu.dot_dimension_numbers<[1], [0], [0], [1], [0, 0, 1, 1], [], []>, transpose_lhs_hint = false} : vector<1000x128xf32>, vector<128x64xf32>, vector<1000x64xf32> -> vector<1000x64xf32>
    %get3A_106 = arith.constant 0 : index
    %get3A_107 = arith.constant 0 : index
    %get3A_108 = vector.load %arg12[%get3A_106, %get3A_107] : memref<1x64xf32, #tpu.memory_space<vmem>>, vector<1x64xf32>
    %add3A_109 = vector.broadcast %get3A_108 : vector<1x64xf32> to vector<1000x64xf32>
    %add3A_110 = arith.addf %dot_general3A_105, %add3A_109 : vector<1000x64xf32>
    %tanh3A_111 = math.tanh %add3A_110 : vector<1000x64xf32>
    %get3A_112 = arith.constant 0 : index
    %get3A_113 = arith.constant 0 : index
    %get3A_114 = vector.load %arg13[%get3A_112, %get3A_113] : memref<64x1xf32, #tpu.memory_space<vmem>>, vector<64x1xf32>
    %dot_general3A_115 = arith.constant dense<0.000000e+00> : vector<1000x1xf32>
    %dot_general3A_116 = tpu.matmul %tanh3A_111, %get3A_114, %dot_general3A_115 {dimension_numbers = #tpu.dot_dimension_numbers<[1], [0], [0], [1], [0, 0, 1, 1], [], []>, transpose_lhs_hint = false} : vector<1000x64xf32>, vector<64x1xf32>, vector<1000x1xf32> -> vector<1000x1xf32>
    %get3A_117 = arith.constant 0 : index
    %get3A_118 = arith.constant 0 : index
    %get3A_119 = vector.load %arg14[%get3A_117, %get3A_118] : memref<1x1xf32, #tpu.memory_space<vmem>>, vector<1x1xf32>
    %add3A_120 = vector.broadcast %get3A_119 : vector<1x1xf32> to vector<1000x1xf32>
    %add3A_121 = arith.addf %dot_general3A_116, %add3A_120 : vector<1000x1xf32>
    %get3A_122 = arith.constant 0 : index
    %get3A_123 = arith.constant 0 : index
    %get3A_124 = vector.load %arg4[%get3A_122, %get3A_123] : memref<1000x128xf32, #tpu.memory_space<vmem>>, vector<1000x128xf32>
    %get3A_125 = arith.constant 0 : index
    %get3A_126 = arith.constant 0 : index
    %get3A_127 = arith.constant 0 : index
    %get3A_128 = vector.load %arg9[%get3A_125, %get3A_126, %get3A_127] : memref<1x1x1000xf32, #tpu.memory_space<vmem>>, vector<1x1x1000xf32>
    %get3A_129 = vector.shape_cast %get3A_128 : vector<1x1x1000xf32> to vector<1000xf32>
    %broadcast_in_dim3A_130 = vector.shape_cast %get3A_129 : vector<1000xf32> to vector<1000x1xf32>
    %gt3A_131 = arith.constant 0.000000e+00 : f32
    %gt3A_132 = vector.broadcast %gt3A_131 : f32 to vector<1000x1xf32>
    %gt3A_133 = arith.cmpf ogt, %broadcast_in_dim3A_130, %gt3A_132 : vector<1000x1xf32>
    %max3A_134 = arith.constant 1.000000e+00 : f32
    %max3A_135 = vector.broadcast %max3A_134 : f32 to vector<1000xf32>
    %max3A_136 = arith.maximumf %get3A_129, %max3A_135 : vector<1000xf32>
    %broadcast_in_dim3A_137 = vector.shape_cast %max3A_136 : vector<1000xf32> to vector<1000x1xf32>
    %div3A_138 = vector.broadcast %broadcast_in_dim3A_137 : vector<1000x1xf32> to vector<1000x128xf32>
    %div3A_139 = arith.divf %get3A_124, %div3A_138 : vector<1000x128xf32>
    %jit3A_140 = arith.constant 0.000000e+00 : f32
    %broadcast_in_dim3A_141 = vector.shape_cast %gt3A_133 : vector<1000x1xi1> to vector<1000x1xi1>
    %broadcast_in_dim3A_142 = vector.broadcast %broadcast_in_dim3A_141 : vector<1000x1xi1> to vector<1000x128xi1>
    %broadcast_in_dim3A_143 = vector.broadcast %jit3A_140 : f32 to vector<1000x128xf32>
    %select_n3A_144 = arith.select %broadcast_in_dim3A_142, %div3A_139, %broadcast_in_dim3A_143 : vector<1000x128xi1>, vector<1000x128xf32>
    %get3A_145 = arith.constant 0 : index
    %get3A_146 = arith.constant 0 : index
    %get3A_147 = vector.load %arg11[%get3A_145, %get3A_146] : memref<128x64xf32, #tpu.memory_space<vmem>>, vector<128x64xf32>
    %dot_general3A_148 = arith.constant dense<0.000000e+00> : vector<1000x64xf32>
    %dot_general3A_149 = tpu.matmul %select_n3A_144, %get3A_147, %dot_general3A_148 {dimension_numbers = #tpu.dot_dimension_numbers<[1], [0], [0], [1], [0, 0, 1, 1], [], []>, transpose_lhs_hint = false} : vector<1000x128xf32>, vector<128x64xf32>, vector<1000x64xf32> -> vector<1000x64xf32>
    %get3A_150 = arith.constant 0 : index
    %get3A_151 = arith.constant 0 : index
    %get3A_152 = vector.load %arg12[%get3A_150, %get3A_151] : memref<1x64xf32, #tpu.memory_space<vmem>>, vector<1x64xf32>
    %add3A_153 = vector.broadcast %get3A_152 : vector<1x64xf32> to vector<1000x64xf32>
    %add3A_154 = arith.addf %dot_general3A_149, %add3A_153 : vector<1000x64xf32>
    %tanh3A_155 = math.tanh %add3A_154 : vector<1000x64xf32>
    %get3A_156 = arith.constant 0 : index
    %get3A_157 = arith.constant 0 : index
    %get3A_158 = vector.load %arg13[%get3A_156, %get3A_157] : memref<64x1xf32, #tpu.memory_space<vmem>>, vector<64x1xf32>
    %dot_general3A_159 = arith.constant dense<0.000000e+00> : vector<1000x1xf32>
    %dot_general3A_160 = tpu.matmul %tanh3A_155, %get3A_158, %dot_general3A_159 {dimension_numbers = #tpu.dot_dimension_numbers<[1], [0], [0], [1], [0, 0, 1, 1], [], []>, transpose_lhs_hint = false} : vector<1000x64xf32>, vector<64x1xf32>, vector<1000x1xf32> -> vector<1000x1xf32>
    %get3A_161 = arith.constant 0 : index
    %get3A_162 = arith.constant 0 : index
    %get3A_163 = vector.load %arg14[%get3A_161, %get3A_162] : memref<1x1xf32, #tpu.memory_space<vmem>>, vector<1x1xf32>
    %add3A_164 = vector.broadcast %get3A_163 : vector<1x1xf32> to vector<1000x1xf32>
    %add3A_165 = arith.addf %dot_general3A_160, %add3A_164 : vector<1000x1xf32>
    %get3A_166 = arith.constant 0 : index
    %get3A_167 = arith.constant 0 : index
    %get3A_168 = vector.load %arg5[%get3A_166, %get3A_167] : memref<1000x128xf32, #tpu.memory_space<vmem>>, vector<1000x128xf32>
    %get3A_169 = arith.constant 0 : index
    %get3A_170 = arith.constant 0 : index
    %get3A_171 = arith.constant 0 : index
    %get3A_172 = vector.load %arg10[%get3A_169, %get3A_170, %get3A_171] : memref<1x1x1000xf32, #tpu.memory_space<vmem>>, vector<1x1x1000xf32>
    %get3A_173 = vector.shape_cast %get3A_172 : vector<1x1x1000xf32> to vector<1000xf32>
    %broadcast_in_dim3A_174 = vector.shape_cast %get3A_173 : vector<1000xf32> to vector<1000x1xf32>
    %gt3A_175 = arith.constant 0.000000e+00 : f32
    %gt3A_176 = vector.broadcast %gt3A_175 : f32 to vector<1000x1xf32>
    %gt3A_177 = arith.cmpf ogt, %broadcast_in_dim3A_174, %gt3A_176 : vector<1000x1xf32>
    %max3A_178 = arith.constant 1.000000e+00 : f32
    %max3A_179 = vector.broadcast %max3A_178 : f32 to vector<1000xf32>
    %max3A_180 = arith.maximumf %get3A_173, %max3A_179 : vector<1000xf32>
    %broadcast_in_dim3A_181 = vector.shape_cast %max3A_180 : vector<1000xf32> to vector<1000x1xf32>
    %div3A_182 = vector.broadcast %broadcast_in_dim3A_181 : vector<1000x1xf32> to vector<1000x128xf32>
    %div3A_183 = arith.divf %get3A_168, %div3A_182 : vector<1000x128xf32>
    %jit3A_184 = arith.constant 0.000000e+00 : f32
    %broadcast_in_dim3A_185 = vector.shape_cast %gt3A_177 : vector<1000x1xi1> to vector<1000x1xi1>
    %broadcast_in_dim3A_186 = vector.broadcast %broadcast_in_dim3A_185 : vector<1000x1xi1> to vector<1000x128xi1>
    %broadcast_in_dim3A_187 = vector.broadcast %jit3A_184 : f32 to vector<1000x128xf32>
    %select_n3A_188 = arith.select %broadcast_in_dim3A_186, %div3A_183, %broadcast_in_dim3A_187 : vector<1000x128xi1>, vector<1000x128xf32>
    %get3A_189 = arith.constant 0 : index
    %get3A_190 = arith.constant 0 : index
    %get3A_191 = vector.load %arg11[%get3A_189, %get3A_190] : memref<128x64xf32, #tpu.memory_space<vmem>>, vector<128x64xf32>
    %dot_general3A_192 = arith.constant dense<0.000000e+00> : vector<1000x64xf32>
    %dot_general3A_193 = tpu.matmul %select_n3A_188, %get3A_191, %dot_general3A_192 {dimension_numbers = #tpu.dot_dimension_numbers<[1], [0], [0], [1], [0, 0, 1, 1], [], []>, transpose_lhs_hint = false} : vector<1000x128xf32>, vector<128x64xf32>, vector<1000x64xf32> -> vector<1000x64xf32>
    %get3A_194 = arith.constant 0 : index
    %get3A_195 = arith.constant 0 : index
    %get3A_196 = vector.load %arg12[%get3A_194, %get3A_195] : memref<1x64xf32, #tpu.memory_space<vmem>>, vector<1x64xf32>
    %add3A_197 = vector.broadcast %get3A_196 : vector<1x64xf32> to vector<1000x64xf32>
    %add3A_198 = arith.addf %dot_general3A_193, %add3A_197 : vector<1000x64xf32>
    %tanh3A_199 = math.tanh %add3A_198 : vector<1000x64xf32>
    %get3A_200 = arith.constant 0 : index
    %get3A_201 = arith.constant 0 : index
    %get3A_202 = vector.load %arg13[%get3A_200, %get3A_201] : memref<64x1xf32, #tpu.memory_space<vmem>>, vector<64x1xf32>
    %dot_general3A_203 = arith.constant dense<0.000000e+00> : vector<1000x1xf32>
    %dot_general3A_204 = tpu.matmul %tanh3A_199, %get3A_202, %dot_general3A_203 {dimension_numbers = #tpu.dot_dimension_numbers<[1], [0], [0], [1], [0, 0, 1, 1], [], []>, transpose_lhs_hint = false} : vector<1000x64xf32>, vector<64x1xf32>, vector<1000x1xf32> -> vector<1000x1xf32>
    %get3A_205 = arith.constant 0 : index
    %get3A_206 = arith.constant 0 : index
    %get3A_207 = vector.load %arg14[%get3A_205, %get3A_206] : memref<1x1xf32, #tpu.memory_space<vmem>>, vector<1x1xf32>
    %add3A_208 = vector.broadcast %get3A_207 : vector<1x1xf32> to vector<1000x1xf32>
    %add3A_209 = arith.addf %dot_general3A_204, %add3A_208 : vector<1000x1xf32>
    %max3A_210 = arith.maximumf %add3A_33, %add3A_77 : vector<1000x1xf32>
    %max3A_211 = arith.maximumf %max3A_210, %add3A_121 : vector<1000x1xf32>
    %max3A_212 = arith.maximumf %max3A_211, %add3A_165 : vector<1000x1xf32>
    %max3A_213 = arith.maximumf %max3A_212, %add3A_209 : vector<1000x1xf32>
    %sub3A = arith.subf %add3A_33, %max3A_213 : vector<1000x1xf32>
    %exp3A = math.exp %sub3A : vector<1000x1xf32>
    %sub3A_214 = arith.subf %add3A_77, %max3A_213 : vector<1000x1xf32>
    %exp3A_215 = math.exp %sub3A_214 : vector<1000x1xf32>
    %sub3A_216 = arith.subf %add3A_121, %max3A_213 : vector<1000x1xf32>
    %exp3A_217 = math.exp %sub3A_216 : vector<1000x1xf32>
    %sub3A_218 = arith.subf %add3A_165, %max3A_213 : vector<1000x1xf32>
    %exp3A_219 = math.exp %sub3A_218 : vector<1000x1xf32>
    %sub3A_220 = arith.subf %add3A_209, %max3A_213 : vector<1000x1xf32>
    %exp3A_221 = math.exp %sub3A_220 : vector<1000x1xf32>
    %add3A_222 = arith.addf %exp3A, %exp3A_215 : vector<1000x1xf32>
    %add3A_223 = arith.addf %add3A_222, %exp3A_217 : vector<1000x1xf32>
    %add3A_224 = arith.addf %add3A_223, %exp3A_219 : vector<1000x1xf32>
    %add3A_225 = arith.addf %add3A_224, %exp3A_221 : vector<1000x1xf32>
    %div3A_226 = arith.divf %exp3A, %add3A_225 : vector<1000x1xf32>
    %mul3A = vector.broadcast %div3A_226 : vector<1000x1xf32> to vector<1000x128xf32>
    %mul3A_227 = arith.mulf %mul3A, %select_n3A : vector<1000x128xf32>
    %div3A_228 = arith.divf %exp3A_215, %add3A_225 : vector<1000x1xf32>
    %mul3A_229 = vector.broadcast %div3A_228 : vector<1000x1xf32> to vector<1000x128xf32>
    %mul3A_230 = arith.mulf %mul3A_229, %select_n3A_56 : vector<1000x128xf32>
    %add3A_231 = arith.addf %mul3A_227, %mul3A_230 : vector<1000x128xf32>
    %div3A_232 = arith.divf %exp3A_217, %add3A_225 : vector<1000x1xf32>
    %mul3A_233 = vector.broadcast %div3A_232 : vector<1000x1xf32> to vector<1000x128xf32>
    %mul3A_234 = arith.mulf %mul3A_233, %select_n3A_100 : vector<1000x128xf32>
    %add3A_235 = arith.addf %add3A_231, %mul3A_234 : vector<1000x128xf32>
    %div3A_236 = arith.divf %exp3A_219, %add3A_225 : vector<1000x1xf32>
    %mul3A_237 = vector.broadcast %div3A_236 : vector<1000x1xf32> to vector<1000x128xf32>
    %mul3A_238 = arith.mulf %mul3A_237, %select_n3A_144 : vector<1000x128xf32>
    %add3A_239 = arith.addf %add3A_235, %mul3A_238 : vector<1000x128xf32>
    %div3A_240 = arith.divf %exp3A_221, %add3A_225 : vector<1000x1xf32>
    %mul3A_241 = vector.broadcast %div3A_240 : vector<1000x1xf32> to vector<1000x128xf32>
    %mul3A_242 = arith.mulf %mul3A_241, %select_n3A_188 : vector<1000x128xf32>
    %add3A_243 = arith.addf %add3A_239, %mul3A_242 : vector<1000x128xf32>
    %swap3A = arith.constant 0 : index
    %swap3A_244 = arith.constant 0 : index
    %swap3A_245 = vector.load %arg15[%swap3A, %swap3A_244] : memref<1000x128xf32, #tpu.memory_space<vmem>>, vector<1000x128xf32>
    tpu.vector_store %arg15[%swap3A, %swap3A_244], %add3A_243 {strides = array<i32>} : memref<1000x128xf32, #tpu.memory_space<vmem>>, vector<1000x128xf32>,
    return
  }
  func.func @transform_0(%arg0: i32) -> (i32, i32) {
    %add3A = arith.constant 0 : i32
    %add3A_0 = arith.addi %add3A, %arg0 : i32
    %c0_i32 = arith.constant 0 : i32
    %c0_i32_1 = arith.constant 0 : i32
    return %add3A_0, %c0_i32 : i32, i32
  }
  func.func @transform_1(%arg0: i32) -> (i32, i32) {
    %add3A = arith.constant 10 : i32
    %add3A_0 = arith.addi %add3A, %arg0 : i32
    %c0_i32 = arith.constant 0 : i32
    %c0_i32_1 = arith.constant 0 : i32
    return %add3A_0, %c0_i32 : i32, i32
  }
  func.func @transform_2(%arg0: i32) -> (i32, i32) {
    %add3A = arith.constant 20 : i32
    %add3A_0 = arith.addi %add3A, %arg0 : i32
    %c0_i32 = arith.constant 0 : i32
    %c0_i32_1 = arith.constant 0 : i32
    return %add3A_0, %c0_i32 : i32, i32
  }
  func.func @transform_3(%arg0: i32) -> (i32, i32) {
    %add3A = arith.constant 30 : i32
    %add3A_0 = arith.addi %add3A, %arg0 : i32
    %c0_i32 = arith.constant 0 : i32
    %c0_i32_1 = arith.constant 0 : i32
    return %add3A_0, %c0_i32 : i32, i32
  }
  func.func @transform_4(%arg0: i32) -> (i32, i32) {
    %add3A = arith.constant 40 : i32
    %add3A_0 = arith.addi %add3A, %arg0 : i32
    %c0_i32 = arith.constant 0 : i32
    %c0_i32_1 = arith.constant 0 : i32
    return %add3A_0, %c0_i32 : i32, i32
  }
  func.func @transform_5(%arg0: i32) -> (i32, i32, i32) {
    %add3A = arith.constant 0 : i32
    %add3A_0 = arith.addi %add3A, %arg0 : i32
    %c0_i32 = arith.constant 0 : i32
    %c0_i32_1 = arith.constant 0 : i32
    %c0_i32_2 = arith.constant 0 : i32
    return %add3A_0, %c0_i32, %c0_i32_1 : i32, i32, i32
  }
  func.func @transform_6(%arg0: i32) -> (i32, i32, i32) {
    %add3A = arith.constant 10 : i32
    %add3A_0 = arith.addi %add3A, %arg0 : i32
    %c0_i32 = arith.constant 0 : i32
    %c0_i32_1 = arith.constant 0 : i32
    %c0_i32_2 = arith.constant 0 : i32
    return %add3A_0, %c0_i32, %c0_i32_1 : i32, i32, i32
  }
  func.func @transform_7(%arg0: i32) -> (i32, i32, i32) {
    %add3A = arith.constant 20 : i32
    %add3A_0 = arith.addi %add3A, %arg0 : i32
    %c0_i32 = arith.constant 0 : i32
    %c0_i32_1 = arith.constant 0 : i32
    %c0_i32_2 = arith.constant 0 : i32
    return %add3A_0, %c0_i32, %c0_i32_1 : i32, i32, i32
  }
  func.func @transform_8(%arg0: i32) -> (i32, i32, i32) {
    %add3A = arith.constant 30 : i32
    %add3A_0 = arith.addi %add3A, %arg0 : i32
    %c0_i32 = arith.constant 0 : i32
    %c0_i32_1 = arith.constant 0 : i32
    %c0_i32_2 = arith.constant 0 : i32
    return %add3A_0, %c0_i32, %c0_i32_1 : i32, i32, i32
  }
  func.func @transform_9(%arg0: i32) -> (i32, i32, i32) {
    %add3A = arith.constant 40 : i32
    %add3A_0 = arith.addi %add3A, %arg0 : i32
    %c0_i32 = arith.constant 0 : i32
    %c0_i32_1 = arith.constant 0 : i32
    %c0_i32_2 = arith.constant 0 : i32
    return %add3A_0, %c0_i32, %c0_i32_1 : i32, i32, i32
  }
  func.func @transform_10(%arg0: i32) -> (i32, i32) {
    %c0_i32 = arith.constant 0 : i32
    %c0_i32_0 = arith.constant 0 : i32
    %c0_i32_1 = arith.constant 0 : i32
    return %c0_i32, %c0_i32_0 : i32, i32
  }
  func.func @transform_11(%arg0: i32) -> (i32, i32) {
    %c0_i32 = arith.constant 0 : i32
    %c0_i32_0 = arith.constant 0 : i32
    %c0_i32_1 = arith.constant 0 : i32
    return %c0_i32, %c0_i32_0 : i32, i32
  }
  func.func @transform_12(%arg0: i32) -> (i32, i32) {
    %c0_i32 = arith.constant 0 : i32
    %c0_i32_0 = arith.constant 0 : i32
    %c0_i32_1 = arith.constant 0 : i32
    return %c0_i32, %c0_i32_0 : i32, i32
  }
  func.func @transform_13(%arg0: i32) -> (i32, i32) {
    %c0_i32 = arith.constant 0 : i32
    %c0_i32_0 = arith.constant 0 : i32
    %c0_i32_1 = arith.constant 0 : i32
    return %c0_i32, %c0_i32_0 : i32, i32
  }
  func.func @transform_14(%arg0: i32) -> (i32, i32) {
    %c0_i32 = arith.constant 0 : i32
    %c0_i32_0 = arith.constant 0 : i32
    return %arg0, %c0_i32 : i32, i32
  }
}

</mosaic_0001>

<sc_bundles>
// kernel: kernel.4.cloned.1.call-start
scs
__scs_entry_jumppad:
0x0: {  	(pc) =	sbr.rel $0x88, $3  }
0x1: {  	(tag) =	ssettag $0x0;
	lr =	simm.s32 $0x1  }
0x2: {  	[smem:$0x3F9A] =	sst lr;
	_ =	strace $0xD0000000  }
0x3: {  	_ = 	snop  }
0x4: {  	_ = 	snop  }
0x5: {  	_ = 	snop  }
0x6: {  	_ = 	snop  }
0x7: {  	_ = 	snop  }
__scs_overlays_trampoline_lowered:
0x8: {  	[smem:$0x3FA9] =	sst s0  }
0x9: {  	[smem:$0x3FAA] =	sst s1  }
0xa: {  	[smem:$0x3FAB] =	sst s2  }
0xb: {  	[smem:$0x3FAC] =	sst s3  }
0xc: {  	[smem:$0x3FAD] =	sst s4  }
0xd: {  	[smem:$0x3FAE] =	sst s5  }
0xe: {  	[smem:$0x3FAF] =	sst s6  }
0xf: {  	[smem:$0x3FB0] =	sst s7  }
0x10: {  	[smem:$0x3FB1] =	sst s8  }
0x11: {  	[smem:$0x3FB2] =	sst s9;
	s0 =	simm.s32 @!p0 $0x0  }
0x12: {  	s1 =	sld [smem:$0x3F98];
	s0 =	simm.s32 @p0 $0x1  }
0x13: {  	[smem:$0x3FB3] =	sst s0;
	s0 =	simm.s32 @!p1 $0x0  }
0x14: {  	s2 =	sld [smem:$0x3F97];
	s0 =	simm.s32 @p1 $0x1  }
0x15: {  	[smem:$0x3FB4] =	sst s0;
	s0 =	simm.s32 @!p2 $0x0  }
0x16: {  	s3 =	sld [smem:$0x3FDB];
	s0 =	simm.s32 @p2 $0x1  }
0x17: {  	s4 =	simm.s32 $0x1BF5;
	[smem:$0x3FB6] =	sst s0  }
0x18: {  	s0 =	sld [smem:$0x3F99];
	_ =	swait.ge [sflag:s4], $0x0  }
0x19: {  	s7 =	sld [smem:$0x3F9A]  }
0x1a: {  	s8 =	sadd.s32 $0xFFFFE003, lr  }
0x1b: {  	s9 =	sadd.s32 $0xFFFFFEF7, lr;
	s5 =	simm.s32 $0xFFFFFFFF;
	p2 =	slt.u32 s8, $0xFFFFF086  }
0x1c: {  	p1 =	slt.u32 s9, $0xF7A;
	s5 =	simm.s32 @!p2 $0x0  }
0x1d: {  	s5 =	simm.s32 @p1 $0x1;
	p0 =	seq.s32 s7, s2  }
0x1e: {  	s7 =	smul.u32 @!p0 $0xF7A, s2;
	p2 =	seq.s32 @!p0 s5, $0x0  }
0x1f: {  	s9 =	smul.u32 $0xF7A, s1;
	s8 =	simm.s32 @!p0 $0x1BF5;
	p2 =	por !p2, p0  }
0x20: {  	[sflag:s8] =	ssyncset.s32 @!p0 $0xFFFFF086;
	s6 =	sadd.s32 @!p0 s3, s7;
	s7 =	simm.s32 @!p0 $0x108  }
0x21: {  	s3 =	sadd.s32 s3, s9;
	s6 =	sadd.s32 @!p0 $0x88, s6;
	s7 =	simm.s32 @p2 $0x1082  }
0x22: {  	[simem:s7], [sflag:s8] =	dma.local @!p0 [hbm:s6], $0xF7A  }
0x23: {  	s9 =	sor.u32 $0xD0000000, s2;
	s6 =	simm.s32 $0x108;
	_ =	swait.ge @!p0 [sflag:s8], $0x0  }
0x24: {  	s3 =	sadd.s32 $0x88, s3;
	s6 =	simm.s32 @!p1 $0x1082;
	[sflag:s4] =	ssyncset.s32 $0xFFFFF086  }
0x25: {  	[simem:s6], [sflag:s4] =	dma.local [hbm:s3], $0xF7A  }
0x26: {  	[smem:$0x3F9A] =	sst s1;
	(tag) =	ssettag s2;
	_ =	strace s9  }
0x27: {  	s1 =	sld [smem:$0x3FAA]  }
0x28: {  	s2 =	sld [smem:$0x3FAB]  }
0x29: {  	s4 =	sld [smem:$0x3FAD]  }
0x2a: {  	p0 =	seq.s32 s5, $0x0;
	s5 =	sld [smem:$0x3FAE]  }
0x2b: {  	s6 =	sld [smem:$0x3FAF]  }
0x2c: {  	s7 =	sld [smem:$0x3FB0]  }
0x2d: {  	s3 =	simm.s32 $0x108;
	s8 =	sld [smem:$0x3FB1]  }
0x2e: {  	s3 =	simm.s32 @!p0 $0x1082;
	s9 =	sld [smem:$0x3FB2]  }
0x2f: {  	lr =	sadd.s32 s0, s3;
	s0 =	sld [smem:$0x3FA9]  }
0x30: {  	s3 =	sld [smem:$0x3FAC]  }
0x31: {  	[smem:$0x3FB5] =	sst s10  }
0x32: {  	s10 =	sld [smem:$0x3FB3];
	_ =	sdelay $0x3  }
0x33: {  	p0 =	seq.s32 s10, $0x1;
	s10 =	sld [smem:$0x3FB5];
	_ =	sdelay $0x3  }
0x34: {  	[smem:$0x3FB5] =	sst s10  }
0x35: {  	s10 =	sld [smem:$0x3FB4];
	_ =	sdelay $0x3  }
0x36: {  	p1 =	seq.s32 s10, $0x1;
	s10 =	sld [smem:$0x3FB5];
	_ =	sdelay $0x3  }
0x37: {  	[smem:$0x3FB5] =	sst s10  }
0x38: {  	s10 =	sld [smem:$0x3FB6]  }
0x39: {  	_ = 	snop;
	(pc) =	sbr.ind lr, $3  }
0x3a: {  	_ = 	snop  }
0x3b: {  	_ = 	snop  }
0x3c: {  	p2 =	seq.s32 s10, $0x1;
	s10 =	sld [smem:$0x3FB5]  }
0x3d: {  	_ =	shalt  }
0x3e: {  	_ =	shalt  }
0x3f: {  	_ =	shalt  }
0x40: {  	_ =	shalt  }
0x41: {  	_ =	shalt  }
0x42: {  	_ =	shalt  }
0x43: {  	_ =	shalt  }
0x44: {  	_ =	shalt  }
0x45: {  	_ =	shalt  }
0x46: {  	_ =	shalt  }
0x47: {  	_ =	shalt  }
0x48: {  	_ =	shalt  }
0x49: {  	_ =	shalt  }
0x4a: {  	_ =	shalt  }
0x4b: {  	_ =	shalt  }
0x4c: {  	_ =	shalt  }
0x4d: {  	_ =	shalt  }
0x4e: {  	_ =	shalt  }
0x4f: {  	_ =	shalt  }
0x50: {  	_ =	shalt  }
0x51: {  	_ =	shalt  }
0x52: {  	_ =	shalt  }
0x53: {  	_ =	shalt  }
0x54: {  	_ =	shalt  }
0x55: {  	_ =	shalt  }
0x56: {  	_ =	shalt  }
0x57: {  	_ =	shalt  }
0x58: {  	_ =	shalt  }
0x59: {  	_ =	shalt  }
0x5a: {  	_ =	shalt  }
0x5b: {  	_ =	shalt  }
0x5c: {  	_ =	shalt  }
0x5d: {  	_ =	shalt  }
0x5e: {  	_ =	shalt  }
0x5f: {  	_ =	shalt  }
0x60: {  	_ =	shalt  }
0x61: {  	_ =	shalt  }
0x62: {  	_ =	shalt  }
0x63: {  	_ =	shalt  }
0x64: {  	_ =	shalt  }
0x65: {  	_ =	shalt  }
0x66: {  	_ =	shalt  }
0x67: {  	_ =	shalt  }
0x68: {  	_ =	shalt  }
0x69: {  	_ =	shalt  }
0x6a: {  	_ =	shalt  }
0x6b: {  	_ =	shalt  }
0x6c: {  	_ =	shalt  }
0x6d: {  	_ =	shalt  }
0x6e: {  	_ =	shalt  }
0x6f: {  	_ =	shalt  }
0x70: {  	_ =	shalt  }
0x71: {  	_ =	shalt  }
0x72: {  	_ =	shalt  }
0x73: {  	_ =	shalt  }
0x74: {  	_ =	shalt  }
0x75: {  	_ =	shalt  }
0x76: {  	_ =	shalt  }
0x77: {  	_ =	shalt  }
0x78: {  	_ =	shalt  }
0x79: {  	_ =	shalt  }
0x7a: {  	_ =	shalt  }
0x7b: {  	_ =	shalt  }
0x7c: {  	_ =	shalt  }
0x7d: {  	_ =	shalt  }
0x7e: {  	_ =	shalt  }
0x7f: {  	_ =	shalt  }
0x80: {  	_ =	shalt  }
0x81: {  	_ =	shalt  }
0x82: {  	_ =	shalt  }
0x83: {  	_ =	shalt  }
0x84: {  	_ =	shalt  }
0x85: {  	_ =	shalt  }
0x86: {  	_ =	shalt  }
0x87: {  	_ =	shalt  }
.Lfunc_end0:
.L_simem_size_0:
called_computation_lowered:
.L_overlay_start_0:
0x88: {  	s2 =	sld [smem:$0x3FD9]  }
0x89: {  	s3 =	sld [smem:$0x3FFE];
	_ =	sdelay $0x1  }
0x8a: {  	s1 =	srdreg.scid  }
0x8b: {  	s0 =	sand.u32 $0x1, s1  }
0x8c: {  	s17 =	sshll.u32 s0, $0xA;
	s2 =	sadd.s32 s3, s2  }
0x8d: {  	s2 =	sadd.s32 s2, s17  }
0x8e: {  	[smem:$0x3FC1] =	sst s2  }
0x8f: {  	_ = 	snop  }
0x90: {  	s2 =	sld [smem:$0x3FD0];
	(tm) =	ssettm $0x1  }
0x91: {  	s18 =	sld [smem:$0x3FFB];
	_ =	sdelay $0x3  }
0x92: {  	_ =	strace s18  }
0x93: {  	s3 =	sld [smem:$0x3FFC];
	_ =	sdelay $0x3  }
0x94: {  	_ =	strace s3  }
0x95: {  	s3 =	sld [smem:$0x3FFD];
	_ =	sdelay $0x3  }
0x96: {  	_ =	strace s3  }
0x97: {  	_ =	strace $0x8FFFFFFF  }
0x98: {  	s19 =	sld [smem:$0x3FDB];
	_ =	sdelay $0x1  }
0x99: {  	s4 =	simm.s32 $_scs_section_size  }
0x9a: {  	s5 =	simm.s32 $_size__tile_overlayer_lowered;
	s6 =	simm.s32 $_tile_overlayer_lowered  }
0x9b: {  	s22 =	simm.s32 $0x1BFF;
	s21 =	sshll.u32 s6, $0x1;
	s3 =	sadd.s32 s4, s19  }
0x9c: {  	s7 =	simm.s32 $0x0;
	s20 =	sshll.u32 s5, $0x1;
	s5 =	sadd.s32 s21, s3  }
0x9d: {  	[timem:s7], [sflag:s22] =	dma.local [hbm:s5], s20  }
0x9e: {  	_ =	swait.ge [sflag:s22], s20  }
0x9f: {  	s4 =	ssub.s32 $0x0, s20;
	[sflag:s22] =	ssyncset.done $0x0  }
0xa0: {  	[sflag:s22] =	ssyncadd.s32 s4;
	_ =	sdelay $0x1  }
0xa1: {  	s23 =	simm.s32 $0x1B8B  }
0xa2: {  	_ =	swait.ge [sflag:s23], $0x1  }
0xa3: {  	[sflag:s23] =	ssyncset.done $0x0  }
0xa4: {  	s25 =	simm.s32 $0x1B8E;
	s24 =	sld [smem:$0x3FFE];
	[sflag:s23] =	ssyncadd.s32 $0xFFFFFFFF  }
0xa5: {  	s26 =	simm.s32 $execute0_lowered;
	[smem:$0x3FD2] =	sst s25  }
0xa6: {  	s5 =	sshll.u32 s26, $0x1;
	_ =	strace $0x80000046;
	[dreg:$0x1] =	wrdreg $0xFFFFFFFF  }
0xa7: {  	s28 =	simm.s32 $_size_execute0_lowered;
	s3 =	sadd.s32 s3, s5;
	[dreg:$0x0] =	wrdreg $0x0  }
0xa8: {  	s5 =	sshll.u32 s28, $0x1;
	[dreg:$0x2] =	wrdreg s3  }
0xa9: {  	[dreg:$0x3] =	wrdreg s5  }
0xaa: {  	[dreg:$0x4] =	wrdreg $0xC0  }
0xab: {  	_ =	task [dreg:s7], $0x5FFFF  }
0xac: {  	[dreg:$0x1] =	wrdreg $0xFFFFFFFF  }
0xad: {  	[dreg:$0x0] =	wrdreg $0x60  }
0xae: {  	[dreg:$0x2] =	wrdreg s2  }
0xaf: {  	[dreg:$0x3] =	wrdreg s24  }
0xb0: {  	[dreg:$0x4] =	wrdreg $0x50800  }
0xb1: {  	[dreg:$0x5] =	wrdreg $0x1E1000  }
0xb2: {  	[dreg:$0x6] =	wrdreg $0x9  }
0xb3: {  	_ =	task.clear_ibuf [dreg:s7], $0x7FFFF;
	_ =	strace $0x90000046  }
0xb4: {  	s29 =	simm.s32 $0x9;
	_ =	strace $0x80000048  }
0xb5: {  	_ =	swait.ge [sflag:s29], $0x1  }
0xb6: {  	[sflag:s29] =	ssyncadd.s32 $0xFFFFFFFF  }
0xb7: {  	_ =	strace $0x90000048  }
0xb8: {  	_ =	sfence  }
0xb9: {  	s30 =	sld [smem:$0x0];
	_ =	sdelay $0x2  }
0xba: {  	s31 =	sshll.u32 s1, $0xD;
	s1 =	sshrl.u32 s1, $0x2  }
0xbb: {  	s3 =	sand.u32 $0x4000, s31;
	s1 =	sadd.s32 s1, s30  }
0xbc: {  	s0 =	sor.u32 s3, s0;
	s1 =	sshll.u32 s1, $0x11  }
0xbd: {  	s0 =	sor.u32 s1, s0  }
0xbe: {  	s0 =	sadd.s32 $0x8F2B, s0  }
0xbf: {  	[sflag:s0] =	ssyncadd.remote.s32 $0x1  }
0xc0: {  	_ =	sfence.sel $0xFFFF  }
0xc1: {  	[dreg:$0x0] =	wrdreg $0xFFFFFFFF;
	(pc) =	sbr.abs _section_cstart, $3  }
0xc2: {  	[dreg:$0x1] =	wrdreg $0xFFFFFFFF  }
0xc3: {  	_ =	task.clear_ibuf [dreg:s7], $0x2FFFF;
	_ =	strace $0x9FFFFFFF  }
0xc4: {  	(tm) =	ssettm $0x7FFFFFFF  }
0xc5: {  	_ =	shalt  }
tec
execute0_lowered:
.L_overlay_start_1:
0x0: {  	(tag) =	ssettag $0x1  }
0x1: {  	s1 =	rddreg [dreg:$0x0]  }
0x2: {  	s2 =	rddreg [dreg:$0x1]  }
0x3: {  	s3 =	rddreg [dreg:$0x2]  }
0x4: {  	s5 =	rddreg [dreg:$0x3]  }
0x5: {  	s6 =	simm.s32 $0x0;
	s0 =	srdreg.scid;
	s24 =	stileid.u32  }
0x6: {  	[smem:$0x7FF] =	sst s6;
	s4 =	smul.u32 $0x64000, s24  }
0x7: {  	s0 =	sand.u32 $0x1, s0;
	s17 =	sadd.s32 $0x29400, s2;
	s16 =	smul.u32 $0x320, s24  }
0x8: {  	s18 =	sadd.s32 $0x27A00, s2;
	s15 =	smul.u32 $0x5000, s24;
	s7 =	ssub.s32 $0x2, s0  }
0x9: {  	_ =	strace $0x80000047;
	s0 =	smul.u32 $0x3200, s0;
	s8 =	sshrl.u32 s7, $0x1  }
0xa: {  	s4 =	sshrl.u32 s4, $0x2;
	s14 =	sadd.s32 s16, s5;
	s19 =	ssub.s32 s7, s8  }
0xb: {  	s7 =	sadd.s32 s4, s3;
	s4 =	sadd.s32 $0x6400, s0;
	s20 =	sadd.s32 s16, s0  }
0xc: {  	s22 =	sadd.s32 $0x3200, s0;
	s8 =	sadd.s32 $0x4000, s7;
	s9 =	sadd.s32 $0x8000, s7  }
0xd: {  	s10 =	sadd.s32 $0xC000, s7;
	s11 =	sadd.s32 $0x10000, s7;
	s21 =	sadd.s32 s16, s4  }
0xe: {  	s26 =	sshll.u32 s20, $0x4;
	s20 =	sshrl.u32 s20, $0x3;
	s30 =	smax.u32 s19, $0x1  }
0xf: {  	s20 =	sadd.s32 s18, s20;
	s28 =	sshrl.u32 s21, $0x3;
	[dreg:$0x8] =	wrdreg s30  }
0x10: {  	s16 =	sadd.s32 s17, s26;
	[dreg:$0x5] =	wrdreg s20;
	s18 =	sadd.s32 s18, s28  }
0x11: {  	s12 =	sadd.s32 $0x14000, s7;
	s29 =	sadd.s32 $0x800, s16;
	[dreg:$0x6] =	wrdreg s18  }
0x12: {  	s13 =	sadd.s32 $0x18000, s7;
	s19 =	sadd.s32 $0x1000, s16;
	[dreg:$0x7] =	wrdreg s29  }
0x13: {  	s23 =	sshll.u32 s21, $0x4;
	s20 =	sadd.s32 $0x1800, s16;
	[dreg:$0x9] =	wrdreg s19  }
0x14: {  	s17 =	sadd.s32 s17, s23;
	s21 =	sadd.s32 $0x2000, s16;
	[dreg:$0xa] =	wrdreg s20  }
0x15: {  	s23 =	sor.u32 $0x3200, s24;
	s24 =	sadd.s32 $0x2800, s16;
	[dreg:$0xb] =	wrdreg s21  }
0x16: {  	s26 =	sadd.s32 $0x9600, s0;
	s25 =	sadd.s32 $0x3000, s16;
	[dreg:$0xc] =	wrdreg s24  }
0x17: {  	v1 =	vmov s22;
	s22 =	simm.s32 $0x800;
	v4 =	vmov s26;
	s26 =	simm.s32 $0x4D00;
	[dreg:$0xd] =	wrdreg s25  }
0x18: {  	v13 =	vlaneseq.u32;
	s28 =	sadd.s32 $0x800, s17;
	s29 =	sadd.s32 $0x1000, s17;
	s30 =	sadd.s32 $0x1800, s17  }
0x19: {  	v5 =	vimm.f32 $0.0e+00;
	v0 =	vmov s0;
	v3 =	vmov s4;
	s31 =	sadd.s32 $0x2000, s17;
	s0 =	sadd.s32 $0x2800, s17;
	s4 =	sadd.s32 $0x3000, s17  }
0x1a: {  	v6 =	vor.u32 $0x2710, v13;
	v7 =	vor.u32 $0x2720, v13;
	v8 =	vor.u32 $0x2730, v13;
	s18 =	simm.s32 $0x980;
	s19 =	simm.s32 $0x2;
	[dreg:$0xe] =	wrdreg s28  }
0x1b: {  	v9 =	vor.u32 $0x2740, v13;
	v10 =	vor.u32 $0x2750, v13;
	v2 =	vmov s23;
	s21 =	simm.s32 $0x80;
	s23 =	simm.s32 $0x1;
	[dreg:$0xf] =	wrdreg s29  }
0x1c: {  	v11 =	vor.u32 $0x2760, v13;
	v12 =	vor.u32 $0x2770, v13;
	v13 =	vor.u32 $0x2780, v13;
	s24 =	simm.s32 $0x880;
	s25 =	simm.s32 $0x900;
	[dreg:$0x10] =	wrdreg s30  }
.LBB2_1:
0x1d: {  	s20 =	simm.s32 $0x0;
	s28 =	simm.s32 $0x200  }
.LBB2_2:
0x1e: {  	p0 =	sne.s32 s28, $0xFE00;
	[tilespmem:s20+$0x9F0] =	vst v5  }
0x1f: {  	[tilespmem:s20+$0x980] =	vst v5  }
0x20: {  	[tilespmem:s20+$0x990] =	vst v5  }
.Ltmp0:
0x21: {  	[tilespmem:s20+$0x9A0] =	vst v5;
	(pc) =	sbr.rel @p0 .LBB2_2-.Ltmp0, $4  }
0x22: {  	[tilespmem:s20+$0x9B0] =	vst v5  }
0x23: {  	[tilespmem:s20+$0x9C0] =	vst v5  }
0x24: {  	[tilespmem:s20+$0x9D0] =	vst v5  }
0x25: {  	[tilespmem:s20+$0x9E0] =	vst v5;
	s20 =	sshra.s32 s28, $0x2;
	s28 =	sadd.s32 $0x200, s28  }
0x26: {  	[tilespmem:s20+$0x9F0] =	vst v5  }
0x27: {  	[tilespmem:s20+$0x980] =	vst v5  }
0x28: {  	[tilespmem:s20+$0x990] =	vst v5  }
0x29: {  	[tilespmem:s20+$0x9A0] =	vst v5  }
0x2a: {  	[tilespmem:s20+$0x9B0] =	vst v5  }
0x2b: {  	[tilespmem:s20+$0x9C0] =	vst v5  }
0x2c: {  	[tilespmem:s20+$0x9D0] =	vst v5  }
0x2d: {  	[tilespmem:s20+$0x9E0] =	vst v5  }
0x2e: {  	[tilespmem:$0x4980] =	vst v5  }
0x2f: {  	[tilespmem:$0x4990] =	vst v5  }
0x30: {  	[tilespmem:$0x49A0] =	vst v5  }
0x31: {  	[tilespmem:$0x49B0] =	vst v5  }
0x32: {  	[tilespmem:$0x49C0] =	vst v5  }
0x33: {  	[tilespmem:$0x49D0] =	vst v5  }
0x34: {  	[tilespmem:$0x49E0] =	vst v5  }
0x35: {  	[tilespmem:$0x49F0] =	vst v5  }
0x36: {  	[tilespmem:$0x4A00] =	vst v5  }
0x37: {  	[tilespmem:$0x4A10] =	vst v5  }
0x38: {  	[tilespmem:$0x4A20] =	vst v5  }
0x39: {  	[tilespmem:$0x4A30] =	vst v5  }
0x3a: {  	[tilespmem:$0x4A40] =	vst v5  }
0x3b: {  	[tilespmem:$0x4A50] =	vst v5  }
0x3c: {  	[tilespmem:$0x4A60] =	vst v5  }
0x3d: {  	[tilespmem:$0x4A70] =	vst v5  }
0x3e: {  	[tilespmem:$0x4A80] =	vst v5  }
0x3f: {  	[tilespmem:$0x4A90] =	vst v5  }
0x40: {  	[tilespmem:$0x4AA0] =	vst v5  }
0x41: {  	[tilespmem:$0x4AB0] =	vst v5  }
0x42: {  	[tilespmem:$0x4AC0] =	vst v5  }
0x43: {  	[tilespmem:$0x4AD0] =	vst v5  }
0x44: {  	[tilespmem:$0x4AE0] =	vst v5  }
0x45: {  	[tilespmem:$0x4AF0] =	vst v5  }
0x46: {  	[tilespmem:$0x4B00] =	vst v5  }
0x47: {  	[tilespmem:$0x4B10] =	vst v5  }
0x48: {  	[tilespmem:$0x4B20] =	vst v5  }
0x49: {  	[tilespmem:$0x4B30] =	vst v5  }
0x4a: {  	[tilespmem:$0x4B40] =	vst v5  }
0x4b: {  	[tilespmem:$0x4B50] =	vst v5  }
0x4c: {  	[tilespmem:$0x4B60] =	vst v5  }
0x4d: {  	[tilespmem:$0x4B70] =	vst v5  }
0x4e: {  	[tilespmem:$0x4B80] =	vst v5  }
0x4f: {  	[tilespmem:$0x4B90] =	vst v5  }
0x50: {  	[tilespmem:$0x4BA0] =	vst v5  }
0x51: {  	[tilespmem:$0x4BB0] =	vst v5  }
0x52: {  	[tilespmem:$0x4BC0] =	vst v5  }
0x53: {  	[tilespmem:$0x4BD0] =	vst v5  }
0x54: {  	[tilespmem:$0x4BE0] =	vst v5  }
0x55: {  	[tilespmem:$0x4BF0] =	vst v5  }
0x56: {  	[tilespmem:$0x4C00] =	vst v5  }
0x57: {  	[tilespmem:$0x4C10] =	vst v5  }
0x58: {  	[tilespmem:$0x4C20] =	vst v5  }
0x59: {  	[tilespmem:$0x4C30] =	vst v5  }
0x5a: {  	[tilespmem:$0x4C40] =	vst v5  }
0x5b: {  	[tilespmem:$0x4C50] =	vst v5  }
0x5c: {  	[tilespmem:$0x4C60] =	vst v5  }
0x5d: {  	[tilespmem:$0x4C70] =	vst v5  }
0x5e: {  	[tilespmem:$0x4C80] =	vst v5  }
0x5f: {  	[tilespmem:$0x4C90] =	vst v5  }
0x60: {  	[spmem:s7] =	stream.linear.scatter [tilespmem:s18], [sflag:$0x2], $0x4000, $0x38;
	[tilespmem:$0x1E428] =	vst v63  }
0x61: {  	_ =	swait.ge [sflag:s19], $0x4000  }
0x62: {  	[sflag:s19] =	ssyncset.done $0x0  }
0x63: {  	[sflag:s19] =	ssyncadd.s32 $0xFFFFC000  }
0x64: {  	[spmem:s8] =	stream.linear.scatter [tilespmem:s18], [sflag:$0x2], $0x4000, $0x38;
	[tilespmem:$0x1E428] =	vst v63  }
0x65: {  	_ =	swait.ge [sflag:s19], $0x4000  }
0x66: {  	[sflag:s19] =	ssyncset.done $0x0  }
0x67: {  	[sflag:s19] =	ssyncadd.s32 $0xFFFFC000  }
0x68: {  	[spmem:s9] =	stream.linear.scatter [tilespmem:s18], [sflag:$0x2], $0x4000, $0x38;
	[tilespmem:$0x1E428] =	vst v63  }
0x69: {  	_ =	swait.ge [sflag:s19], $0x4000  }
0x6a: {  	[sflag:s19] =	ssyncset.done $0x0  }
0x6b: {  	[sflag:s19] =	ssyncadd.s32 $0xFFFFC000  }
0x6c: {  	[spmem:s10] =	stream.linear.scatter [tilespmem:s18], [sflag:$0x2], $0x4000, $0x38;
	[tilespmem:$0x1E428] =	vst v63  }
0x6d: {  	_ =	swait.ge [sflag:s19], $0x4000  }
0x6e: {  	[sflag:s19] =	ssyncset.done $0x0  }
0x6f: {  	[sflag:s19] =	ssyncadd.s32 $0xFFFFC000  }
0x70: {  	[spmem:s11] =	stream.linear.scatter [tilespmem:s18], [sflag:$0x2], $0x4000, $0x38;
	[tilespmem:$0x1E428] =	vst v63  }
0x71: {  	_ =	swait.ge [sflag:s19], $0x4000  }
0x72: {  	[sflag:s19] =	ssyncset.done $0x0  }
0x73: {  	[sflag:s19] =	ssyncadd.s32 $0xFFFFC000  }
0x74: {  	[spmem:s12] =	stream.linear.scatter [tilespmem:s18], [sflag:$0x2], $0x4000, $0x38;
	[tilespmem:$0x1E428] =	vst v63  }
0x75: {  	_ =	swait.ge [sflag:s19], $0x4000  }
0x76: {  	[sflag:s19] =	ssyncset.done $0x0  }
0x77: {  	[sflag:s19] =	ssyncadd.s32 $0xFFFFC000  }
0x78: {  	[spmem:s13] =	stream.linear.scatter [tilespmem:s18], [sflag:$0x2], $0x1000, $0x38;
	[tilespmem:$0x1E428] =	vst v63  }
0x79: {  	_ =	swait.ge [sflag:s19], $0x1000  }
0x7a: {  	[sflag:s19] =	ssyncset.done $0x0  }
0x7b: {  	s30 =	simm.s32 $0x4980;
	[sflag:s19] =	ssyncadd.s32 $0xFFFFF000  }
0x7c: {  	[spmem:s14] =	stream.linear.scatter [tilespmem:s30], [sflag:$0x2], $0x320, $0x38;
	[tilespmem:$0x1E428] =	vst v63  }
0x7d: {  	_ =	swait.ge [sflag:s19], $0x320  }
0x7e: {  	[sflag:s19] =	ssyncset.done $0x0  }
0x7f: {  	[sflag:s19] =	ssyncadd.s32 $0xFFFFFCE0  }
0x80: {  	s20 =	simm.s32 $0x0;
	s28 =	simm.s32 $0x0;
	[bflag:$0x0] =	sbarrier.arrive $0xFFFF  }
.LBB2_4:
0x81: {  	s29 =	sshll.u32 s28, $0xB  }
0x82: {  	s29 =	sadd.s32 s15, s29  }
0x83: {  	s29 =	sshrl.u32 s29, $0x3  }
0x84: {  	s29 =	sadd.s32 s1, s29  }
0x85: {  	[tilespmem:s20], [sflag:$0x2] =	stream.linear.gather [hbm4b:s29+s20], $0x800, $0x38;
	[tilespmem:$0x1E428] =	vst v63  }
0x86: {  	_ =	swait.ge [sflag:s19], $0x800  }
0x87: {  	[sflag:s19] =	ssyncset.done $0x0  }
0x88: {  	s29 =	simm.s32 $0x0;
	[sflag:s19] =	ssyncadd.s32 $0xFFFFF800  }
0x89: {  	v14 =	vld [tilespmem:s29+$0x0];
	_ =	sdelay $0x4  }
0x8a: {  	v15 =	vshrl.u32 v14, $0xE  }
0x8b: {  	vm0 =	vge.u32 v15, v0;
	vm1 =	vlt.u32 v15, v1  }
0x8c: {  	vm0 =	vmand vm0, vm1  }
0x8d: {  	v15 =	vsub.s32 v15, v0;
	v16 =	vsel vm0, $0x3F800000, v5  }
0x8e: {  	v14 =	vand.u32 $0x3FFF, v14;
	v15 =	vsel vm0, v15, v2;
	[tilespmem:$0x900] =	vst v16  }
0x8f: {  	v14 =	vsel vm0, v14, v6;
	[tilespmem:$0x880] =	vst v15  }
0x90: {  	[tilespmem:$0x800] =	vst v14  }
0x91: {  	v14 =	vld [tilespmem:s29+$0x10];
	_ =	sdelay $0x4  }
0x92: {  	v15 =	vshrl.u32 v14, $0xE  }
0x93: {  	vm0 =	vge.u32 v15, v0;
	vm1 =	vlt.u32 v15, v1  }
0x94: {  	v15 =	vsub.s32 v15, v0;
	vm0 =	vmand vm0, vm1  }
0x95: {  	v14 =	vand.u32 $0x3FFF, v14;
	v15 =	vsel vm0, v15, v2  }
0x96: {  	v14 =	vsel vm0, v14, v7;
	[tilespmem:$0x890] =	vst v15  }
0x97: {  	v15 =	vsel vm0, $0x3F800000, v5;
	[tilespmem:$0x810] =	vst v14  }
0x98: {  	[tilespmem:$0x910] =	vst v15  }
0x99: {  	v14 =	vld [tilespmem:s29+$0x20];
	_ =	sdelay $0x4  }
0x9a: {  	v15 =	vshrl.u32 v14, $0xE  }
0x9b: {  	vm0 =	vge.u32 v15, v0;
	vm1 =	vlt.u32 v15, v1  }
0x9c: {  	v14 =	vand.u32 $0x3FFF, v14;
	vm0 =	vmand vm0, vm1  }
0x9d: {  	v15 =	vsub.s32 v15, v0;
	v14 =	vsel vm0, v14, v8  }
0x9e: {  	v15 =	vsel vm0, v15, v2;
	[tilespmem:$0x820] =	vst v14  }
0x9f: {  	v14 =	vsel vm0, $0x3F800000, v5;
	[tilespmem:$0x8A0] =	vst v15  }
0xa0: {  	[tilespmem:$0x920] =	vst v14  }
0xa1: {  	v14 =	vld [tilespmem:s29+$0x30];
	_ =	sdelay $0x4  }
0xa2: {  	v15 =	vshrl.u32 v14, $0xE  }
0xa3: {  	vm0 =	vge.u32 v15, v0;
	vm1 =	vlt.u32 v15, v1  }
0xa4: {  	v14 =	vand.u32 $0x3FFF, v14;
	vm0 =	vmand vm0, vm1  }
0xa5: {  	v15 =	vsub.s32 v15, v0;
	v14 =	vsel vm0, v14, v9  }
0xa6: {  	v15 =	vsel vm0, v15, v2;
	[tilespmem:$0x830] =	vst v14  }
0xa7: {  	v14 =	vsel vm0, $0x3F800000, v5;
	[tilespmem:$0x8B0] =	vst v15  }
0xa8: {  	[tilespmem:$0x930] =	vst v14  }
0xa9: {  	v14 =	vld [tilespmem:s29+$0x40];
	_ =	sdelay $0x4  }
0xaa: {  	v15 =	vshrl.u32 v14, $0xE  }
0xab: {  	vm0 =	vge.u32 v15, v0;
	vm1 =	vlt.u32 v15, v1  }
0xac: {  	vm0 =	vmand vm0, vm1  }
0xad: {  	v15 =	vsub.s32 v15, v0;
	v16 =	vsel vm0, $0x3F800000, v5  }
0xae: {  	v14 =	vand.u32 $0x3FFF, v14;
	v15 =	vsel vm0, v15, v2;
	[tilespmem:$0x940] =	vst v16  }
0xaf: {  	v14 =	vsel vm0, v14, v10;
	[tilespmem:$0x8C0] =	vst v15  }
0xb0: {  	[tilespmem:$0x840] =	vst v14  }
0xb1: {  	v14 =	vld [tilespmem:s29+$0x50];
	_ =	sdelay $0x4  }
0xb2: {  	v15 =	vshrl.u32 v14, $0xE  }
0xb3: {  	vm0 =	vge.u32 v15, v0;
	vm1 =	vlt.u32 v15, v1  }
0xb4: {  	v15 =	vsub.s32 v15, v0;
	vm0 =	vmand vm0, vm1  }
0xb5: {  	v14 =	vand.u32 $0x3FFF, v14;
	v15 =	vsel vm0, v15, v2  }
0xb6: {  	v14 =	vsel vm0, v14, v11;
	[tilespmem:$0x8D0] =	vst v15  }
0xb7: {  	v15 =	vsel vm0, $0x3F800000, v5;
	[tilespmem:$0x850] =	vst v14  }
0xb8: {  	[tilespmem:$0x950] =	vst v15  }
0xb9: {  	v14 =	vld [tilespmem:s29+$0x60];
	_ =	sdelay $0x4  }
0xba: {  	v15 =	vshrl.u32 v14, $0xE  }
0xbb: {  	vm0 =	vge.u32 v15, v0;
	vm1 =	vlt.u32 v15, v1  }
0xbc: {  	vm0 =	vmand vm0, vm1  }
0xbd: {  	v15 =	vsub.s32 v15, v0;
	v16 =	vsel vm0, $0x3F800000, v5  }
0xbe: {  	v14 =	vand.u32 $0x3FFF, v14;
	v15 =	vsel vm0, v15, v2;
	[tilespmem:$0x960] =	vst v16  }
0xbf: {  	v14 =	vsel vm0, v14, v12;
	[tilespmem:$0x8E0] =	vst v15  }
0xc0: {  	[tilespmem:$0x860] =	vst v14  }
0xc1: {  	v14 =	vld [tilespmem:s29+$0x70];
	_ =	sdelay $0x4  }
0xc2: {  	v15 =	vshrl.u32 v14, $0xE;
	v14 =	vand.u32 $0x3FFF, v14  }
0xc3: {  	s29 =	simm.s32 $0x200;
	vm0 =	vge.u32 v15, v0;
	vm1 =	vlt.u32 v15, v1;
	v15 =	vsub.s32 v15, v0  }
.LBB2_5:
0xc4: {  	p0 =	sne.s32 s29, $0x1E00;
	vm0 =	vmand vm0, vm1;
	s30 =	smov.u32 s29;
	s29 =	sadd.s32 $0x200, s29  }
0xc5: {  	v15 =	vsel vm0, v15, v2;
	v14 =	vsel vm0, v14, v13;
	v16 =	vsel vm0, $0x3F800000, v5  }
0xc6: {  	[tilespmem:$0x8F0] =	vst v15  }
0xc7: {  	[tilespmem:$0x970] =	vst v16  }
0xc8: {  	[tilespmem:$0x870] =	vst v14  }
0xc9: {  	[tilespmem:s18], [sflag:$0x1] =	stream.indirect.gather [hbm4b:s2+s21], $0x80, s22, s21, $0xb8;
	[tilespmem:$0x1E428] =	vst v63  }
0xca: {  	_ =	swait.ge [sflag:s23], $0x4000  }
0xcb: {  	[sflag:s23] =	ssyncset.done $0x0  }
0xcc: {  	[sflag:s23] =	ssyncadd.s32 $0xFFFFC000  }
0xcd: {  	[spmem:s3] =	stream.indirect.scatter.add.f32 [tilespmem:s18], [sflag:$0x2], $0x80, s24, s21, $0xb8;
	[tilespmem:$0x1E428] =	vst v63  }
0xce: {  	_ =	swait.ge [sflag:s19], $0x4000  }
0xcf: {  	[sflag:s19] =	ssyncset.done $0x0  }
0xd0: {  	[sflag:s19] =	ssyncadd.s32 $0xFFFFC000  }
0xd1: {  	[spmem:s5] =	stream.indirect.scatter.add.f32 [tilespmem:s25], [sflag:$0x2], $0x1, s24, s21, $0xb8;
	[tilespmem:$0x1E428] =	vst v63  }
0xd2: {  	_ =	swait.ge [sflag:s19], $0x80  }
0xd3: {  	[sflag:s19] =	ssyncset.done $0x0  }
0xd4: {  	s30 =	sshra.s32 s30, $0x2;
	[sflag:s19] =	ssyncadd.s32 $0xFFFFFF80  }
0xd5: {  	v14 =	vld [tilespmem:s30+$0x0];
	_ =	sdelay $0x4  }
0xd6: {  	v15 =	vshrl.u32 v14, $0xE  }
0xd7: {  	vm0 =	vge.u32 v15, v0;
	vm1 =	vlt.u32 v15, v1  }
0xd8: {  	v14 =	vand.u32 $0x3FFF, v14;
	v15 =	vsub.s32 v15, v0;
	vm0 =	vmand vm0, vm1  }
0xd9: {  	v15 =	vsel vm0, v15, v2;
	v14 =	vsel vm0, v14, v6;
	v16 =	vsel vm0, $0x3F800000, v5  }
0xda: {  	[tilespmem:$0x900] =	vst v16  }
0xdb: {  	[tilespmem:$0x880] =	vst v15  }
0xdc: {  	[tilespmem:$0x800] =	vst v14  }
0xdd: {  	v14 =	vld [tilespmem:s30+$0x10];
	_ =	sdelay $0x4  }
0xde: {  	v15 =	vshrl.u32 v14, $0xE  }
0xdf: {  	vm0 =	vge.u32 v15, v0;
	vm1 =	vlt.u32 v15, v1  }
0xe0: {  	v14 =	vand.u32 $0x3FFF, v14;
	v15 =	vsub.s32 v15, v0;
	vm0 =	vmand vm0, vm1  }
0xe1: {  	v15 =	vsel vm0, v15, v2;
	v14 =	vsel vm0, v14, v7;
	v16 =	vsel vm0, $0x3F800000, v5  }
0xe2: {  	[tilespmem:$0x890] =	vst v15  }
0xe3: {  	[tilespmem:$0x810] =	vst v14  }
0xe4: {  	[tilespmem:$0x910] =	vst v16  }
0xe5: {  	v14 =	vld [tilespmem:s30+$0x20];
	_ =	sdelay $0x4  }
0xe6: {  	v15 =	vshrl.u32 v14, $0xE  }
0xe7: {  	vm0 =	vge.u32 v15, v0;
	vm1 =	vlt.u32 v15, v1  }
0xe8: {  	v14 =	vand.u32 $0x3FFF, v14;
	v15 =	vsub.s32 v15, v0;
	vm0 =	vmand vm0, vm1  }
0xe9: {  	v15 =	vsel vm0, v15, v2;
	v14 =	vsel vm0, v14, v8;
	v16 =	vsel vm0, $0x3F800000, v5  }
0xea: {  	[tilespmem:$0x820] =	vst v14  }
0xeb: {  	[tilespmem:$0x8A0] =	vst v15  }
0xec: {  	[tilespmem:$0x920] =	vst v16  }
0xed: {  	v14 =	vld [tilespmem:s30+$0x30];
	_ =	sdelay $0x4  }
0xee: {  	v15 =	vshrl.u32 v14, $0xE  }
0xef: {  	vm0 =	vge.u32 v15, v0;
	vm1 =	vlt.u32 v15, v1  }
0xf0: {  	v14 =	vand.u32 $0x3FFF, v14;
	v15 =	vsub.s32 v15, v0;
	vm0 =	vmand vm0, vm1  }
0xf1: {  	v15 =	vsel vm0, v15, v2;
	v14 =	vsel vm0, v14, v9;
	v16 =	vsel vm0, $0x3F800000, v5  }
0xf2: {  	[tilespmem:$0x830] =	vst v14  }
0xf3: {  	[tilespmem:$0x8B0] =	vst v15  }
0xf4: {  	[tilespmem:$0x930] =	vst v16  }
0xf5: {  	v14 =	vld [tilespmem:s30+$0x40];
	_ =	sdelay $0x4  }
0xf6: {  	v15 =	vshrl.u32 v14, $0xE  }
0xf7: {  	vm0 =	vge.u32 v15, v0;
	vm1 =	vlt.u32 v15, v1  }
0xf8: {  	v14 =	vand.u32 $0x3FFF, v14;
	v15 =	vsub.s32 v15, v0;
	vm0 =	vmand vm0, vm1  }
0xf9: {  	v15 =	vsel vm0, v15, v2;
	v14 =	vsel vm0, v14, v10;
	v16 =	vsel vm0, $0x3F800000, v5  }
0xfa: {  	[tilespmem:$0x940] =	vst v16  }
0xfb: {  	[tilespmem:$0x8C0] =	vst v15  }
0xfc: {  	[tilespmem:$0x840] =	vst v14  }
0xfd: {  	v14 =	vld [tilespmem:s30+$0x50];
	_ =	sdelay $0x4  }
0xfe: {  	v15 =	vshrl.u32 v14, $0xE  }
0xff: {  	vm0 =	vge.u32 v15, v0;
	vm1 =	vlt.u32 v15, v1  }
0x100: {  	v14 =	vand.u32 $0x3FFF, v14;
	v15 =	vsub.s32 v15, v0;
	vm0 =	vmand vm0, vm1  }
0x101: {  	v15 =	vsel vm0, v15, v2;
	v14 =	vsel vm0, v14, v11;
	v16 =	vsel vm0, $0x3F800000, v5  }
0x102: {  	[tilespmem:$0x8D0] =	vst v15  }
0x103: {  	[tilespmem:$0x850] =	vst v14  }
0x104: {  	[tilespmem:$0x950] =	vst v16  }
0x105: {  	v14 =	vld [tilespmem:s30+$0x60];
	_ =	sdelay $0x4  }
0x106: {  	v15 =	vshrl.u32 v14, $0xE  }
0x107: {  	vm0 =	vge.u32 v15, v0;
	vm1 =	vlt.u32 v15, v1  }
0x108: {  	v14 =	vand.u32 $0x3FFF, v14;
	v15 =	vsub.s32 v15, v0;
	vm0 =	vmand vm0, vm1  }
0x109: {  	v15 =	vsel vm0, v15, v2;
	v14 =	vsel vm0, v14, v12;
	v16 =	vsel vm0, $0x3F800000, v5  }
0x10a: {  	[tilespmem:$0x960] =	vst v16  }
0x10b: {  	[tilespmem:$0x8E0] =	vst v15  }
0x10c: {  	[tilespmem:$0x860] =	vst v14  }
0x10d: {  	v14 =	vld [tilespmem:s30+$0x70];
	_ =	sdelay $0x1  }
.Ltmp1:
0x10e: {  	(pc) =	sbr.rel @p0 .LBB2_5-.Ltmp1, $3  }
0x10f: {  	_ =	sdelay $0x1  }
0x110: {  	v15 =	vshrl.u32 v14, $0xE;
	v14 =	vand.u32 $0x3FFF, v14  }
0x111: {  	vm0 =	vge.u32 v15, v0;
	vm1 =	vlt.u32 v15, v1;
	v15 =	vsub.s32 v15, v0  }
0x112: {  	vm0 =	vmand vm0, vm1  }
0x113: {  	v15 =	vsel vm0, v15, v2  }
0x114: {  	v16 =	vsel vm0, $0x3F800000, v5;
	[tilespmem:$0x8F0] =	vst v15  }
0x115: {  	v14 =	vsel vm0, v14, v13;
	[tilespmem:$0x970] =	vst v16  }
0x116: {  	[tilespmem:$0x870] =	vst v14  }
0x117: {  	[tilespmem:s18], [sflag:$0x1] =	stream.indirect.gather [hbm4b:s2+s21], $0x80, s22, s21, $0xb8;
	[tilespmem:$0x1E428] =	vst v63  }
0x118: {  	_ =	swait.ge [sflag:s23], $0x4000  }
0x119: {  	[sflag:s23] =	ssyncset.done $0x0  }
0x11a: {  	[sflag:s23] =	ssyncadd.s32 $0xFFFFC000  }
0x11b: {  	[spmem:s3] =	stream.indirect.scatter.add.f32 [tilespmem:s18], [sflag:$0x2], $0x80, s24, s21, $0xb8;
	[tilespmem:$0x1E428] =	vst v63  }
0x11c: {  	s28 =	sadd.s32 $0x1, s28;
	_ =	swait.ge [sflag:s19], $0x4000  }
0x11d: {  	p0 =	sne.s32 s28, $0xA;
	[sflag:s19] =	ssyncset.done $0x0  }
.Ltmp2:
0x11e: {  	[sflag:s19] =	ssyncadd.s32 $0xFFFFC000;
	(pc) =	sbr.rel @p0 .LBB2_4-.Ltmp2, $4  }
0x11f: {  	[spmem:s5] =	stream.indirect.scatter.add.f32 [tilespmem:s25], [sflag:$0x2], $0x1, s24, s21, $0xb8;
	[tilespmem:$0x1E428] =	vst v63  }
0x120: {  	_ =	swait.ge [sflag:s19], $0x80  }
0x121: {  	[sflag:s19] =	ssyncset.done $0x0  }
0x122: {  	[sflag:s19] =	ssyncadd.s32 $0xFFFFFF80  }
0x123: {  	[bflag:$0x0] =	sbarrier.arrive $0xFFFF  }
0x124: {  	[tilespmem:s18], [sflag:$0x2] =	stream.linear.gather [spmem:s7], $0x4000, $0x38;
	[tilespmem:$0x1E428] =	vst v63  }
0x125: {  	_ =	swait.ge [sflag:s19], $0x4000  }
0x126: {  	[sflag:s19] =	ssyncset.done $0x0  }
0x127: {  	s20 =	simm.s32 $0x0;
	[sflag:s19] =	ssyncadd.s32 $0xFFFFC000  }
0x128: {  	[hbm4b:s16+s20] =	stream.linear.scatter [tilespmem:s18], [sflag:$0x2], $0x4000, $0x38;
	[tilespmem:$0x1E428] =	vst v63  }
0x129: {  	_ =	swait.ge [sflag:s19], $0x4000  }
0x12a: {  	[sflag:s19] =	ssyncset.done $0x0  }
0x12b: {  	[sflag:s19] =	ssyncadd.s32 $0xFFFFC000  }
0x12c: {  	[tilespmem:s18], [sflag:$0x2] =	stream.linear.gather [spmem:s8], $0x4000, $0x38;
	[tilespmem:$0x1E428] =	vst v63  }
0x12d: {  	_ =	swait.ge [sflag:s19], $0x4000  }
0x12e: {  	[sflag:s19] =	ssyncset.done $0x0  }
0x12f: {  	s28 =	rddreg [dreg:$0x7];
	[sflag:s19] =	ssyncadd.s32 $0xFFFFC000  }
0x130: {  	[hbm4b:s28+s20] =	stream.linear.scatter [tilespmem:s18], [sflag:$0x2], $0x4000, $0x38;
	[tilespmem:$0x1E428] =	vst v63  }
0x131: {  	_ =	swait.ge [sflag:s19], $0x4000  }
0x132: {  	[sflag:s19] =	ssyncset.done $0x0  }
0x133: {  	[sflag:s19] =	ssyncadd.s32 $0xFFFFC000  }
0x134: {  	[tilespmem:s18], [sflag:$0x2] =	stream.linear.gather [spmem:s9], $0x4000, $0x38;
	[tilespmem:$0x1E428] =	vst v63  }
0x135: {  	_ =	swait.ge [sflag:s19], $0x4000  }
0x136: {  	[sflag:s19] =	ssyncset.done $0x0  }
0x137: {  	s28 =	rddreg [dreg:$0x9];
	[sflag:s19] =	ssyncadd.s32 $0xFFFFC000  }
0x138: {  	[hbm4b:s28+s20] =	stream.linear.scatter [tilespmem:s18], [sflag:$0x2], $0x4000, $0x38;
	[tilespmem:$0x1E428] =	vst v63  }
0x139: {  	_ =	swait.ge [sflag:s19], $0x4000  }
0x13a: {  	[sflag:s19] =	ssyncset.done $0x0  }
0x13b: {  	[sflag:s19] =	ssyncadd.s32 $0xFFFFC000  }
0x13c: {  	[tilespmem:s18], [sflag:$0x2] =	stream.linear.gather [spmem:s10], $0x4000, $0x38;
	[tilespmem:$0x1E428] =	vst v63  }
0x13d: {  	_ =	swait.ge [sflag:s19], $0x4000  }
0x13e: {  	[sflag:s19] =	ssyncset.done $0x0  }
0x13f: {  	s28 =	rddreg [dreg:$0xa];
	[sflag:s19] =	ssyncadd.s32 $0xFFFFC000  }
0x140: {  	[hbm4b:s28+s20] =	stream.linear.scatter [tilespmem:s18], [sflag:$0x2], $0x4000, $0x38;
	[tilespmem:$0x1E428] =	vst v63  }
0x141: {  	_ =	swait.ge [sflag:s19], $0x4000  }
0x142: {  	[sflag:s19] =	ssyncset.done $0x0  }
0x143: {  	[sflag:s19] =	ssyncadd.s32 $0xFFFFC000  }
0x144: {  	[tilespmem:s18], [sflag:$0x2] =	stream.linear.gather [spmem:s11], $0x4000, $0x38;
	[tilespmem:$0x1E428] =	vst v63  }
0x145: {  	_ =	swait.ge [sflag:s19], $0x4000  }
0x146: {  	[sflag:s19] =	ssyncset.done $0x0  }
0x147: {  	s28 =	rddreg [dreg:$0xb];
	[sflag:s19] =	ssyncadd.s32 $0xFFFFC000  }
0x148: {  	[hbm4b:s28+s20] =	stream.linear.scatter [tilespmem:s18], [sflag:$0x2], $0x4000, $0x38;
	[tilespmem:$0x1E428] =	vst v63  }
0x149: {  	_ =	swait.ge [sflag:s19], $0x4000  }
0x14a: {  	[sflag:s19] =	ssyncset.done $0x0  }
0x14b: {  	[sflag:s19] =	ssyncadd.s32 $0xFFFFC000  }
0x14c: {  	[tilespmem:s18], [sflag:$0x2] =	stream.linear.gather [spmem:s12], $0x4000, $0x38;
	[tilespmem:$0x1E428] =	vst v63  }
0x14d: {  	_ =	swait.ge [sflag:s19], $0x4000  }
0x14e: {  	[sflag:s19] =	ssyncset.done $0x0  }
0x14f: {  	s28 =	rddreg [dreg:$0xc];
	[sflag:s19] =	ssyncadd.s32 $0xFFFFC000  }
0x150: {  	[hbm4b:s28+s20] =	stream.linear.scatter [tilespmem:s18], [sflag:$0x2], $0x4000, $0x38;
	[tilespmem:$0x1E428] =	vst v63  }
0x151: {  	_ =	swait.ge [sflag:s19], $0x4000  }
0x152: {  	[sflag:s19] =	ssyncset.done $0x0  }
0x153: {  	[sflag:s19] =	ssyncadd.s32 $0xFFFFC000  }
0x154: {  	[tilespmem:s18], [sflag:$0x2] =	stream.linear.gather [spmem:s13], $0x1000, $0x38;
	[tilespmem:$0x1E428] =	vst v63  }
0x155: {  	_ =	swait.ge [sflag:s19], $0x1000  }
0x156: {  	[sflag:s19] =	ssyncset.done $0x0  }
0x157: {  	s28 =	rddreg [dreg:$0xd];
	[sflag:s19] =	ssyncadd.s32 $0xFFFFF000  }
0x158: {  	[hbm4b:s28+s20] =	stream.linear.scatter [tilespmem:s18], [sflag:$0x2], $0x1000, $0x38;
	[tilespmem:$0x1E428] =	vst v63  }
0x159: {  	_ =	swait.ge [sflag:s19], $0x1000  }
0x15a: {  	[sflag:s19] =	ssyncset.done $0x0  }
0x15b: {  	[sflag:s19] =	ssyncadd.s32 $0xFFFFF000  }
0x15c: {  	[tilespmem:s26], [sflag:$0x2] =	stream.linear.gather [spmem:s14], $0x320, $0x38;
	[tilespmem:$0x1E428] =	vst v63  }
0x15d: {  	_ =	swait.ge [sflag:s19], $0x320  }
0x15e: {  	[sflag:s19] =	ssyncset.done $0x0  }
0x15f: {  	s28 =	rddreg [dreg:$0x5];
	[sflag:s19] =	ssyncadd.s32 $0xFFFFFCE0  }
0x160: {  	[hbm4b:s28+s20] =	stream.linear.scatter [tilespmem:s26], [sflag:$0x2], $0x320, $0x38;
	[tilespmem:$0x1E428] =	vst v63  }
0x161: {  	_ =	swait.ge [sflag:s19], $0x320  }
0x162: {  	[sflag:s19] =	ssyncset.done $0x0  }
0x163: {  	s20 =	simm.s32 $0x0;
	s28 =	simm.s32 $0x200;
	[sflag:s19] =	ssyncadd.s32 $0xFFFFFCE0  }
.LBB2_8:
0x164: {  	p0 =	sne.s32 s28, $0xFE00;
	[tilespmem:s20+$0x9F0] =	vst v5  }
0x165: {  	[tilespmem:s20+$0x980] =	vst v5  }
0x166: {  	[tilespmem:s20+$0x990] =	vst v5  }
.Ltmp3:
0x167: {  	[tilespmem:s20+$0x9A0] =	vst v5;
	(pc) =	sbr.rel @p0 .LBB2_8-.Ltmp3, $4  }
0x168: {  	[tilespmem:s20+$0x9B0] =	vst v5  }
0x169: {  	[tilespmem:s20+$0x9C0] =	vst v5  }
0x16a: {  	[tilespmem:s20+$0x9D0] =	vst v5  }
0x16b: {  	[tilespmem:s20+$0x9E0] =	vst v5;
	s20 =	sshra.s32 s28, $0x2;
	s28 =	sadd.s32 $0x200, s28  }
0x16c: {  	[tilespmem:s20+$0x9F0] =	vst v5  }
0x16d: {  	[tilespmem:s20+$0x980] =	vst v5  }
0x16e: {  	[tilespmem:s20+$0x990] =	vst v5  }
0x16f: {  	[tilespmem:s20+$0x9A0] =	vst v5  }
0x170: {  	[tilespmem:s20+$0x9B0] =	vst v5  }
0x171: {  	[tilespmem:s20+$0x9C0] =	vst v5  }
0x172: {  	[tilespmem:s20+$0x9D0] =	vst v5  }
0x173: {  	[tilespmem:s20+$0x9E0] =	vst v5  }
0x174: {  	[spmem:s7] =	stream.linear.scatter [tilespmem:s18], [sflag:$0x2], $0x4000, $0x38;
	[tilespmem:$0x1E428] =	vst v63  }
0x175: {  	_ =	swait.ge [sflag:s19], $0x4000  }
0x176: {  	[sflag:s19] =	ssyncset.done $0x0  }
0x177: {  	[sflag:s19] =	ssyncadd.s32 $0xFFFFC000  }
0x178: {  	[spmem:s8] =	stream.linear.scatter [tilespmem:s18], [sflag:$0x2], $0x4000, $0x38;
	[tilespmem:$0x1E428] =	vst v63  }
0x179: {  	_ =	swait.ge [sflag:s19], $0x4000  }
0x17a: {  	[sflag:s19] =	ssyncset.done $0x0  }
0x17b: {  	[sflag:s19] =	ssyncadd.s32 $0xFFFFC000  }
0x17c: {  	[spmem:s9] =	stream.linear.scatter [tilespmem:s18], [sflag:$0x2], $0x4000, $0x38;
	[tilespmem:$0x1E428] =	vst v63  }
0x17d: {  	_ =	swait.ge [sflag:s19], $0x4000  }
0x17e: {  	[sflag:s19] =	ssyncset.done $0x0  }
0x17f: {  	[sflag:s19] =	ssyncadd.s32 $0xFFFFC000  }
0x180: {  	[spmem:s10] =	stream.linear.scatter [tilespmem:s18], [sflag:$0x2], $0x4000, $0x38;
	[tilespmem:$0x1E428] =	vst v63  }
0x181: {  	_ =	swait.ge [sflag:s19], $0x4000  }
0x182: {  	[sflag:s19] =	ssyncset.done $0x0  }
0x183: {  	[sflag:s19] =	ssyncadd.s32 $0xFFFFC000  }
0x184: {  	[spmem:s11] =	stream.linear.scatter [tilespmem:s18], [sflag:$0x2], $0x4000, $0x38;
	[tilespmem:$0x1E428] =	vst v63  }
0x185: {  	_ =	swait.ge [sflag:s19], $0x4000  }
0x186: {  	[sflag:s19] =	ssyncset.done $0x0  }
0x187: {  	[sflag:s19] =	ssyncadd.s32 $0xFFFFC000  }
0x188: {  	[spmem:s12] =	stream.linear.scatter [tilespmem:s18], [sflag:$0x2], $0x4000, $0x38;
	[tilespmem:$0x1E428] =	vst v63  }
0x189: {  	_ =	swait.ge [sflag:s19], $0x4000  }
0x18a: {  	[sflag:s19] =	ssyncset.done $0x0  }
0x18b: {  	[sflag:s19] =	ssyncadd.s32 $0xFFFFC000  }
0x18c: {  	[spmem:s13] =	stream.linear.scatter [tilespmem:s18], [sflag:$0x2], $0x1000, $0x38;
	[tilespmem:$0x1E428] =	vst v63  }
0x18d: {  	_ =	swait.ge [sflag:s19], $0x1000  }
0x18e: {  	[sflag:s19] =	ssyncset.done $0x0  }
0x18f: {  	s30 =	simm.s32 $0x4980;
	[sflag:s19] =	ssyncadd.s32 $0xFFFFF000  }
0x190: {  	[spmem:s14] =	stream.linear.scatter [tilespmem:s30], [sflag:$0x2], $0x320, $0x38;
	[tilespmem:$0x1E428] =	vst v63  }
0x191: {  	_ =	swait.ge [sflag:s19], $0x320  }
0x192: {  	[sflag:s19] =	ssyncset.done $0x0  }
0x193: {  	[sflag:s19] =	ssyncadd.s32 $0xFFFFFCE0  }
0x194: {  	s20 =	simm.s32 $0x0;
	s28 =	simm.s32 $0x0;
	[bflag:$0x0] =	sbarrier.arrive $0xFFFF  }
.LBB2_10:
0x195: {  	s29 =	sshll.u32 s28, $0xB  }
0x196: {  	s29 =	sadd.s32 s15, s29  }
0x197: {  	s29 =	sshrl.u32 s29, $0x3  }
0x198: {  	s29 =	sadd.s32 s1, s29  }
0x199: {  	[tilespmem:s20], [sflag:$0x2] =	stream.linear.gather [hbm4b:s29+s20], $0x800, $0x38;
	[tilespmem:$0x1E428] =	vst v63  }
0x19a: {  	_ =	swait.ge [sflag:s19], $0x800  }
0x19b: {  	[sflag:s19] =	ssyncset.done $0x0  }
0x19c: {  	s29 =	simm.s32 $0x0;
	[sflag:s19] =	ssyncadd.s32 $0xFFFFF800  }
0x19d: {  	v14 =	vld [tilespmem:s29+$0x0];
	_ =	sdelay $0x4  }
0x19e: {  	v15 =	vshrl.u32 v14, $0xE  }
0x19f: {  	vm0 =	vge.u32 v15, v3;
	vm1 =	vlt.u32 v15, v4  }
0x1a0: {  	vm0 =	vmand vm0, vm1  }
0x1a1: {  	v15 =	vsub.s32 v15, v3;
	v16 =	vsel vm0, $0x3F800000, v5  }
0x1a2: {  	v14 =	vand.u32 $0x3FFF, v14;
	v15 =	vsel vm0, v15, v2;
	[tilespmem:$0x900] =	vst v16  }
0x1a3: {  	v14 =	vsel vm0, v14, v6;
	[tilespmem:$0x880] =	vst v15  }
0x1a4: {  	[tilespmem:$0x800] =	vst v14  }
0x1a5: {  	v14 =	vld [tilespmem:s29+$0x10];
	_ =	sdelay $0x4  }
0x1a6: {  	v15 =	vshrl.u32 v14, $0xE  }
0x1a7: {  	vm0 =	vge.u32 v15, v3;
	vm1 =	vlt.u32 v15, v4  }
0x1a8: {  	v15 =	vsub.s32 v15, v3;
	vm0 =	vmand vm0, vm1  }
0x1a9: {  	v14 =	vand.u32 $0x3FFF, v14;
	v15 =	vsel vm0, v15, v2  }
0x1aa: {  	v14 =	vsel vm0, v14, v7;
	[tilespmem:$0x890] =	vst v15  }
0x1ab: {  	v15 =	vsel vm0, $0x3F800000, v5;
	[tilespmem:$0x810] =	vst v14  }
0x1ac: {  	[tilespmem:$0x910] =	vst v15  }
0x1ad: {  	v14 =	vld [tilespmem:s29+$0x20];
	_ =	sdelay $0x4  }
0x1ae: {  	v15 =	vshrl.u32 v14, $0xE  }
0x1af: {  	vm0 =	vge.u32 v15, v3;
	vm1 =	vlt.u32 v15, v4  }
0x1b0: {  	v14 =	vand.u32 $0x3FFF, v14;
	vm0 =	vmand vm0, vm1  }
0x1b1: {  	v15 =	vsub.s32 v15, v3;
	v14 =	vsel vm0, v14, v8  }
0x1b2: {  	v15 =	vsel vm0, v15, v2;
	[tilespmem:$0x820] =	vst v14  }
0x1b3: {  	v14 =	vsel vm0, $0x3F800000, v5;
	[tilespmem:$0x8A0] =	vst v15  }
0x1b4: {  	[tilespmem:$0x920] =	vst v14  }
0x1b5: {  	v14 =	vld [tilespmem:s29+$0x30];
	_ =	sdelay $0x4  }
0x1b6: {  	v15 =	vshrl.u32 v14, $0xE  }
0x1b7: {  	vm0 =	vge.u32 v15, v3;
	vm1 =	vlt.u32 v15, v4  }
0x1b8: {  	v14 =	vand.u32 $0x3FFF, v14;
	vm0 =	vmand vm0, vm1  }
0x1b9: {  	v15 =	vsub.s32 v15, v3;
	v14 =	vsel vm0, v14, v9  }
0x1ba: {  	v15 =	vsel vm0, v15, v2;
	[tilespmem:$0x830] =	vst v14  }
0x1bb: {  	v14 =	vsel vm0, $0x3F800000, v5;
	[tilespmem:$0x8B0] =	vst v15  }
0x1bc: {  	[tilespmem:$0x930] =	vst v14  }
0x1bd: {  	v14 =	vld [tilespmem:s29+$0x40];
	_ =	sdelay $0x4  }
0x1be: {  	v15 =	vshrl.u32 v14, $0xE  }
0x1bf: {  	vm0 =	vge.u32 v15, v3;
	vm1 =	vlt.u32 v15, v4  }
0x1c0: {  	vm0 =	vmand vm0, vm1  }
0x1c1: {  	v15 =	vsub.s32 v15, v3;
	v16 =	vsel vm0, $0x3F800000, v5  }
0x1c2: {  	v14 =	vand.u32 $0x3FFF, v14;
	v15 =	vsel vm0, v15, v2;
	[tilespmem:$0x940] =	vst v16  }
0x1c3: {  	v14 =	vsel vm0, v14, v10;
	[tilespmem:$0x8C0] =	vst v15  }
0x1c4: {  	[tilespmem:$0x840] =	vst v14  }
0x1c5: {  	v14 =	vld [tilespmem:s29+$0x50];
	_ =	sdelay $0x4  }
0x1c6: {  	v15 =	vshrl.u32 v14, $0xE  }
0x1c7: {  	vm0 =	vge.u32 v15, v3;
	vm1 =	vlt.u32 v15, v4  }
0x1c8: {  	v15 =	vsub.s32 v15, v3;
	vm0 =	vmand vm0, vm1  }
0x1c9: {  	v14 =	vand.u32 $0x3FFF, v14;
	v15 =	vsel vm0, v15, v2  }
0x1ca: {  	v14 =	vsel vm0, v14, v11;
	[tilespmem:$0x8D0] =	vst v15  }
0x1cb: {  	v15 =	vsel vm0, $0x3F800000, v5;
	[tilespmem:$0x850] =	vst v14  }
0x1cc: {  	[tilespmem:$0x950] =	vst v15  }
0x1cd: {  	v14 =	vld [tilespmem:s29+$0x60];
	_ =	sdelay $0x4  }
0x1ce: {  	v15 =	vshrl.u32 v14, $0xE  }
0x1cf: {  	vm0 =	vge.u32 v15, v3;
	vm1 =	vlt.u32 v15, v4  }
0x1d0: {  	vm0 =	vmand vm0, vm1  }
0x1d1: {  	v15 =	vsub.s32 v15, v3;
	v16 =	vsel vm0, $0x3F800000, v5  }
0x1d2: {  	v14 =	vand.u32 $0x3FFF, v14;
	v15 =	vsel vm0, v15, v2;
	[tilespmem:$0x960] =	vst v16  }
0x1d3: {  	v14 =	vsel vm0, v14, v12;
	[tilespmem:$0x8E0] =	vst v15  }
0x1d4: {  	[tilespmem:$0x860] =	vst v14  }
0x1d5: {  	v14 =	vld [tilespmem:s29+$0x70];
	_ =	sdelay $0x4  }
0x1d6: {  	v15 =	vshrl.u32 v14, $0xE;
	v14 =	vand.u32 $0x3FFF, v14  }
0x1d7: {  	s29 =	simm.s32 $0x200;
	vm0 =	vge.u32 v15, v3;
	vm1 =	vlt.u32 v15, v4;
	v15 =	vsub.s32 v15, v3  }
.LBB2_11:
0x1d8: {  	p0 =	sne.s32 s29, $0x1E00;
	vm0 =	vmand vm0, vm1;
	s30 =	smov.u32 s29;
	s29 =	sadd.s32 $0x200, s29  }
0x1d9: {  	v15 =	vsel vm0, v15, v2;
	v14 =	vsel vm0, v14, v13;
	v16 =	vsel vm0, $0x3F800000, v5  }
0x1da: {  	[tilespmem:$0x8F0] =	vst v15  }
0x1db: {  	[tilespmem:$0x970] =	vst v16  }
0x1dc: {  	[tilespmem:$0x870] =	vst v14  }
0x1dd: {  	[tilespmem:s18], [sflag:$0x1] =	stream.indirect.gather [hbm4b:s2+s21], $0x80, s22, s21, $0xb8;
	[tilespmem:$0x1E428] =	vst v63  }
0x1de: {  	_ =	swait.ge [sflag:s23], $0x4000  }
0x1df: {  	[sflag:s23] =	ssyncset.done $0x0  }
0x1e0: {  	[sflag:s23] =	ssyncadd.s32 $0xFFFFC000  }
0x1e1: {  	[spmem:s3] =	stream.indirect.scatter.add.f32 [tilespmem:s18], [sflag:$0x2], $0x80, s24, s21, $0xb8;
	[tilespmem:$0x1E428] =	vst v63  }
0x1e2: {  	_ =	swait.ge [sflag:s19], $0x4000  }
0x1e3: {  	[sflag:s19] =	ssyncset.done $0x0  }
0x1e4: {  	[sflag:s19] =	ssyncadd.s32 $0xFFFFC000  }
0x1e5: {  	[spmem:s5] =	stream.indirect.scatter.add.f32 [tilespmem:s25], [sflag:$0x2], $0x1, s24, s21, $0xb8;
	[tilespmem:$0x1E428] =	vst v63  }
0x1e6: {  	_ =	swait.ge [sflag:s19], $0x80  }
0x1e7: {  	[sflag:s19] =	ssyncset.done $0x0  }
0x1e8: {  	s30 =	sshra.s32 s30, $0x2;
	[sflag:s19] =	ssyncadd.s32 $0xFFFFFF80  }
0x1e9: {  	v14 =	vld [tilespmem:s30+$0x0];
	_ =	sdelay $0x4  }
0x1ea: {  	v15 =	vshrl.u32 v14, $0xE  }
0x1eb: {  	vm0 =	vge.u32 v15, v3;
	vm1 =	vlt.u32 v15, v4  }
0x1ec: {  	v14 =	vand.u32 $0x3FFF, v14;
	v15 =	vsub.s32 v15, v3;
	vm0 =	vmand vm0, vm1  }
0x1ed: {  	v15 =	vsel vm0, v15, v2;
	v14 =	vsel vm0, v14, v6;
	v16 =	vsel vm0, $0x3F800000, v5  }
0x1ee: {  	[tilespmem:$0x900] =	vst v16  }
0x1ef: {  	[tilespmem:$0x880] =	vst v15  }
0x1f0: {  	[tilespmem:$0x800] =	vst v14  }
0x1f1: {  	v14 =	vld [tilespmem:s30+$0x10];
	_ =	sdelay $0x4  }
0x1f2: {  	v15 =	vshrl.u32 v14, $0xE  }
0x1f3: {  	vm0 =	vge.u32 v15, v3;
	vm1 =	vlt.u32 v15, v4  }
0x1f4: {  	v14 =	vand.u32 $0x3FFF, v14;
	v15 =	vsub.s32 v15, v3;
	vm0 =	vmand vm0, vm1  }
0x1f5: {  	v15 =	vsel vm0, v15, v2;
	v14 =	vsel vm0, v14, v7;
	v16 =	vsel vm0, $0x3F800000, v5  }
0x1f6: {  	[tilespmem:$0x890] =	vst v15  }
0x1f7: {  	[tilespmem:$0x810] =	vst v14  }
0x1f8: {  	[tilespmem:$0x910] =	vst v16  }
0x1f9: {  	v14 =	vld [tilespmem:s30+$0x20];
	_ =	sdelay $0x4  }
0x1fa: {  	v15 =	vshrl.u32 v14, $0xE  }
0x1fb: {  	vm0 =	vge.u32 v15, v3;
	vm1 =	vlt.u32 v15, v4  }
0x1fc: {  	v14 =	vand.u32 $0x3FFF, v14;
	v15 =	vsub.s32 v15, v3;
	vm0 =	vmand vm0, vm1  }
0x1fd: {  	v15 =	vsel vm0, v15, v2;
	v14 =	vsel vm0, v14, v8;
	v16 =	vsel vm0, $0x3F800000, v5  }
0x1fe: {  	[tilespmem:$0x820] =	vst v14  }
0x1ff: {  	[tilespmem:$0x8A0] =	vst v15  }
0x200: {  	[tilespmem:$0x920] =	vst v16  }
0x201: {  	v14 =	vld [tilespmem:s30+$0x30];
	_ =	sdelay $0x4  }
0x202: {  	v15 =	vshrl.u32 v14, $0xE  }
0x203: {  	vm0 =	vge.u32 v15, v3;
	vm1 =	vlt.u32 v15, v4  }
0x204: {  	v14 =	vand.u32 $0x3FFF, v14;
	v15 =	vsub.s32 v15, v3;
	vm0 =	vmand vm0, vm1  }
0x205: {  	v15 =	vsel vm0, v15, v2;
	v14 =	vsel vm0, v14, v9;
	v16 =	vsel vm0, $0x3F800000, v5  }
0x206: {  	[tilespmem:$0x830] =	vst v14  }
0x207: {  	[tilespmem:$0x8B0] =	vst v15  }
0x208: {  	[tilespmem:$0x930] =	vst v16  }
0x209: {  	v14 =	vld [tilespmem:s30+$0x40];
	_ =	sdelay $0x4  }
0x20a: {  	v15 =	vshrl.u32 v14, $0xE  }
0x20b: {  	vm0 =	vge.u32 v15, v3;
	vm1 =	vlt.u32 v15, v4  }
0x20c: {  	v14 =	vand.u32 $0x3FFF, v14;
	v15 =	vsub.s32 v15, v3;
	vm0 =	vmand vm0, vm1  }
0x20d: {  	v15 =	vsel vm0, v15, v2;
	v14 =	vsel vm0, v14, v10;
	v16 =	vsel vm0, $0x3F800000, v5  }
0x20e: {  	[tilespmem:$0x940] =	vst v16  }
0x20f: {  	[tilespmem:$0x8C0] =	vst v15  }
0x210: {  	[tilespmem:$0x840] =	vst v14  }
0x211: {  	v14 =	vld [tilespmem:s30+$0x50];
	_ =	sdelay $0x4  }
0x212: {  	v15 =	vshrl.u32 v14, $0xE  }
0x213: {  	vm0 =	vge.u32 v15, v3;
	vm1 =	vlt.u32 v15, v4  }
0x214: {  	v14 =	vand.u32 $0x3FFF, v14;
	v15 =	vsub.s32 v15, v3;
	vm0 =	vmand vm0, vm1  }
0x215: {  	v15 =	vsel vm0, v15, v2;
	v14 =	vsel vm0, v14, v11;
	v16 =	vsel vm0, $0x3F800000, v5  }
0x216: {  	[tilespmem:$0x8D0] =	vst v15  }
0x217: {  	[tilespmem:$0x850] =	vst v14  }
0x218: {  	[tilespmem:$0x950] =	vst v16  }
0x219: {  	v14 =	vld [tilespmem:s30+$0x60];
	_ =	sdelay $0x4  }
0x21a: {  	v15 =	vshrl.u32 v14, $0xE  }
0x21b: {  	vm0 =	vge.u32 v15, v3;
	vm1 =	vlt.u32 v15, v4  }
0x21c: {  	v14 =	vand.u32 $0x3FFF, v14;
	v15 =	vsub.s32 v15, v3;
	vm0 =	vmand vm0, vm1  }
0x21d: {  	v15 =	vsel vm0, v15, v2;
	v14 =	vsel vm0, v14, v12;
	v16 =	vsel vm0, $0x3F800000, v5  }
0x21e: {  	[tilespmem:$0x960] =	vst v16  }
0x21f: {  	[tilespmem:$0x8E0] =	vst v15  }
0x220: {  	[tilespmem:$0x860] =	vst v14  }
0x221: {  	v14 =	vld [tilespmem:s30+$0x70];
	_ =	sdelay $0x1  }
.Ltmp4:
0x222: {  	(pc) =	sbr.rel @p0 .LBB2_11-.Ltmp4, $3  }
0x223: {  	_ =	sdelay $0x1  }
0x224: {  	v15 =	vshrl.u32 v14, $0xE;
	v14 =	vand.u32 $0x3FFF, v14  }
0x225: {  	vm0 =	vge.u32 v15, v3;
	vm1 =	vlt.u32 v15, v4;
	v15 =	vsub.s32 v15, v3  }
0x226: {  	vm0 =	vmand vm0, vm1  }
0x227: {  	v15 =	vsel vm0, v15, v2  }
0x228: {  	v16 =	vsel vm0, $0x3F800000, v5;
	[tilespmem:$0x8F0] =	vst v15  }
0x229: {  	v14 =	vsel vm0, v14, v13;
	[tilespmem:$0x970] =	vst v16  }
0x22a: {  	[tilespmem:$0x870] =	vst v14  }
0x22b: {  	[tilespmem:s18], [sflag:$0x1] =	stream.indirect.gather [hbm4b:s2+s21], $0x80, s22, s21, $0xb8;
	[tilespmem:$0x1E428] =	vst v63  }
0x22c: {  	_ =	swait.ge [sflag:s23], $0x4000  }
0x22d: {  	[sflag:s23] =	ssyncset.done $0x0  }
0x22e: {  	[sflag:s23] =	ssyncadd.s32 $0xFFFFC000  }
0x22f: {  	[spmem:s3] =	stream.indirect.scatter.add.f32 [tilespmem:s18], [sflag:$0x2], $0x80, s24, s21, $0xb8;
	[tilespmem:$0x1E428] =	vst v63  }
0x230: {  	s28 =	sadd.s32 $0x1, s28;
	_ =	swait.ge [sflag:s19], $0x4000  }
0x231: {  	p0 =	sne.s32 s28, $0xA;
	[sflag:s19] =	ssyncset.done $0x0  }
.Ltmp5:
0x232: {  	[sflag:s19] =	ssyncadd.s32 $0xFFFFC000;
	(pc) =	sbr.rel @p0 .LBB2_10-.Ltmp5, $4  }
0x233: {  	[spmem:s5] =	stream.indirect.scatter.add.f32 [tilespmem:s25], [sflag:$0x2], $0x1, s24, s21, $0xb8;
	[tilespmem:$0x1E428] =	vst v63  }
0x234: {  	_ =	swait.ge [sflag:s19], $0x80  }
0x235: {  	[sflag:s19] =	ssyncset.done $0x0  }
0x236: {  	[sflag:s19] =	ssyncadd.s32 $0xFFFFFF80  }
0x237: {  	[bflag:$0x0] =	sbarrier.arrive $0xFFFF  }
0x238: {  	[tilespmem:s18], [sflag:$0x2] =	stream.linear.gather [spmem:s7], $0x4000, $0x38;
	[tilespmem:$0x1E428] =	vst v63  }
0x239: {  	_ =	swait.ge [sflag:s19], $0x4000  }
0x23a: {  	[sflag:s19] =	ssyncset.done $0x0  }
0x23b: {  	s20 =	simm.s32 $0x0;
	[sflag:s19] =	ssyncadd.s32 $0xFFFFC000  }
0x23c: {  	[hbm4b:s17+s20] =	stream.linear.scatter [tilespmem:s18], [sflag:$0x2], $0x4000, $0x38;
	[tilespmem:$0x1E428] =	vst v63  }
0x23d: {  	_ =	swait.ge [sflag:s19], $0x4000  }
0x23e: {  	[sflag:s19] =	ssyncset.done $0x0  }
0x23f: {  	[sflag:s19] =	ssyncadd.s32 $0xFFFFC000  }
0x240: {  	[tilespmem:s18], [sflag:$0x2] =	stream.linear.gather [spmem:s8], $0x4000, $0x38;
	[tilespmem:$0x1E428] =	vst v63  }
0x241: {  	_ =	swait.ge [sflag:s19], $0x4000  }
0x242: {  	[sflag:s19] =	ssyncset.done $0x0  }
0x243: {  	s28 =	rddreg [dreg:$0xe];
	[sflag:s19] =	ssyncadd.s32 $0xFFFFC000  }
0x244: {  	[hbm4b:s28+s20] =	stream.linear.scatter [tilespmem:s18], [sflag:$0x2], $0x4000, $0x38;
	[tilespmem:$0x1E428] =	vst v63  }
0x245: {  	_ =	swait.ge [sflag:s19], $0x4000  }
0x246: {  	[sflag:s19] =	ssyncset.done $0x0  }
0x247: {  	[sflag:s19] =	ssyncadd.s32 $0xFFFFC000  }
0x248: {  	[tilespmem:s18], [sflag:$0x2] =	stream.linear.gather [spmem:s9], $0x4000, $0x38;
	[tilespmem:$0x1E428] =	vst v63  }
0x249: {  	_ =	swait.ge [sflag:s19], $0x4000  }
0x24a: {  	[sflag:s19] =	ssyncset.done $0x0  }
0x24b: {  	s28 =	rddreg [dreg:$0xf];
	[sflag:s19] =	ssyncadd.s32 $0xFFFFC000  }
0x24c: {  	[hbm4b:s28+s20] =	stream.linear.scatter [tilespmem:s18], [sflag:$0x2], $0x4000, $0x38;
	[tilespmem:$0x1E428] =	vst v63  }
0x24d: {  	_ =	swait.ge [sflag:s19], $0x4000  }
0x24e: {  	[sflag:s19] =	ssyncset.done $0x0  }
0x24f: {  	[sflag:s19] =	ssyncadd.s32 $0xFFFFC000  }
0x250: {  	[tilespmem:s18], [sflag:$0x2] =	stream.linear.gather [spmem:s10], $0x4000, $0x38;
	[tilespmem:$0x1E428] =	vst v63  }
0x251: {  	_ =	swait.ge [sflag:s19], $0x4000  }
0x252: {  	[sflag:s19] =	ssyncset.done $0x0  }
0x253: {  	s28 =	rddreg [dreg:$0x10];
	[sflag:s19] =	ssyncadd.s32 $0xFFFFC000  }
0x254: {  	[hbm4b:s28+s20] =	stream.linear.scatter [tilespmem:s18], [sflag:$0x2], $0x4000, $0x38;
	[tilespmem:$0x1E428] =	vst v63  }
0x255: {  	_ =	swait.ge [sflag:s19], $0x4000  }
0x256: {  	[sflag:s19] =	ssyncset.done $0x0  }
0x257: {  	[sflag:s19] =	ssyncadd.s32 $0xFFFFC000  }
0x258: {  	[tilespmem:s18], [sflag:$0x2] =	stream.linear.gather [spmem:s11], $0x4000, $0x38;
	[tilespmem:$0x1E428] =	vst v63  }
0x259: {  	_ =	swait.ge [sflag:s19], $0x4000  }
0x25a: {  	[sflag:s19] =	ssyncset.done $0x0  }
0x25b: {  	[sflag:s19] =	ssyncadd.s32 $0xFFFFC000  }
0x25c: {  	[hbm4b:s31+s20] =	stream.linear.scatter [tilespmem:s18], [sflag:$0x2], $0x4000, $0x38;
	[tilespmem:$0x1E428] =	vst v63  }
0x25d: {  	_ =	swait.ge [sflag:s19], $0x4000  }
0x25e: {  	[sflag:s19] =	ssyncset.done $0x0  }
0x25f: {  	[sflag:s19] =	ssyncadd.s32 $0xFFFFC000  }
0x260: {  	[tilespmem:s18], [sflag:$0x2] =	stream.linear.gather [spmem:s12], $0x4000, $0x38;
	[tilespmem:$0x1E428] =	vst v63  }
0x261: {  	_ =	swait.ge [sflag:s19], $0x4000  }
0x262: {  	[sflag:s19] =	ssyncset.done $0x0  }
0x263: {  	[sflag:s19] =	ssyncadd.s32 $0xFFFFC000  }
0x264: {  	[hbm4b:s0+s20] =	stream.linear.scatter [tilespmem:s18], [sflag:$0x2], $0x4000, $0x38;
	[tilespmem:$0x1E428] =	vst v63  }
0x265: {  	_ =	swait.ge [sflag:s19], $0x4000  }
0x266: {  	[sflag:s19] =	ssyncset.done $0x0  }
0x267: {  	[sflag:s19] =	ssyncadd.s32 $0xFFFFC000  }
0x268: {  	[tilespmem:s18], [sflag:$0x2] =	stream.linear.gather [spmem:s13], $0x1000, $0x38;
	[tilespmem:$0x1E428] =	vst v63  }
0x269: {  	_ =	swait.ge [sflag:s19], $0x1000  }
0x26a: {  	[sflag:s19] =	ssyncset.done $0x0  }
0x26b: {  	[sflag:s19] =	ssyncadd.s32 $0xFFFFF000  }
0x26c: {  	[hbm4b:s4+s20] =	stream.linear.scatter [tilespmem:s18], [sflag:$0x2], $0x1000, $0x38;
	[tilespmem:$0x1E428] =	vst v63  }
0x26d: {  	_ =	swait.ge [sflag:s19], $0x1000  }
0x26e: {  	[sflag:s19] =	ssyncset.done $0x0  }
0x26f: {  	[sflag:s19] =	ssyncadd.s32 $0xFFFFF000  }
0x270: {  	[tilespmem:s26], [sflag:$0x2] =	stream.linear.gather [spmem:s14], $0x320, $0x38;
	[tilespmem:$0x1E428] =	vst v63  }
0x271: {  	_ =	swait.ge [sflag:s19], $0x320  }
0x272: {  	[sflag:s19] =	ssyncset.done $0x0  }
0x273: {  	s28 =	rddreg [dreg:$0x6];
	[sflag:s19] =	ssyncadd.s32 $0xFFFFFCE0  }
0x274: {  	[hbm4b:s28+s20] =	stream.linear.scatter [tilespmem:s26], [sflag:$0x2], $0x320, $0x38;
	[tilespmem:$0x1E428] =	vst v63  }
0x275: {  	_ =	swait.ge [sflag:s19], $0x320  }
0x276: {  	[sflag:s19] =	ssyncset.done $0x0  }
0x277: {  	s20 =	simm.s32 $0x0;
	s28 =	simm.s32 $0x200;
	[sflag:s19] =	ssyncadd.s32 $0xFFFFFCE0  }
.LBB2_14:
0x278: {  	p0 =	sne.s32 s28, $0xFE00;
	[tilespmem:s20+$0x9F0] =	vst v5  }
0x279: {  	[tilespmem:s20+$0x980] =	vst v5  }
0x27a: {  	[tilespmem:s20+$0x990] =	vst v5  }
.Ltmp6:
0x27b: {  	[tilespmem:s20+$0x9A0] =	vst v5;
	(pc) =	sbr.rel @p0 .LBB2_14-.Ltmp6, $4  }
0x27c: {  	[tilespmem:s20+$0x9B0] =	vst v5  }
0x27d: {  	[tilespmem:s20+$0x9C0] =	vst v5  }
0x27e: {  	[tilespmem:s20+$0x9D0] =	vst v5  }
0x27f: {  	[tilespmem:s20+$0x9E0] =	vst v5;
	s20 =	sshra.s32 s28, $0x2;
	s28 =	sadd.s32 $0x200, s28  }
0x280: {  	[tilespmem:s20+$0x9F0] =	vst v5  }
0x281: {  	[tilespmem:s20+$0x980] =	vst v5;
	s6 =	sadd.s32 $0x1, s6;
	s28 =	rddreg [dreg:$0x8]  }
0x282: {  	[tilespmem:s20+$0x990] =	vst v5;
	p0 =	sne.s32 s6, s28  }
.Ltmp7:
0x283: {  	[tilespmem:s20+$0x9A0] =	vst v5;
	(pc) =	sbr.rel @p0 .LBB2_1-.Ltmp7, $4  }
0x284: {  	[tilespmem:s20+$0x9B0] =	vst v5  }
0x285: {  	[tilespmem:s20+$0x9C0] =	vst v5  }
0x286: {  	[tilespmem:s20+$0x9D0] =	vst v5  }
0x287: {  	[tilespmem:s20+$0x9E0] =	vst v5  }
0x288: {  	_ =	sfence.sel $0x180000  }
0x289: {  	[bflag:$0x0] =	sbarrier.arrive $0xFFFF  }
0x28a: {  	_ =	strace $0x90000047  }
0x28b: {  	s0 =	stileid.u32;
	[bflag:$0x2] =	sbarrier.arrive $0xFFFF  }
0x28c: {  	p0 =	sne.s32 s0, $0x0;
	s0 =	rddreg [dreg:$0x4]  }
0x28d: {  	s0 =	sadd.s32 @!p0 $0x100000, s0  }
0x28e: {  	[sflag:s0] =	ssyncadd.tile.s32 @!p0 $0x1;
	_ =	shalt  }
.Lfunc_end2:
_tile_overlayer_lowered:
.L_overlay_start_2:
0x28f: {  	(tag) =	ssettag $0x2  }
0x290: {  	s0 =	rddreg [dreg:$0x0];
	s2 =	stileid.u32  }
0x291: {  	s1 =	rddreg [dreg:$0x1];
	p0 =	sne.s32 s2, $0x0  }
0x292: {  	s3 =	rddreg [dreg:$0x2];
	[bflag:$0x3] =	sbarrier.arrive $0xFFFF;
	s2 =	simm.s32 @!p0 $0x1C02  }
0x293: {  	[timem:s3], [sflag:s2] =	dma.local @!p0 [hbm:s0], s1  }
0x294: {  	s0 =	simm.s32 @!p0 $0x2  }
0x295: {  	_ =	swait.ge @!p0 [sflag:s0], s1  }
0x296: {  	s1 =	ssub.s32 @!p0 $0x0, s1;
	[sflag:s0] =	ssyncset.done @!p0 $0x0  }
0x297: {  	[sflag:s0] =	ssyncadd.s32 @!p0 s1  }
0x298: {  	[bflag:$0x3] =	sbarrier.arrive $0xFFFF  }
0x299: {  	_ =	shalt  }

</sc_bundles>
